<compile_context>
chip_gen: v7x
topology: tpu7x:2x2x1
jax: 0.10.2.dev20260603
libtpu: 0.0.44.dev20260713+nightly
codegen_flags: <defaults>
</compile_context>

<pallas_src>
import functools

import jax
import jax.numpy as jnp
from jax import lax
from jax.experimental import pallas as pl
from jax.experimental.pallas import tpu as pltpu
from jax.experimental.pallas import tpu_sc as plsc

N = 100000
E = 1600000
NPAD = 100096
SLICE = NPAD // 16
CHA = 10000
CE = 400
BN = 2048

_MESH = plsc.VectorSubcoreMesh(core_axis_name="c", subcore_axis_name="s")



@functools.partial(
    pl.kernel,
    out_type=jax.ShapeDtypeStruct((2 * NPAD,), jnp.float32),
    mesh=_MESH,
    scratch_types=[
        pltpu.VMEM((CHA,), jnp.int32),
        pltpu.VMEM((CHA,), jnp.float32),
        pltpu.VMEM((SLICE,), jnp.float32),
        pltpu.VMEM_SHARED((NPAD,), jnp.float32),
    ],
)
def _deg_kernel(row_hbm, w_hbm, out_hbm, idx_v, val_v, zb_v, acc_sh):
    cid = lax.axis_index("c")
    sid = lax.axis_index("s")

    def zfill(i, carry):
        zb_v[pl.ds(i * 16, 16)] = jnp.zeros((16,), jnp.float32)
        return carry
    lax.fori_loop(0, SLICE // 16, zfill, 0)
    pltpu.sync_copy(zb_v, acc_sh.at[pl.ds(sid * SLICE, SLICE)])
    plsc.subcore_barrier()

    base = cid * (E // 2) + sid * (E // 32)

    def step(k, carry):
        off = base + k * CHA
        pltpu.sync_copy(row_hbm.at[pl.ds(off, CHA)], idx_v)
        pltpu.sync_copy(w_hbm.at[pl.ds(off, CHA)], val_v)
        pltpu.sync_copy(val_v, acc_sh.at[idx_v], add=True)
        return carry
    lax.fori_loop(0, (E // 32) // CHA, step, 0)
    plsc.subcore_barrier()

    for half in (0, 1):
        @pl.when(cid == half)
        def _dump(half=half):
            pltpu.sync_copy(acc_sh.at[pl.ds(sid * SLICE, SLICE)], zb_v)
            pltpu.sync_copy(
                zb_v, out_hbm.at[pl.ds(half * NPAD + sid * SLICE, SLICE)])



@functools.partial(
    pl.kernel,
    out_type=jax.ShapeDtypeStruct((2, NPAD, 16), jnp.float32),
    mesh=_MESH,
    scratch_types=[
        pltpu.VMEM((CE,), jnp.int32),
        pltpu.VMEM((CE,), jnp.int32),
        pltpu.VMEM((CE,), jnp.int32),
        pltpu.VMEM((CE,), jnp.int32),
        pltpu.VMEM((CE,), jnp.float32),
        pltpu.VMEM((CE,), jnp.float32),
        pltpu.VMEM((CE, 16), jnp.float32),
        pltpu.VMEM((CE, 16), jnp.float32),
        pltpu.VMEM((CE, 16), jnp.float32),
        pltpu.VMEM((CE, 16), jnp.float32),
        pltpu.VMEM_SHARED((NPAD, 16), jnp.float32),
        pltpu.SemaphoreType.DMA,
        pltpu.SemaphoreType.DMA,
        pltpu.SemaphoreType.DMA,
        pltpu.SemaphoreType.DMA,
    ],
    compiler_params=pltpu.CompilerParams(use_tc_tiling_on_sc=False),
)
def _msg_kernel(row_hbm, col_hbm, w_hbm, hl_hbm, hr_hbm, out_hbm,
                row0, row1, col0, col1, w0, w1,
                g0, g1, s0, s1, acc_sh, sem0, sem1, ssem0, ssem1):
    cid = lax.axis_index("c")
    sid = lax.axis_index("s")
    bufs = (
        (row0, col0, w0, g0, s0, sem0, ssem0),
        (row1, col1, w1, g1, s1, sem1, ssem1),
    )
    nstep = (E // 16) // CE

    def zfill(i, carry):
        s0[i, :] = jnp.zeros((16,), jnp.float32)
        return carry
    lax.fori_loop(0, 391, zfill, 0)

    def zcopy(i, carry):
        pltpu.sync_copy(s0.at[pl.ds(0, 391), :],
                        acc_sh.at[pl.ds(sid * SLICE + i * 391, 391), :])
        return carry
    lax.fori_loop(0, 16, zcopy, 0)
    plsc.subcore_barrier()

    base = sid * (E // 16)
    for half in (0, 1):
        tab = hl_hbm if half == 0 else hr_hbm

        @pl.when(cid == half)
        def _run(tab=tab):
            for b in (0, 1):
                rv, cv, wv, gb, sb, sm, ss = bufs[b]
                off = pl.multiple_of(base + b * CE, 8)
                pltpu.sync_copy(row_hbm.at[pl.ds(off, CE)], rv)
                pltpu.sync_copy(w_hbm.at[pl.ds(off, CE)], wv)
                pltpu.async_copy(tab.at[rv], gb, sm)

            def step(k2, carry):
                for b in (0, 1):
                    rv, cv, wv, gb, sb, sm, ss = bufs[b]
                    k = k2 * 2 + b
                    pltpu.make_async_copy(tab.at[rv], gb, sm).wait()

                    @pl.when(k2 > 0)
                    def _drain(cv=cv, sb=sb, ss=ss):
                        pltpu.make_async_copy(
                            sb, acc_sh.at[cv], ss).wait()

                    def scale(g, c2, wv=wv, gb=gb, sb=sb):
                        eb = pl.multiple_of(g * 16, 16)
                        w16 = wv[pl.ds(eb, 16)]
                        for j in range(16):
                            r = eb + j
                            sb[r, :] = gb[r, :] * w16[j]
                        return c2
                    lax.fori_loop(0, CE // 16, scale, 0)
                    off = pl.multiple_of(base + k * CE, 8)
                    pltpu.sync_copy(col_hbm.at[pl.ds(off, CE)], cv)
                    pltpu.async_copy(sb, acc_sh.at[cv], ss, add=True)

                    @pl.when(k2 < nstep // 2 - 1)
                    def _pref(rv=rv, wv=wv, gb=gb, sm=sm, k=k):
                        off2 = pl.multiple_of(base + (k + 2) * CE, 8)
                        pltpu.sync_copy(row_hbm.at[pl.ds(off2, CE)], rv)
                        pltpu.sync_copy(w_hbm.at[pl.ds(off2, CE)], wv)
                        pltpu.async_copy(tab.at[rv], gb, sm)
                return carry
            lax.fori_loop(0, nstep // 2, step, 0)

            for b in (0, 1):
                rv, cv, wv, gb, sb, sm, ss = bufs[b]
                pltpu.make_async_copy(sb, acc_sh.at[cv], ss).wait()

    plsc.subcore_barrier()
    for half in (0, 1):
        @pl.when(cid == half)
        def _dump(half=half):
            def dump(i, carry):
                r = sid * SLICE + i * 391
                pltpu.sync_copy(acc_sh.at[pl.ds(r, 391), :],
                                s0.at[pl.ds(0, 391), :])
                pltpu.sync_copy(s0.at[pl.ds(0, 391), :],
                                out_hbm.at[half, pl.ds(r, 391), :])
                return carry
            lax.fori_loop(0, 16, dump, 0)



def _prep_body(degt_ref, h_ref, dis_ref, hl_ref, hr_ref):
    deg = jnp.sum(degt_ref[...], axis=1, keepdims=True)
    dis = jnp.where(deg > 0, lax.rsqrt(deg), 0.0)
    dis_ref[...] = dis.T
    hh = h_ref[...] * dis
    hl_ref[...] = hh[:, 0:16]
    hr_ref[...] = hh[:, 16:32]


def _prep(degt, h):
    return pl.pallas_call(
        _prep_body,
        grid=((N + BN - 1) // BN,),
        in_specs=[
            pl.BlockSpec((BN, 2), lambda i: (i, 0)),
            pl.BlockSpec((BN, 32), lambda i: (i, 0)),
        ],
        out_specs=[
            pl.BlockSpec((1, BN), lambda i: (0, i)),
            pl.BlockSpec((BN, 16), lambda i: (i, 0)),
            pl.BlockSpec((BN, 16), lambda i: (i, 0)),
        ],
        out_shape=[
            jax.ShapeDtypeStruct((1, N), jnp.float32),
            jax.ShapeDtypeStruct((N, 16), jnp.float32),
            jax.ShapeDtypeStruct((N, 16), jnp.float32),
        ],
    )(degt, h)



def _gates_body(x_ref, h_ref, c_ref, al_ref, ar_ref, dis_ref,
                wx_ref, w0_ref, w1l_ref, w1r_ref, bias_ref,
                wci_ref, wcf_ref, wco_ref, lw_ref, lb_ref,
                y_ref, hn_ref, cn_ref):
    f32 = jnp.float32
    m = jnp.dot(al_ref[...], w1l_ref[...], preferred_element_type=f32)
    m = m + jnp.dot(ar_ref[...], w1r_ref[...], preferred_element_type=f32)
    g = (jnp.dot(x_ref[...], wx_ref[...], preferred_element_type=f32)
         + jnp.dot(h_ref[...], w0_ref[...], preferred_element_type=f32)
         + m * (-dis_ref[...].T)
         + bias_ref[...])
    c = c_ref[...]
    gi = jax.nn.sigmoid(g[:, 0:32] + wci_ref[...] * c)
    gf = jax.nn.sigmoid(g[:, 32:64] + wcf_ref[...] * c)
    gt = jnp.tanh(g[:, 64:96])
    cn = gf * c + gi * gt
    go = jax.nn.sigmoid(g[:, 96:128] + wco_ref[...] * cn)
    hn = go * jnp.tanh(cn)
    y_ref[...] = (jnp.dot(jax.nn.relu(hn), lw_ref[...],
                          preferred_element_type=f32) + lb_ref[...])
    hn_ref[...] = hn
    cn_ref[...] = cn


def _gates(x, h, c, al, ar, dis, wx, w0, w1l, w1r, bias, wci, wcf, wco, lw, lb):
    full = lambda s: pl.BlockSpec(s, lambda i: tuple(0 for _ in s))
    row = lambda s: pl.BlockSpec(s, lambda i: (i,) + tuple(0 for _ in s[1:]))
    return pl.pallas_call(
        _gates_body,
        grid=((N + BN - 1) // BN,),
        in_specs=[
            row((BN, 8)), row((BN, 32)), row((BN, 32)),
            row((BN, 16)), row((BN, 16)),
            pl.BlockSpec((1, BN), lambda i: (0, i)),
            full((8, 128)), full((32, 128)), full((16, 128)), full((16, 128)),
            full((1, 128)), full((1, 32)), full((1, 32)), full((1, 32)),
            full((32, 1)), full((1, 1)),
        ],
        out_specs=[row((BN, 1)), row((BN, 32)), row((BN, 32))],
        out_shape=[
            jax.ShapeDtypeStruct((N, 1), jnp.float32),
            jax.ShapeDtypeStruct((N, 32), jnp.float32),
            jax.ShapeDtypeStruct((N, 32), jnp.float32),
        ],
    )(x, h, c, al, ar, dis, wx, w0, w1l, w1r, bias, wci, wcf, wco, lw, lb)



def kernel(x, edge_index, edge_weight, h, c, params):
    row = edge_index[0]
    col = edge_index[1]

    deg_p = _deg_kernel(row, edge_weight).reshape(2, NPAD)
    degt = jnp.transpose(deg_p)[:N]

    dis, hl, hr = _prep(degt, h)

    acc = _msg_kernel(row, col, edge_weight, hl, hr)
    al = acc[0, :N]
    ar = acc[1, :N]

    p = params
    cat = lambda key: jnp.concatenate(
        [p[key % g] for g in ("i", "f", "c", "o")], axis=1)
    wx = cat("W_%s")
    w0 = jnp.concatenate([p["conv_%s_w" % g][0] for g in "ifco"], axis=1)
    w1 = jnp.concatenate([p["conv_%s_w" % g][1] for g in "ifco"], axis=1)
    bias = jnp.concatenate(
        [(p["conv_%s_b" % g][None, :] + p["b_%s" % g]) for g in "ifco"], axis=1)

    y, hn, cn = _gates(
        x, h, c, al, ar, dis,
        wx, w0, w1[:16], w1[16:], bias,
        p["w_c_i"], p["w_c_f"], p["w_c_o"],
        p["lin_w"], p["lin_b"][None, :],
    )
    return (y, hn, cn)

# --- scband reference (transcript-rebuilt; emitter-appended) ---
"""Pipeline reference for scband-gclstm-recurrent-gcn-16192026706535 (READ-ONLY COPY).

The authoritative reference and input builder live on the scoring server;
editing this copy changes nothing except your own understanding.
"""

import jax, jax.numpy as jnp
import numpy as np

N = 100000
E = 1600000
IN_CH = 8
OUT_CH = 32
K = 2


def _make_params(key):
    ks = jax.random.split(key, 24)
    def g(k, shape, scale=0.1):
        return jax.random.normal(k, shape, dtype=jnp.float32) * scale
    p = {}
    i = 0
    for gname in ['i', 'f', 'c', 'o']:
        p['W_' + gname] = g(ks[i], (IN_CH, OUT_CH)); i += 1
        p['conv_' + gname + '_w'] = g(ks[i], (K, OUT_CH, OUT_CH)); i += 1
        p['conv_' + gname + '_b'] = g(ks[i], (OUT_CH,)); i += 1
        p['b_' + gname] = g(ks[i], (1, OUT_CH)); i += 1
    for gname in ['i', 'f', 'o']:
        p['w_c_' + gname] = g(ks[i], (1, OUT_CH)); i += 1
    p['lin_w'] = g(ks[i], (OUT_CH, 1)); i += 1
    p['lin_b'] = g(ks[i + 1], (1,))
    return p


def setup_inputs(seed: int = 0):
    key = jax.random.key(seed)
    ks = jax.random.split(key, 8)
    x = jax.random.normal(ks[0], (N, IN_CH), dtype=jnp.float32)
    edge_index = jax.random.randint(ks[1], (2, E), 0, N, dtype=jnp.int32)
    edge_weight = jax.random.uniform(ks[2], (E,), dtype=jnp.float32)
    h = jax.random.normal(ks[3], (N, OUT_CH), dtype=jnp.float32)
    c = jax.random.normal(ks[4], (N, OUT_CH), dtype=jnp.float32)
    params = _make_params(ks[5])
    return {'x': x, 'edge_index': edge_index, 'edge_weight': edge_weight, 'h': h, 'c': c, 'params': params}


def _gclstm(x, edge_weight, h, c, p, edge_index):
    n = x.shape[0]
    row, col = edge_index[0], edge_index[1]
    # ChebConv sym normalization with lambda_max = 2.0:
    # L_hat = (2/lambda_max) * (I - D^-1/2 A D^-1/2) - I = -D^-1/2 A D^-1/2 (zero diagonal)
    deg = jnp.zeros((n,), dtype=x.dtype).at[row].add(edge_weight)
    dis = jnp.where(deg > 0, deg ** -0.5, 0.0)
    norm_w = -dis[row] * edge_weight * dis[col]

    def cheb(hh, Ws, b):
        out = hh @ Ws[0]
        Tx1 = jnp.zeros_like(hh).at[col].add(norm_w[:, None] * hh[row])
        out = out + Tx1 @ Ws[1]
        Txm2, Txm1 = hh, Tx1
        for k in range(2, K):
            Txk = 2.0 * jnp.zeros_like(hh).at[col].add(norm_w[:, None] * Txm1[row]) - Txm2
            out = out + Txk @ Ws[k]
            Txm2, Txm1 = Txm1, Txk
        return out + b

    I = jax.nn.sigmoid(x @ p['W_i'] + cheb(h, p['conv_i_w'], p['conv_i_b']) + p['w_c_i'] * c + p['b_i'])
    F = jax.nn.sigmoid(x @ p['W_f'] + cheb(h, p['conv_f_w'], p['conv_f_b']) + p['w_c_f'] * c + p['b_f'])
    T = jnp.tanh(x @ p['W_c'] + cheb(h, p['conv_c_w'], p['conv_c_b']) + p['b_c'])
    C = F * c + I * T
    O = jax.nn.sigmoid(x @ p['W_o'] + cheb(h, p['conv_o_w'], p['conv_o_b']) + p['w_c_o'] * C + p['b_o'])
    H = O * jnp.tanh(C)
    y = jax.nn.relu(H) @ p['lin_w'] + p['lin_b']
    return (y, H, C)


def reference(x, edge_index, edge_weight, h, c, params):
    return _gclstm(x, edge_weight, h, c, params, edge_index)

if __name__ == "__main__":
    import jax
    _d = setup_inputs()
    print(jax.jit(kernel)(*tuple(_d.values())))

</pallas_src>

<mosaic_0001>
#map = affine_map<(d0, d1) -> (0)>
#map1 = affine_map<(d0, d1) -> (0, 0)>
#map2 = affine_map<(d0, d1) -> (0, 0, 0)>
module attributes {stable_mosaic.version = 14 : i64} {
  func.func @_msg_kernel(%arg0: i32, %arg1: i32, %arg2: memref<1600000xi32, #tpu.memory_space<hbm>>, %arg3: memref<1600000xi32, #tpu.memory_space<hbm>>, %arg4: memref<1600000xf32, #tpu.memory_space<hbm>>, %arg5: memref<100000x16xf32, #tpu.memory_space<hbm>>, %arg6: memref<100000x16xf32, #tpu.memory_space<hbm>>, %arg7: memref<2x100096x16xf32, #tpu.memory_space<hbm>>, %arg8: memref<400xi32, #tpu.memory_space<vmem>>, %arg9: memref<400xi32, #tpu.memory_space<vmem>>, %arg10: memref<400xi32, #tpu.memory_space<vmem>>, %arg11: memref<400xi32, #tpu.memory_space<vmem>>, %arg12: memref<400xf32, #tpu.memory_space<vmem>>, %arg13: memref<400xf32, #tpu.memory_space<vmem>>, %arg14: memref<400x16xf32, #tpu.memory_space<vmem>>, %arg15: memref<400x16xf32, #tpu.memory_space<vmem>>, %arg16: memref<400x16xf32, #tpu.memory_space<vmem>>, %arg17: memref<400x16xf32, #tpu.memory_space<vmem>>, %arg18: memref<100096x16xf32, #tpu.memory_space<vmem_shared>>, %arg19: memref<!tpu.dma_semaphore, #tpu.memory_space<semaphore_mem>>, %arg20: memref<!tpu.dma_semaphore, #tpu.memory_space<semaphore_mem>>, %arg21: memref<!tpu.dma_semaphore, #tpu.memory_space<semaphore_mem>>, %arg22: memref<!tpu.dma_semaphore, #tpu.memory_space<semaphore_mem>>) attributes {dimension_semantics = [#tpu.dimension_semantics<core_parallel>, #tpu.dimension_semantics<subcore_parallel>], iteration_bounds = array<i64: 2, 16>, scalar_prefetch = 0 : i64, scratch_operands = 15 : i64, tpu.core_type = #tpu.core_type<sc_vector_subcore>, window_params = [{transform_indices = #map}, {transform_indices = #map}, {transform_indices = #map}, {transform_indices = #map1}, {transform_indices = #map1}, {transform_indices = #map2}]} {
    %scan3A = arith.constant 0 : i32
    %scan3A_0 = arith.constant 0 : i32
    %scan3A_1 = arith.constant 391 : i32
    %scan3A_2 = arith.addi %scan3A_0, %scan3A_1 : i32
    %scan3A_3 = arith.constant 1 : i32
    scf.for %scan3A_30 = %scan3A_0 to %scan3A_2 step %scan3A_3  : i32 {
      %broadcast_in_dim3A = arith.constant 0.000000e+00 : f32
      %broadcast_in_dim3A_31 = vector.broadcast %broadcast_in_dim3A : f32 to vector<16xf32>
      %swap3A = arith.index_cast %scan3A_30 : i32 to index
      %swap3A_32 = arith.constant 0 : index
      %swap3A_33 = tpu.vector_load %arg16[%swap3A, %swap3A_32] {strides = array<i32>} : memref<400x16xf32, #tpu.memory_space<vmem>>, vector<1x16xf32>,
      %swap3A_34 = vector.shape_cast %swap3A_33 : vector<1x16xf32> to vector<16xf32>
      %swap3A_35 = vector.shape_cast %broadcast_in_dim3A_31 : vector<16xf32> to vector<1x16xf32>
      tpu.vector_store %arg16[%swap3A, %swap3A_32], %swap3A_35 {strides = array<i32>} : memref<400x16xf32, #tpu.memory_space<vmem>>, vector<1x16xf32>,
    }
    %scan3A_4 = arith.constant 391 : i32
    %scan3A_5 = arith.constant 0 : i32
    %scan3A_6 = arith.constant 0 : i32
    %scan3A_7 = arith.constant 16 : i32
    %scan3A_8 = arith.addi %scan3A_6, %scan3A_7 : i32
    %scan3A_9 = arith.constant 1 : i32
    scf.for %scan3A_30 = %scan3A_6 to %scan3A_8 step %scan3A_9  : i32 {
      %mul3A_31 = arith.constant 6256 : i32
      %mul3A_32 = arith.muli %arg1, %mul3A_31 : i32
      %mul3A_33 = arith.constant 391 : i32
      %mul3A_34 = arith.muli %scan3A_30, %mul3A_33 : i32
      %add3A = arith.addi %mul3A_32, %mul3A_34 : i32
      "tpu.region"() ({
        %run_scoped3A = tpu.sem_alloc : memref<!tpu.dma_semaphore, #tpu.memory_space<semaphore_mem>>
        %dma_start3A = arith.constant 0 : i32
        %dma_start3A_35 = arith.constant 0 : i32
        %dma_start3A_36 = tpu.memref_slice %arg16[%dma_start3A, %dma_start3A_35] : memref<400x16xf32, #tpu.memory_space<vmem>> -> memref<391x16xf32, #tpu.memory_space<vmem>>
        %dma_start3A_37 = arith.constant 0 : i32
        %dma_start3A_38 = tpu.memref_slice %arg18[%add3A, %dma_start3A_37] : memref<100096x16xf32, #tpu.memory_space<vmem_shared>> -> memref<391x16xf32, #tpu.memory_space<vmem_shared>>
        %dma_start3A_39 = arith.constant 0 : i32
        %dma_start3A_40 = tpu.memref_slice %arg18[%add3A, %dma_start3A_39] : memref<100096x16xf32, #tpu.memory_space<vmem_shared>> -> memref<391x16xf32, #tpu.memory_space<vmem_shared>>
        %dma_start3A_41 = arith.constant 0 : i32
        %dma_start3A_42 = arith.constant 0 : i32
        %dma_start3A_43 = tpu.memref_slice %arg16[%dma_start3A_41, %dma_start3A_42] : memref<400x16xf32, #tpu.memory_space<vmem>> -> memref<391x16xf32, #tpu.memory_space<vmem>>
        tpu.enqueue_dma source(%dma_start3A_43 : memref<391x16xf32, #tpu.memory_space<vmem>>) target(%dma_start3A_40 : memref<391x16xf32, #tpu.memory_space<vmem_shared>>) target_semaphore(%run_scoped3A : memref<!tpu.dma_semaphore, #tpu.memory_space<semaphore_mem>>)
        %dma_wait3A = arith.constant 0 : i32
        %dma_wait3A_44 = arith.constant 0 : i32
        %dma_wait3A_45 = tpu.memref_slice %arg16[%dma_wait3A, %dma_wait3A_44] : memref<400x16xf32, #tpu.memory_space<vmem>> -> memref<391x16xf32, #tpu.memory_space<vmem>>
        %dma_wait3A_46 = arith.constant 0 : i32
        %dma_wait3A_47 = tpu.memref_slice %arg18[%add3A, %dma_wait3A_46] : memref<100096x16xf32, #tpu.memory_space<vmem_shared>> -> memref<391x16xf32, #tpu.memory_space<vmem_shared>>
        %dma_wait3A_48 = arith.constant 0 : i32
        %dma_wait3A_49 = tpu.memref_slice %arg18[%add3A, %dma_wait3A_48] : memref<100096x16xf32, #tpu.memory_space<vmem_shared>> -> memref<391x16xf32, #tpu.memory_space<vmem_shared>>
        %dma_wait3A_50 = arith.constant 0 : i32
        %dma_wait3A_51 = arith.constant 0 : i32
        %dma_wait3A_52 = tpu.memref_slice %arg16[%dma_wait3A_50, %dma_wait3A_51] : memref<400x16xf32, #tpu.memory_space<vmem>> -> memref<391x16xf32, #tpu.memory_space<vmem>>
        tpu.wait_dma2 semaphore(%run_scoped3A : memref<!tpu.dma_semaphore, #tpu.memory_space<semaphore_mem>>) src(%dma_wait3A_52 : memref<391x16xf32, #tpu.memory_space<vmem>>) dst(%dma_wait3A_49 : memref<391x16xf32, #tpu.memory_space<vmem_shared>>)
        tpu.yield
      }) : () -> ()
    }
    %scan3A_10 = arith.constant 16 : i32
    %barrier3A = arith.constant 0 : index
    tpu.barrier barrier_id(%barrier3A)
    %mul3A = arith.constant 100000 : i32
    %mul3A_11 = arith.muli %arg1, %mul3A : i32
    %eq3A = arith.constant 0 : i32
    %eq3A_12 = arith.cmpi eq, %arg0, %eq3A : i32
    %convert_element_type3A = arith.extui %eq3A_12 : i1 to i32
    %cond3A = arith.constant 0 : i32
    %cond3A_13 = arith.cmpi ne, %convert_element_type3A, %cond3A : i32
    scf.if %cond3A_13 {
      %add3A = arith.constant 0 : i32
      %add3A_30 = arith.addi %mul3A_11, %add3A : i32
      %multiple_of3A = tpu.assume_multiple %add3A_30, 8 : i32
      "tpu.region"() ({
        %run_scoped3A = tpu.sem_alloc : memref<!tpu.dma_semaphore, #tpu.memory_space<semaphore_mem>>
        %dma_start3A_50 = tpu.memref_slice %arg2[%multiple_of3A] : memref<1600000xi32, #tpu.memory_space<hbm>> -> memref<400xi32, #tpu.memory_space<hbm>>
        %dma_start3A_51 = tpu.memref_slice %arg2[%multiple_of3A] : memref<1600000xi32, #tpu.memory_space<hbm>> -> memref<400xi32, #tpu.memory_space<hbm>>
        tpu.enqueue_dma source(%dma_start3A_51 : memref<400xi32, #tpu.memory_space<hbm>>) target(%arg8 : memref<400xi32, #tpu.memory_space<vmem>>) target_semaphore(%run_scoped3A : memref<!tpu.dma_semaphore, #tpu.memory_space<semaphore_mem>>)
        %dma_wait3A_52 = tpu.memref_slice %arg2[%multiple_of3A] : memref<1600000xi32, #tpu.memory_space<hbm>> -> memref<400xi32, #tpu.memory_space<hbm>>
        %dma_wait3A_53 = tpu.memref_slice %arg2[%multiple_of3A] : memref<1600000xi32, #tpu.memory_space<hbm>> -> memref<400xi32, #tpu.memory_space<hbm>>
        tpu.wait_dma2 semaphore(%run_scoped3A : memref<!tpu.dma_semaphore, #tpu.memory_space<semaphore_mem>>) src(%dma_wait3A_53 : memref<400xi32, #tpu.memory_space<hbm>>) dst(%arg8 : memref<400xi32, #tpu.memory_space<vmem>>)
        tpu.yield
      }) : () -> ()
      "tpu.region"() ({
        %run_scoped3A = tpu.sem_alloc : memref<!tpu.dma_semaphore, #tpu.memory_space<semaphore_mem>>
        %dma_start3A_50 = tpu.memref_slice %arg4[%multiple_of3A] : memref<1600000xf32, #tpu.memory_space<hbm>> -> memref<400xf32, #tpu.memory_space<hbm>>
        %dma_start3A_51 = tpu.memref_slice %arg4[%multiple_of3A] : memref<1600000xf32, #tpu.memory_space<hbm>> -> memref<400xf32, #tpu.memory_space<hbm>>
        tpu.enqueue_dma source(%dma_start3A_51 : memref<400xf32, #tpu.memory_space<hbm>>) target(%arg12 : memref<400xf32, #tpu.memory_space<vmem>>) target_semaphore(%run_scoped3A : memref<!tpu.dma_semaphore, #tpu.memory_space<semaphore_mem>>)
        %dma_wait3A_52 = tpu.memref_slice %arg4[%multiple_of3A] : memref<1600000xf32, #tpu.memory_space<hbm>> -> memref<400xf32, #tpu.memory_space<hbm>>
        %dma_wait3A_53 = tpu.memref_slice %arg4[%multiple_of3A] : memref<1600000xf32, #tpu.memory_space<hbm>> -> memref<400xf32, #tpu.memory_space<hbm>>
        tpu.wait_dma2 semaphore(%run_scoped3A : memref<!tpu.dma_semaphore, #tpu.memory_space<semaphore_mem>>) src(%dma_wait3A_53 : memref<400xf32, #tpu.memory_space<hbm>>) dst(%arg12 : memref<400xf32, #tpu.memory_space<vmem>>)
        tpu.yield
      }) : () -> ()
      %dma_start3A = arith.constant 0 : i32
      %dma_start3A_31 = arith.constant 0 : i32
      %dma_start3A_32 = tpu.memref_slice %arg5[%dma_start3A, %dma_start3A_31] : memref<100000x16xf32, #tpu.memory_space<hbm>> -> memref<100000x16xf32, #tpu.memory_space<hbm>>
      tpu.enqueue_indirect_dma source(%dma_start3A_32 : memref<100000x16xf32, #tpu.memory_space<hbm>>) target(%arg14 : memref<400x16xf32, #tpu.memory_space<vmem>>) offsets(%arg8 : memref<400xi32, #tpu.memory_space<vmem>>) semaphore(%arg19 : memref<!tpu.dma_semaphore, #tpu.memory_space<semaphore_mem>>)
      %add3A_33 = arith.constant 400 : i32
      %add3A_34 = arith.addi %mul3A_11, %add3A_33 : i32
      %multiple_of3A_35 = tpu.assume_multiple %add3A_34, 8 : i32
      "tpu.region"() ({
        %run_scoped3A = tpu.sem_alloc : memref<!tpu.dma_semaphore, #tpu.memory_space<semaphore_mem>>
        %dma_start3A_50 = tpu.memref_slice %arg2[%multiple_of3A_35] : memref<1600000xi32, #tpu.memory_space<hbm>> -> memref<400xi32, #tpu.memory_space<hbm>>
        %dma_start3A_51 = tpu.memref_slice %arg2[%multiple_of3A_35] : memref<1600000xi32, #tpu.memory_space<hbm>> -> memref<400xi32, #tpu.memory_space<hbm>>
        tpu.enqueue_dma source(%dma_start3A_51 : memref<400xi32, #tpu.memory_space<hbm>>) target(%arg9 : memref<400xi32, #tpu.memory_space<vmem>>) target_semaphore(%run_scoped3A : memref<!tpu.dma_semaphore, #tpu.memory_space<semaphore_mem>>)
        %dma_wait3A_52 = tpu.memref_slice %arg2[%multiple_of3A_35] : memref<1600000xi32, #tpu.memory_space<hbm>> -> memref<400xi32, #tpu.memory_space<hbm>>
        %dma_wait3A_53 = tpu.memref_slice %arg2[%multiple_of3A_35] : memref<1600000xi32, #tpu.memory_space<hbm>> -> memref<400xi32, #tpu.memory_space<hbm>>
        tpu.wait_dma2 semaphore(%run_scoped3A : memref<!tpu.dma_semaphore, #tpu.memory_space<semaphore_mem>>) src(%dma_wait3A_53 : memref<400xi32, #tpu.memory_space<hbm>>) dst(%arg9 : memref<400xi32, #tpu.memory_space<vmem>>)
        tpu.yield
      }) : () -> ()
      "tpu.region"() ({
        %run_scoped3A = tpu.sem_alloc : memref<!tpu.dma_semaphore, #tpu.memory_space<semaphore_mem>>
        %dma_start3A_50 = tpu.memref_slice %arg4[%multiple_of3A_35] : memref<1600000xf32, #tpu.memory_space<hbm>> -> memref<400xf32, #tpu.memory_space<hbm>>
        %dma_start3A_51 = tpu.memref_slice %arg4[%multiple_of3A_35] : memref<1600000xf32, #tpu.memory_space<hbm>> -> memref<400xf32, #tpu.memory_space<hbm>>
        tpu.enqueue_dma source(%dma_start3A_51 : memref<400xf32, #tpu.memory_space<hbm>>) target(%arg13 : memref<400xf32, #tpu.memory_space<vmem>>) target_semaphore(%run_scoped3A : memref<!tpu.dma_semaphore, #tpu.memory_space<semaphore_mem>>)
        %dma_wait3A_52 = tpu.memref_slice %arg4[%multiple_of3A_35] : memref<1600000xf32, #tpu.memory_space<hbm>> -> memref<400xf32, #tpu.memory_space<hbm>>
        %dma_wait3A_53 = tpu.memref_slice %arg4[%multiple_of3A_35] : memref<1600000xf32, #tpu.memory_space<hbm>> -> memref<400xf32, #tpu.memory_space<hbm>>
        tpu.wait_dma2 semaphore(%run_scoped3A : memref<!tpu.dma_semaphore, #tpu.memory_space<semaphore_mem>>) src(%dma_wait3A_53 : memref<400xf32, #tpu.memory_space<hbm>>) dst(%arg13 : memref<400xf32, #tpu.memory_space<vmem>>)
        tpu.yield
      }) : () -> ()
      %dma_start3A_36 = arith.constant 0 : i32
      %dma_start3A_37 = arith.constant 0 : i32
      %dma_start3A_38 = tpu.memref_slice %arg5[%dma_start3A_36, %dma_start3A_37] : memref<100000x16xf32, #tpu.memory_space<hbm>> -> memref<100000x16xf32, #tpu.memory_space<hbm>>
      tpu.enqueue_indirect_dma source(%dma_start3A_38 : memref<100000x16xf32, #tpu.memory_space<hbm>>) target(%arg15 : memref<400x16xf32, #tpu.memory_space<vmem>>) offsets(%arg9 : memref<400xi32, #tpu.memory_space<vmem>>) semaphore(%arg20 : memref<!tpu.dma_semaphore, #tpu.memory_space<semaphore_mem>>)
      %scan3A_39 = arith.constant 0 : i32
      %scan3A_40 = arith.constant 0 : i32
      %scan3A_41 = arith.constant 125 : i32
      %scan3A_42 = arith.addi %scan3A_40, %scan3A_41 : i32
      %scan3A_43 = arith.constant 1 : i32
      scf.for %scan3A_50 = %scan3A_40 to %scan3A_42 step %scan3A_43  : i32 {
        %mul3A_51 = arith.constant 2 : i32
        %mul3A_52 = arith.muli %scan3A_50, %mul3A_51 : i32
        %add3A_53 = arith.constant 0 : i32
        %add3A_54 = arith.addi %mul3A_52, %add3A_53 : i32
        %dma_wait3A_55 = arith.constant 0 : i32
        %dma_wait3A_56 = arith.constant 0 : i32
        %dma_wait3A_57 = tpu.memref_slice %arg5[%dma_wait3A_55, %dma_wait3A_56] : memref<100000x16xf32, #tpu.memory_space<hbm>> -> memref<100000x16xf32, #tpu.memory_space<hbm>>
        tpu.wait_indirect_dma semaphore(%arg19 : memref<!tpu.dma_semaphore, #tpu.memory_space<semaphore_mem>>) src(%dma_wait3A_57 : memref<100000x16xf32, #tpu.memory_space<hbm>>) dst(%arg14 : memref<400x16xf32, #tpu.memory_space<vmem>>)
        %gt3A = arith.constant 0 : i32
        %gt3A_58 = arith.cmpi sgt, %scan3A_50, %gt3A : i32
        %convert_element_type3A_59 = arith.extui %gt3A_58 : i1 to i32
        %cond3A_60 = arith.constant 0 : i32
        %cond3A_61 = arith.cmpi ne, %convert_element_type3A_59, %cond3A_60 : i32
        scf.if %cond3A_61 {
          %dma_wait3A_109 = arith.constant 0 : i32
          %dma_wait3A_110 = arith.constant 0 : i32
          %dma_wait3A_111 = tpu.memref_slice %arg18[%dma_wait3A_109, %dma_wait3A_110] : memref<100096x16xf32, #tpu.memory_space<vmem_shared>> -> memref<100096x16xf32, #tpu.memory_space<vmem_shared>>
          tpu.wait_indirect_dma semaphore(%arg21 : memref<!tpu.dma_semaphore, #tpu.memory_space<semaphore_mem>>) src(%arg16 : memref<400x16xf32, #tpu.memory_space<vmem>>) dst(%dma_wait3A_111 : memref<100096x16xf32, #tpu.memory_space<vmem_shared>>)
        } else {
        }
        %scan3A_62 = arith.constant 0 : i32
        %scan3A_63 = arith.constant 0 : i32
        %scan3A_64 = arith.constant 25 : i32
        %scan3A_65 = arith.addi %scan3A_63, %scan3A_64 : i32
        %scan3A_66 = arith.constant 1 : i32
        scf.for %scan3A_109 = %scan3A_63 to %scan3A_65 step %scan3A_66  : i32 {
          %mul3A_110 = arith.constant 16 : i32
          %mul3A_111 = arith.muli %scan3A_109, %mul3A_110 : i32
          %multiple_of3A_112 = tpu.assume_multiple %mul3A_111, 16 : i32
          %get3A = arith.index_cast %multiple_of3A_112 : i32 to index
          %get3A_113 = tpu.vector_load %arg12[%get3A] {strides = array<i32>} : memref<400xf32, #tpu.memory_space<vmem>>, vector<16xf32>,
          %get3A_114 = vector.shape_cast %get3A_113 : vector<16xf32> to vector<16xf32>
          %add3A_115 = arith.constant 0 : i32
          %add3A_116 = arith.addi %multiple_of3A_112, %add3A_115 : i32
          %get3A_117 = arith.index_cast %add3A_116 : i32 to index
          %get3A_118 = arith.constant 0 : index
          %get3A_119 = tpu.vector_load %arg14[%get3A_117, %get3A_118] {strides = array<i32>} : memref<400x16xf32, #tpu.memory_space<vmem>>, vector<1x16xf32>,
          %get3A_120 = vector.shape_cast %get3A_119 : vector<1x16xf32> to vector<16xf32>
          %slice3A = vector.extract_strided_slice %get3A_114 {offsets = [0], sizes = [1], strides = [1]} : vector<16xf32> to vector<1xf32>
          %squeeze3A = vector.extract %slice3A[0] : f32 from vector<1xf32>
          %mul3A_121 = vector.broadcast %squeeze3A : f32 to vector<16xf32>
          %mul3A_122 = arith.mulf %get3A_120, %mul3A_121 : vector<16xf32>
          %swap3A = arith.index_cast %add3A_116 : i32 to index
          %swap3A_123 = arith.constant 0 : index
          %swap3A_124 = tpu.vector_load %arg16[%swap3A, %swap3A_123] {strides = array<i32>} : memref<400x16xf32, #tpu.memory_space<vmem>>, vector<1x16xf32>,
          %swap3A_125 = vector.shape_cast %swap3A_124 : vector<1x16xf32> to vector<16xf32>
          %swap3A_126 = vector.shape_cast %mul3A_122 : vector<16xf32> to vector<1x16xf32>
          tpu.vector_store %arg16[%swap3A, %swap3A_123], %swap3A_126 {strides = array<i32>} : memref<400x16xf32, #tpu.memory_space<vmem>>, vector<1x16xf32>,
          %add3A_127 = arith.constant 1 : i32
          %add3A_128 = arith.addi %multiple_of3A_112, %add3A_127 : i32
          %get3A_129 = arith.index_cast %add3A_128 : i32 to index
          %get3A_130 = arith.constant 0 : index
          %get3A_131 = tpu.vector_load %arg14[%get3A_129, %get3A_130] {strides = array<i32>} : memref<400x16xf32, #tpu.memory_space<vmem>>, vector<1x16xf32>,
          %get3A_132 = vector.shape_cast %get3A_131 : vector<1x16xf32> to vector<16xf32>
          %slice3A_133 = vector.extract_strided_slice %get3A_114 {offsets = [1], sizes = [1], strides = [1]} : vector<16xf32> to vector<1xf32>
          %squeeze3A_134 = vector.extract %slice3A_133[0] : f32 from vector<1xf32>
          %mul3A_135 = vector.broadcast %squeeze3A_134 : f32 to vector<16xf32>
          %mul3A_136 = arith.mulf %get3A_132, %mul3A_135 : vector<16xf32>
          %swap3A_137 = arith.index_cast %add3A_128 : i32 to index
          %swap3A_138 = arith.constant 0 : index
          %swap3A_139 = tpu.vector_load %arg16[%swap3A_137, %swap3A_138] {strides = array<i32>} : memref<400x16xf32, #tpu.memory_space<vmem>>, vector<1x16xf32>,
          %swap3A_140 = vector.shape_cast %swap3A_139 : vector<1x16xf32> to vector<16xf32>
          %swap3A_141 = vector.shape_cast %mul3A_136 : vector<16xf32> to vector<1x16xf32>
          tpu.vector_store %arg16[%swap3A_137, %swap3A_138], %swap3A_141 {strides = array<i32>} : memref<400x16xf32, #tpu.memory_space<vmem>>, vector<1x16xf32>,
          %add3A_142 = arith.constant 2 : i32
          %add3A_143 = arith.addi %multiple_of3A_112, %add3A_142 : i32
          %get3A_144 = arith.index_cast %add3A_143 : i32 to index
          %get3A_145 = arith.constant 0 : index
          %get3A_146 = tpu.vector_load %arg14[%get3A_144, %get3A_145] {strides = array<i32>} : memref<400x16xf32, #tpu.memory_space<vmem>>, vector<1x16xf32>,
          %get3A_147 = vector.shape_cast %get3A_146 : vector<1x16xf32> to vector<16xf32>
          %slice3A_148 = vector.extract_strided_slice %get3A_114 {offsets = [2], sizes = [1], strides = [1]} : vector<16xf32> to vector<1xf32>
          %squeeze3A_149 = vector.extract %slice3A_148[0] : f32 from vector<1xf32>
          %mul3A_150 = vector.broadcast %squeeze3A_149 : f32 to vector<16xf32>
          %mul3A_151 = arith.mulf %get3A_147, %mul3A_150 : vector<16xf32>
          %swap3A_152 = arith.index_cast %add3A_143 : i32 to index
          %swap3A_153 = arith.constant 0 : index
          %swap3A_154 = tpu.vector_load %arg16[%swap3A_152, %swap3A_153] {strides = array<i32>} : memref<400x16xf32, #tpu.memory_space<vmem>>, vector<1x16xf32>,
          %swap3A_155 = vector.shape_cast %swap3A_154 : vector<1x16xf32> to vector<16xf32>
          %swap3A_156 = vector.shape_cast %mul3A_151 : vector<16xf32> to vector<1x16xf32>
          tpu.vector_store %arg16[%swap3A_152, %swap3A_153], %swap3A_156 {strides = array<i32>} : memref<400x16xf32, #tpu.memory_space<vmem>>, vector<1x16xf32>,
          %add3A_157 = arith.constant 3 : i32
          %add3A_158 = arith.addi %multiple_of3A_112, %add3A_157 : i32
          %get3A_159 = arith.index_cast %add3A_158 : i32 to index
          %get3A_160 = arith.constant 0 : index
          %get3A_161 = tpu.vector_load %arg14[%get3A_159, %get3A_160] {strides = array<i32>} : memref<400x16xf32, #tpu.memory_space<vmem>>, vector<1x16xf32>,
          %get3A_162 = vector.shape_cast %get3A_161 : vector<1x16xf32> to vector<16xf32>
          %slice3A_163 = vector.extract_strided_slice %get3A_114 {offsets = [3], sizes = [1], strides = [1]} : vector<16xf32> to vector<1xf32>
          %squeeze3A_164 = vector.extract %slice3A_163[0] : f32 from vector<1xf32>
          %mul3A_165 = vector.broadcast %squeeze3A_164 : f32 to vector<16xf32>
          %mul3A_166 = arith.mulf %get3A_162, %mul3A_165 : vector<16xf32>
          %swap3A_167 = arith.index_cast %add3A_158 : i32 to index
          %swap3A_168 = arith.constant 0 : index
          %swap3A_169 = tpu.vector_load %arg16[%swap3A_167, %swap3A_168] {strides = array<i32>} : memref<400x16xf32, #tpu.memory_space<vmem>>, vector<1x16xf32>,
          %swap3A_170 = vector.shape_cast %swap3A_169 : vector<1x16xf32> to vector<16xf32>
          %swap3A_171 = vector.shape_cast %mul3A_166 : vector<16xf32> to vector<1x16xf32>
          tpu.vector_store %arg16[%swap3A_167, %swap3A_168], %swap3A_171 {strides = array<i32>} : memref<400x16xf32, #tpu.memory_space<vmem>>, vector<1x16xf32>,
          %add3A_172 = arith.constant 4 : i32
          %add3A_173 = arith.addi %multiple_of3A_112, %add3A_172 : i32
          %get3A_174 = arith.index_cast %add3A_173 : i32 to index
          %get3A_175 = arith.constant 0 : index
          %get3A_176 = tpu.vector_load %arg14[%get3A_174, %get3A_175] {strides = array<i32>} : memref<400x16xf32, #tpu.memory_space<vmem>>, vector<1x16xf32>,
          %get3A_177 = vector.shape_cast %get3A_176 : vector<1x16xf32> to vector<16xf32>
          %slice3A_178 = vector.extract_strided_slice %get3A_114 {offsets = [4], sizes = [1], strides = [1]} : vector<16xf32> to vector<1xf32>
          %squeeze3A_179 = vector.extract %slice3A_178[0] : f32 from vector<1xf32>
          %mul3A_180 = vector.broadcast %squeeze3A_179 : f32 to vector<16xf32>
          %mul3A_181 = arith.mulf %get3A_177, %mul3A_180 : vector<16xf32>
          %swap3A_182 = arith.index_cast %add3A_173 : i32 to index
          %swap3A_183 = arith.constant 0 : index
          %swap3A_184 = tpu.vector_load %arg16[%swap3A_182, %swap3A_183] {strides = array<i32>} : memref<400x16xf32, #tpu.memory_space<vmem>>, vector<1x16xf32>,
          %swap3A_185 = vector.shape_cast %swap3A_184 : vector<1x16xf32> to vector<16xf32>
          %swap3A_186 = vector.shape_cast %mul3A_181 : vector<16xf32> to vector<1x16xf32>
          tpu.vector_store %arg16[%swap3A_182, %swap3A_183], %swap3A_186 {strides = array<i32>} : memref<400x16xf32, #tpu.memory_space<vmem>>, vector<1x16xf32>,
          %add3A_187 = arith.constant 5 : i32
          %add3A_188 = arith.addi %multiple_of3A_112, %add3A_187 : i32
          %get3A_189 = arith.index_cast %add3A_188 : i32 to index
          %get3A_190 = arith.constant 0 : index
          %get3A_191 = tpu.vector_load %arg14[%get3A_189, %get3A_190] {strides = array<i32>} : memref<400x16xf32, #tpu.memory_space<vmem>>, vector<1x16xf32>,
          %get3A_192 = vector.shape_cast %get3A_191 : vector<1x16xf32> to vector<16xf32>
          %slice3A_193 = vector.extract_strided_slice %get3A_114 {offsets = [5], sizes = [1], strides = [1]} : vector<16xf32> to vector<1xf32>
          %squeeze3A_194 = vector.extract %slice3A_193[0] : f32 from vector<1xf32>
          %mul3A_195 = vector.broadcast %squeeze3A_194 : f32 to vector<16xf32>
          %mul3A_196 = arith.mulf %get3A_192, %mul3A_195 : vector<16xf32>
          %swap3A_197 = arith.index_cast %add3A_188 : i32 to index
          %swap3A_198 = arith.constant 0 : index
          %swap3A_199 = tpu.vector_load %arg16[%swap3A_197, %swap3A_198] {strides = array<i32>} : memref<400x16xf32, #tpu.memory_space<vmem>>, vector<1x16xf32>,
          %swap3A_200 = vector.shape_cast %swap3A_199 : vector<1x16xf32> to vector<16xf32>
          %swap3A_201 = vector.shape_cast %mul3A_196 : vector<16xf32> to vector<1x16xf32>
          tpu.vector_store %arg16[%swap3A_197, %swap3A_198], %swap3A_201 {strides = array<i32>} : memref<400x16xf32, #tpu.memory_space<vmem>>, vector<1x16xf32>,
          %add3A_202 = arith.constant 6 : i32
          %add3A_203 = arith.addi %multiple_of3A_112, %add3A_202 : i32
          %get3A_204 = arith.index_cast %add3A_203 : i32 to index
          %get3A_205 = arith.constant 0 : index
          %get3A_206 = tpu.vector_load %arg14[%get3A_204, %get3A_205] {strides = array<i32>} : memref<400x16xf32, #tpu.memory_space<vmem>>, vector<1x16xf32>,
          %get3A_207 = vector.shape_cast %get3A_206 : vector<1x16xf32> to vector<16xf32>
          %slice3A_208 = vector.extract_strided_slice %get3A_114 {offsets = [6], sizes = [1], strides = [1]} : vector<16xf32> to vector<1xf32>
          %squeeze3A_209 = vector.extract %slice3A_208[0] : f32 from vector<1xf32>
          %mul3A_210 = vector.broadcast %squeeze3A_209 : f32 to vector<16xf32>
          %mul3A_211 = arith.mulf %get3A_207, %mul3A_210 : vector<16xf32>
          %swap3A_212 = arith.index_cast %add3A_203 : i32 to index
          %swap3A_213 = arith.constant 0 : index
          %swap3A_214 = tpu.vector_load %arg16[%swap3A_212, %swap3A_213] {strides = array<i32>} : memref<400x16xf32, #tpu.memory_space<vmem>>, vector<1x16xf32>,
          %swap3A_215 = vector.shape_cast %swap3A_214 : vector<1x16xf32> to vector<16xf32>
          %swap3A_216 = vector.shape_cast %mul3A_211 : vector<16xf32> to vector<1x16xf32>
          tpu.vector_store %arg16[%swap3A_212, %swap3A_213], %swap3A_216 {strides = array<i32>} : memref<400x16xf32, #tpu.memory_space<vmem>>, vector<1x16xf32>,
          %add3A_217 = arith.constant 7 : i32
          %add3A_218 = arith.addi %multiple_of3A_112, %add3A_217 : i32
          %get3A_219 = arith.index_cast %add3A_218 : i32 to index
          %get3A_220 = arith.constant 0 : index
          %get3A_221 = tpu.vector_load %arg14[%get3A_219, %get3A_220] {strides = array<i32>} : memref<400x16xf32, #tpu.memory_space<vmem>>, vector<1x16xf32>,
          %get3A_222 = vector.shape_cast %get3A_221 : vector<1x16xf32> to vector<16xf32>
          %slice3A_223 = vector.extract_strided_slice %get3A_114 {offsets = [7], sizes = [1], strides = [1]} : vector<16xf32> to vector<1xf32>
          %squeeze3A_224 = vector.extract %slice3A_223[0] : f32 from vector<1xf32>
          %mul3A_225 = vector.broadcast %squeeze3A_224 : f32 to vector<16xf32>
          %mul3A_226 = arith.mulf %get3A_222, %mul3A_225 : vector<16xf32>
          %swap3A_227 = arith.index_cast %add3A_218 : i32 to index
          %swap3A_228 = arith.constant 0 : index
          %swap3A_229 = tpu.vector_load %arg16[%swap3A_227, %swap3A_228] {strides = array<i32>} : memref<400x16xf32, #tpu.memory_space<vmem>>, vector<1x16xf32>,
          %swap3A_230 = vector.shape_cast %swap3A_229 : vector<1x16xf32> to vector<16xf32>
          %swap3A_231 = vector.shape_cast %mul3A_226 : vector<16xf32> to vector<1x16xf32>
          tpu.vector_store %arg16[%swap3A_227, %swap3A_228], %swap3A_231 {strides = array<i32>} : memref<400x16xf32, #tpu.memory_space<vmem>>, vector<1x16xf32>,
          %add3A_232 = arith.constant 8 : i32
          %add3A_233 = arith.addi %multiple_of3A_112, %add3A_232 : i32
          %get3A_234 = arith.index_cast %add3A_233 : i32 to index
          %get3A_235 = arith.constant 0 : index
          %get3A_236 = tpu.vector_load %arg14[%get3A_234, %get3A_235] {strides = array<i32>} : memref<400x16xf32, #tpu.memory_space<vmem>>, vector<1x16xf32>,
          %get3A_237 = vector.shape_cast %get3A_236 : vector<1x16xf32> to vector<16xf32>
          %slice3A_238 = vector.extract_strided_slice %get3A_114 {offsets = [8], sizes = [1], strides = [1]} : vector<16xf32> to vector<1xf32>
          %squeeze3A_239 = vector.extract %slice3A_238[0] : f32 from vector<1xf32>
          %mul3A_240 = vector.broadcast %squeeze3A_239 : f32 to vector<16xf32>
          %mul3A_241 = arith.mulf %get3A_237, %mul3A_240 : vector<16xf32>
          %swap3A_242 = arith.index_cast %add3A_233 : i32 to index
          %swap3A_243 = arith.constant 0 : index
          %swap3A_244 = tpu.vector_load %arg16[%swap3A_242, %swap3A_243] {strides = array<i32>} : memref<400x16xf32, #tpu.memory_space<vmem>>, vector<1x16xf32>,
          %swap3A_245 = vector.shape_cast %swap3A_244 : vector<1x16xf32> to vector<16xf32>
          %swap3A_246 = vector.shape_cast %mul3A_241 : vector<16xf32> to vector<1x16xf32>
          tpu.vector_store %arg16[%swap3A_242, %swap3A_243], %swap3A_246 {strides = array<i32>} : memref<400x16xf32, #tpu.memory_space<vmem>>, vector<1x16xf32>,
          %add3A_247 = arith.constant 9 : i32
          %add3A_248 = arith.addi %multiple_of3A_112, %add3A_247 : i32
          %get3A_249 = arith.index_cast %add3A_248 : i32 to index
          %get3A_250 = arith.constant 0 : index
          %get3A_251 = tpu.vector_load %arg14[%get3A_249, %get3A_250] {strides = array<i32>} : memref<400x16xf32, #tpu.memory_space<vmem>>, vector<1x16xf32>,
          %get3A_252 = vector.shape_cast %get3A_251 : vector<1x16xf32> to vector<16xf32>
          %slice3A_253 = vector.extract_strided_slice %get3A_114 {offsets = [9], sizes = [1], strides = [1]} : vector<16xf32> to vector<1xf32>
          %squeeze3A_254 = vector.extract %slice3A_253[0] : f32 from vector<1xf32>
          %mul3A_255 = vector.broadcast %squeeze3A_254 : f32 to vector<16xf32>
          %mul3A_256 = arith.mulf %get3A_252, %mul3A_255 : vector<16xf32>
          %swap3A_257 = arith.index_cast %add3A_248 : i32 to index
          %swap3A_258 = arith.constant 0 : index
          %swap3A_259 = tpu.vector_load %arg16[%swap3A_257, %swap3A_258] {strides = array<i32>} : memref<400x16xf32, #tpu.memory_space<vmem>>, vector<1x16xf32>,
          %swap3A_260 = vector.shape_cast %swap3A_259 : vector<1x16xf32> to vector<16xf32>
          %swap3A_261 = vector.shape_cast %mul3A_256 : vector<16xf32> to vector<1x16xf32>
          tpu.vector_store %arg16[%swap3A_257, %swap3A_258], %swap3A_261 {strides = array<i32>} : memref<400x16xf32, #tpu.memory_space<vmem>>, vector<1x16xf32>,
          %add3A_262 = arith.constant 10 : i32
          %add3A_263 = arith.addi %multiple_of3A_112, %add3A_262 : i32
          %get3A_264 = arith.index_cast %add3A_263 : i32 to index
          %get3A_265 = arith.constant 0 : index
          %get3A_266 = tpu.vector_load %arg14[%get3A_264, %get3A_265] {strides = array<i32>} : memref<400x16xf32, #tpu.memory_space<vmem>>, vector<1x16xf32>,
          %get3A_267 = vector.shape_cast %get3A_266 : vector<1x16xf32> to vector<16xf32>
          %slice3A_268 = vector.extract_strided_slice %get3A_114 {offsets = [10], sizes = [1], strides = [1]} : vector<16xf32> to vector<1xf32>
          %squeeze3A_269 = vector.extract %slice3A_268[0] : f32 from vector<1xf32>
          %mul3A_270 = vector.broadcast %squeeze3A_269 : f32 to vector<16xf32>
          %mul3A_271 = arith.mulf %get3A_267, %mul3A_270 : vector<16xf32>
          %swap3A_272 = arith.index_cast %add3A_263 : i32 to index
          %swap3A_273 = arith.constant 0 : index
          %swap3A_274 = tpu.vector_load %arg16[%swap3A_272, %swap3A_273] {strides = array<i32>} : memref<400x16xf32, #tpu.memory_space<vmem>>, vector<1x16xf32>,
          %swap3A_275 = vector.shape_cast %swap3A_274 : vector<1x16xf32> to vector<16xf32>
          %swap3A_276 = vector.shape_cast %mul3A_271 : vector<16xf32> to vector<1x16xf32>
          tpu.vector_store %arg16[%swap3A_272, %swap3A_273], %swap3A_276 {strides = array<i32>} : memref<400x16xf32, #tpu.memory_space<vmem>>, vector<1x16xf32>,
          %add3A_277 = arith.constant 11 : i32
          %add3A_278 = arith.addi %multiple_of3A_112, %add3A_277 : i32
          %get3A_279 = arith.index_cast %add3A_278 : i32 to index
          %get3A_280 = arith.constant 0 : index
          %get3A_281 = tpu.vector_load %arg14[%get3A_279, %get3A_280] {strides = array<i32>} : memref<400x16xf32, #tpu.memory_space<vmem>>, vector<1x16xf32>,
          %get3A_282 = vector.shape_cast %get3A_281 : vector<1x16xf32> to vector<16xf32>
          %slice3A_283 = vector.extract_strided_slice %get3A_114 {offsets = [11], sizes = [1], strides = [1]} : vector<16xf32> to vector<1xf32>
          %squeeze3A_284 = vector.extract %slice3A_283[0] : f32 from vector<1xf32>
          %mul3A_285 = vector.broadcast %squeeze3A_284 : f32 to vector<16xf32>
          %mul3A_286 = arith.mulf %get3A_282, %mul3A_285 : vector<16xf32>
          %swap3A_287 = arith.index_cast %add3A_278 : i32 to index
          %swap3A_288 = arith.constant 0 : index
          %swap3A_289 = tpu.vector_load %arg16[%swap3A_287, %swap3A_288] {strides = array<i32>} : memref<400x16xf32, #tpu.memory_space<vmem>>, vector<1x16xf32>,
          %swap3A_290 = vector.shape_cast %swap3A_289 : vector<1x16xf32> to vector<16xf32>
          %swap3A_291 = vector.shape_cast %mul3A_286 : vector<16xf32> to vector<1x16xf32>
          tpu.vector_store %arg16[%swap3A_287, %swap3A_288], %swap3A_291 {strides = array<i32>} : memref<400x16xf32, #tpu.memory_space<vmem>>, vector<1x16xf32>,
          %add3A_292 = arith.constant 12 : i32
          %add3A_293 = arith.addi %multiple_of3A_112, %add3A_292 : i32
          %get3A_294 = arith.index_cast %add3A_293 : i32 to index
          %get3A_295 = arith.constant 0 : index
          %get3A_296 = tpu.vector_load %arg14[%get3A_294, %get3A_295] {strides = array<i32>} : memref<400x16xf32, #tpu.memory_space<vmem>>, vector<1x16xf32>,
          %get3A_297 = vector.shape_cast %get3A_296 : vector<1x16xf32> to vector<16xf32>
          %slice3A_298 = vector.extract_strided_slice %get3A_114 {offsets = [12], sizes = [1], strides = [1]} : vector<16xf32> to vector<1xf32>
          %squeeze3A_299 = vector.extract %slice3A_298[0] : f32 from vector<1xf32>
          %mul3A_300 = vector.broadcast %squeeze3A_299 : f32 to vector<16xf32>
          %mul3A_301 = arith.mulf %get3A_297, %mul3A_300 : vector<16xf32>
          %swap3A_302 = arith.index_cast %add3A_293 : i32 to index
          %swap3A_303 = arith.constant 0 : index
          %swap3A_304 = tpu.vector_load %arg16[%swap3A_302, %swap3A_303] {strides = array<i32>} : memref<400x16xf32, #tpu.memory_space<vmem>>, vector<1x16xf32>,
          %swap3A_305 = vector.shape_cast %swap3A_304 : vector<1x16xf32> to vector<16xf32>
          %swap3A_306 = vector.shape_cast %mul3A_301 : vector<16xf32> to vector<1x16xf32>
          tpu.vector_store %arg16[%swap3A_302, %swap3A_303], %swap3A_306 {strides = array<i32>} : memref<400x16xf32, #tpu.memory_space<vmem>>, vector<1x16xf32>,
          %add3A_307 = arith.constant 13 : i32
          %add3A_308 = arith.addi %multiple_of3A_112, %add3A_307 : i32
          %get3A_309 = arith.index_cast %add3A_308 : i32 to index
          %get3A_310 = arith.constant 0 : index
          %get3A_311 = tpu.vector_load %arg14[%get3A_309, %get3A_310] {strides = array<i32>} : memref<400x16xf32, #tpu.memory_space<vmem>>, vector<1x16xf32>,
          %get3A_312 = vector.shape_cast %get3A_311 : vector<1x16xf32> to vector<16xf32>
          %slice3A_313 = vector.extract_strided_slice %get3A_114 {offsets = [13], sizes = [1], strides = [1]} : vector<16xf32> to vector<1xf32>
          %squeeze3A_314 = vector.extract %slice3A_313[0] : f32 from vector<1xf32>
          %mul3A_315 = vector.broadcast %squeeze3A_314 : f32 to vector<16xf32>
          %mul3A_316 = arith.mulf %get3A_312, %mul3A_315 : vector<16xf32>
          %swap3A_317 = arith.index_cast %add3A_308 : i32 to index
          %swap3A_318 = arith.constant 0 : index
          %swap3A_319 = tpu.vector_load %arg16[%swap3A_317, %swap3A_318] {strides = array<i32>} : memref<400x16xf32, #tpu.memory_space<vmem>>, vector<1x16xf32>,
          %swap3A_320 = vector.shape_cast %swap3A_319 : vector<1x16xf32> to vector<16xf32>
          %swap3A_321 = vector.shape_cast %mul3A_316 : vector<16xf32> to vector<1x16xf32>
          tpu.vector_store %arg16[%swap3A_317, %swap3A_318], %swap3A_321 {strides = array<i32>} : memref<400x16xf32, #tpu.memory_space<vmem>>, vector<1x16xf32>,
          %add3A_322 = arith.constant 14 : i32
          %add3A_323 = arith.addi %multiple_of3A_112, %add3A_322 : i32
          %get3A_324 = arith.index_cast %add3A_323 : i32 to index
          %get3A_325 = arith.constant 0 : index
          %get3A_326 = tpu.vector_load %arg14[%get3A_324, %get3A_325] {strides = array<i32>} : memref<400x16xf32, #tpu.memory_space<vmem>>, vector<1x16xf32>,
          %get3A_327 = vector.shape_cast %get3A_326 : vector<1x16xf32> to vector<16xf32>
          %slice3A_328 = vector.extract_strided_slice %get3A_114 {offsets = [14], sizes = [1], strides = [1]} : vector<16xf32> to vector<1xf32>
          %squeeze3A_329 = vector.extract %slice3A_328[0] : f32 from vector<1xf32>
          %mul3A_330 = vector.broadcast %squeeze3A_329 : f32 to vector<16xf32>
          %mul3A_331 = arith.mulf %get3A_327, %mul3A_330 : vector<16xf32>
          %swap3A_332 = arith.index_cast %add3A_323 : i32 to index
          %swap3A_333 = arith.constant 0 : index
          %swap3A_334 = tpu.vector_load %arg16[%swap3A_332, %swap3A_333] {strides = array<i32>} : memref<400x16xf32, #tpu.memory_space<vmem>>, vector<1x16xf32>,
          %swap3A_335 = vector.shape_cast %swap3A_334 : vector<1x16xf32> to vector<16xf32>
          %swap3A_336 = vector.shape_cast %mul3A_331 : vector<16xf32> to vector<1x16xf32>
          tpu.vector_store %arg16[%swap3A_332, %swap3A_333], %swap3A_336 {strides = array<i32>} : memref<400x16xf32, #tpu.memory_space<vmem>>, vector<1x16xf32>,
          %add3A_337 = arith.constant 15 : i32
          %add3A_338 = arith.addi %multiple_of3A_112, %add3A_337 : i32
          %get3A_339 = arith.index_cast %add3A_338 : i32 to index
          %get3A_340 = arith.constant 0 : index
          %get3A_341 = tpu.vector_load %arg14[%get3A_339, %get3A_340] {strides = array<i32>} : memref<400x16xf32, #tpu.memory_space<vmem>>, vector<1x16xf32>,
          %get3A_342 = vector.shape_cast %get3A_341 : vector<1x16xf32> to vector<16xf32>
          %slice3A_343 = vector.extract_strided_slice %get3A_114 {offsets = [15], sizes = [1], strides = [1]} : vector<16xf32> to vector<1xf32>
          %squeeze3A_344 = vector.extract %slice3A_343[0] : f32 from vector<1xf32>
          %mul3A_345 = vector.broadcast %squeeze3A_344 : f32 to vector<16xf32>
          %mul3A_346 = arith.mulf %get3A_342, %mul3A_345 : vector<16xf32>
          %swap3A_347 = arith.index_cast %add3A_338 : i32 to index
          %swap3A_348 = arith.constant 0 : index
          %swap3A_349 = tpu.vector_load %arg16[%swap3A_347, %swap3A_348] {strides = array<i32>} : memref<400x16xf32, #tpu.memory_space<vmem>>, vector<1x16xf32>,
          %swap3A_350 = vector.shape_cast %swap3A_349 : vector<1x16xf32> to vector<16xf32>
          %swap3A_351 = vector.shape_cast %mul3A_346 : vector<16xf32> to vector<1x16xf32>
          tpu.vector_store %arg16[%swap3A_347, %swap3A_348], %swap3A_351 {strides = array<i32>} : memref<400x16xf32, #tpu.memory_space<vmem>>, vector<1x16xf32>,
        }
        %scan3A_67 = arith.constant 25 : i32
        %mul3A_68 = arith.constant 400 : i32
        %mul3A_69 = arith.muli %add3A_54, %mul3A_68 : i32
        %add3A_70 = arith.addi %mul3A_11, %mul3A_69 : i32
        %multiple_of3A_71 = tpu.assume_multiple %add3A_70, 8 : i32
        "tpu.region"() ({
          %run_scoped3A = tpu.sem_alloc : memref<!tpu.dma_semaphore, #tpu.memory_space<semaphore_mem>>
          %dma_start3A_109 = tpu.memref_slice %arg3[%multiple_of3A_71] : memref<1600000xi32, #tpu.memory_space<hbm>> -> memref<400xi32, #tpu.memory_space<hbm>>
          %dma_start3A_110 = tpu.memref_slice %arg3[%multiple_of3A_71] : memref<1600000xi32, #tpu.memory_space<hbm>> -> memref<400xi32, #tpu.memory_space<hbm>>
          tpu.enqueue_dma source(%dma_start3A_110 : memref<400xi32, #tpu.memory_space<hbm>>) target(%arg10 : memref<400xi32, #tpu.memory_space<vmem>>) target_semaphore(%run_scoped3A : memref<!tpu.dma_semaphore, #tpu.memory_space<semaphore_mem>>)
          %dma_wait3A_111 = tpu.memref_slice %arg3[%multiple_of3A_71] : memref<1600000xi32, #tpu.memory_space<hbm>> -> memref<400xi32, #tpu.memory_space<hbm>>
          %dma_wait3A_112 = tpu.memref_slice %arg3[%multiple_of3A_71] : memref<1600000xi32, #tpu.memory_space<hbm>> -> memref<400xi32, #tpu.memory_space<hbm>>
          tpu.wait_dma2 semaphore(%run_scoped3A : memref<!tpu.dma_semaphore, #tpu.memory_space<semaphore_mem>>) src(%dma_wait3A_112 : memref<400xi32, #tpu.memory_space<hbm>>) dst(%arg10 : memref<400xi32, #tpu.memory_space<vmem>>)
          tpu.yield
        }) : () -> ()
        %dma_start3A_72 = arith.constant 0 : i32
        %dma_start3A_73 = arith.constant 0 : i32
        %dma_start3A_74 = tpu.memref_slice %arg18[%dma_start3A_72, %dma_start3A_73] : memref<100096x16xf32, #tpu.memory_space<vmem_shared>> -> memref<100096x16xf32, #tpu.memory_space<vmem_shared>>
        tpu.enqueue_indirect_dma source(%arg16 : memref<400x16xf32, #tpu.memory_space<vmem>>) target(%dma_start3A_74 : memref<100096x16xf32, #tpu.memory_space<vmem_shared>>) offsets(%arg10 : memref<400xi32, #tpu.memory_space<vmem>>) semaphore(%arg21 : memref<!tpu.dma_semaphore, #tpu.memory_space<semaphore_mem>>) {add = true}
        %lt3A = arith.constant 124 : i32
        %lt3A_75 = arith.cmpi slt, %scan3A_50, %lt3A : i32
        %convert_element_type3A_76 = arith.extui %lt3A_75 : i1 to i32
        %cond3A_77 = arith.constant 0 : i32
        %cond3A_78 = arith.cmpi ne, %convert_element_type3A_76, %cond3A_77 : i32
        scf.if %cond3A_78 {
          %add3A_109 = arith.constant 2 : i32
          %add3A_110 = arith.addi %add3A_54, %add3A_109 : i32
          %mul3A_111 = arith.constant 400 : i32
          %mul3A_112 = arith.muli %add3A_110, %mul3A_111 : i32
          %add3A_113 = arith.addi %mul3A_11, %mul3A_112 : i32
          %multiple_of3A_114 = tpu.assume_multiple %add3A_113, 8 : i32
          "tpu.region"() ({
            %run_scoped3A = tpu.sem_alloc : memref<!tpu.dma_semaphore, #tpu.memory_space<semaphore_mem>>
            %dma_start3A_118 = tpu.memref_slice %arg2[%multiple_of3A_114] : memref<1600000xi32, #tpu.memory_space<hbm>> -> memref<400xi32, #tpu.memory_space<hbm>>
            %dma_start3A_119 = tpu.memref_slice %arg2[%multiple_of3A_114] : memref<1600000xi32, #tpu.memory_space<hbm>> -> memref<400xi32, #tpu.memory_space<hbm>>
            tpu.enqueue_dma source(%dma_start3A_119 : memref<400xi32, #tpu.memory_space<hbm>>) target(%arg8 : memref<400xi32, #tpu.memory_space<vmem>>) target_semaphore(%run_scoped3A : memref<!tpu.dma_semaphore, #tpu.memory_space<semaphore_mem>>)
            %dma_wait3A_120 = tpu.memref_slice %arg2[%multiple_of3A_114] : memref<1600000xi32, #tpu.memory_space<hbm>> -> memref<400xi32, #tpu.memory_space<hbm>>
            %dma_wait3A_121 = tpu.memref_slice %arg2[%multiple_of3A_114] : memref<1600000xi32, #tpu.memory_space<hbm>> -> memref<400xi32, #tpu.memory_space<hbm>>
            tpu.wait_dma2 semaphore(%run_scoped3A : memref<!tpu.dma_semaphore, #tpu.memory_space<semaphore_mem>>) src(%dma_wait3A_121 : memref<400xi32, #tpu.memory_space<hbm>>) dst(%arg8 : memref<400xi32, #tpu.memory_space<vmem>>)
            tpu.yield
          }) : () -> ()
          "tpu.region"() ({
            %run_scoped3A = tpu.sem_alloc : memref<!tpu.dma_semaphore, #tpu.memory_space<semaphore_mem>>
            %dma_start3A_118 = tpu.memref_slice %arg4[%multiple_of3A_114] : memref<1600000xf32, #tpu.memory_space<hbm>> -> memref<400xf32, #tpu.memory_space<hbm>>
            %dma_start3A_119 = tpu.memref_slice %arg4[%multiple_of3A_114] : memref<1600000xf32, #tpu.memory_space<hbm>> -> memref<400xf32, #tpu.memory_space<hbm>>
            tpu.enqueue_dma source(%dma_start3A_119 : memref<400xf32, #tpu.memory_space<hbm>>) target(%arg12 : memref<400xf32, #tpu.memory_space<vmem>>) target_semaphore(%run_scoped3A : memref<!tpu.dma_semaphore, #tpu.memory_space<semaphore_mem>>)
            %dma_wait3A_120 = tpu.memref_slice %arg4[%multiple_of3A_114] : memref<1600000xf32, #tpu.memory_space<hbm>> -> memref<400xf32, #tpu.memory_space<hbm>>
            %dma_wait3A_121 = tpu.memref_slice %arg4[%multiple_of3A_114] : memref<1600000xf32, #tpu.memory_space<hbm>> -> memref<400xf32, #tpu.memory_space<hbm>>
            tpu.wait_dma2 semaphore(%run_scoped3A : memref<!tpu.dma_semaphore, #tpu.memory_space<semaphore_mem>>) src(%dma_wait3A_121 : memref<400xf32, #tpu.memory_space<hbm>>) dst(%arg12 : memref<400xf32, #tpu.memory_space<vmem>>)
            tpu.yield
          }) : () -> ()
          %dma_start3A_115 = arith.constant 0 : i32
          %dma_start3A_116 = arith.constant 0 : i32
          %dma_start3A_117 = tpu.memref_slice %arg5[%dma_start3A_115, %dma_start3A_116] : memref<100000x16xf32, #tpu.memory_space<hbm>> -> memref<100000x16xf32, #tpu.memory_space<hbm>>
          tpu.enqueue_indirect_dma source(%dma_start3A_117 : memref<100000x16xf32, #tpu.memory_space<hbm>>) target(%arg14 : memref<400x16xf32, #tpu.memory_space<vmem>>) offsets(%arg8 : memref<400xi32, #tpu.memory_space<vmem>>) semaphore(%arg19 : memref<!tpu.dma_semaphore, #tpu.memory_space<semaphore_mem>>)
        } else {
        }
        %mul3A_79 = arith.constant 2 : i32
        %mul3A_80 = arith.muli %scan3A_50, %mul3A_79 : i32
        %add3A_81 = arith.constant 1 : i32
        %add3A_82 = arith.addi %mul3A_80, %add3A_81 : i32
        %dma_wait3A_83 = arith.constant 0 : i32
        %dma_wait3A_84 = arith.constant 0 : i32
        %dma_wait3A_85 = tpu.memref_slice %arg5[%dma_wait3A_83, %dma_wait3A_84] : memref<100000x16xf32, #tpu.memory_space<hbm>> -> memref<100000x16xf32, #tpu.memory_space<hbm>>
        tpu.wait_indirect_dma semaphore(%arg20 : memref<!tpu.dma_semaphore, #tpu.memory_space<semaphore_mem>>) src(%dma_wait3A_85 : memref<100000x16xf32, #tpu.memory_space<hbm>>) dst(%arg15 : memref<400x16xf32, #tpu.memory_space<vmem>>)
        %gt3A_86 = arith.constant 0 : i32
        %gt3A_87 = arith.cmpi sgt, %scan3A_50, %gt3A_86 : i32
        %convert_element_type3A_88 = arith.extui %gt3A_87 : i1 to i32
        %cond3A_89 = arith.constant 0 : i32
        %cond3A_90 = arith.cmpi ne, %convert_element_type3A_88, %cond3A_89 : i32
        scf.if %cond3A_90 {
          %dma_wait3A_109 = arith.constant 0 : i32
          %dma_wait3A_110 = arith.constant 0 : i32
          %dma_wait3A_111 = tpu.memref_slice %arg18[%dma_wait3A_109, %dma_wait3A_110] : memref<100096x16xf32, #tpu.memory_space<vmem_shared>> -> memref<100096x16xf32, #tpu.memory_space<vmem_shared>>
          tpu.wait_indirect_dma semaphore(%arg22 : memref<!tpu.dma_semaphore, #tpu.memory_space<semaphore_mem>>) src(%arg17 : memref<400x16xf32, #tpu.memory_space<vmem>>) dst(%dma_wait3A_111 : memref<100096x16xf32, #tpu.memory_space<vmem_shared>>)
        } else {
        }
        %scan3A_91 = arith.constant 0 : i32
        %scan3A_92 = arith.constant 0 : i32
        %scan3A_93 = arith.constant 25 : i32
        %scan3A_94 = arith.addi %scan3A_92, %scan3A_93 : i32
        %scan3A_95 = arith.constant 1 : i32
        scf.for %scan3A_109 = %scan3A_92 to %scan3A_94 step %scan3A_95  : i32 {
          %mul3A_110 = arith.constant 16 : i32
          %mul3A_111 = arith.muli %scan3A_109, %mul3A_110 : i32
          %multiple_of3A_112 = tpu.assume_multiple %mul3A_111, 16 : i32
          %get3A = arith.index_cast %multiple_of3A_112 : i32 to index
          %get3A_113 = tpu.vector_load %arg13[%get3A] {strides = array<i32>} : memref<400xf32, #tpu.memory_space<vmem>>, vector<16xf32>,
          %get3A_114 = vector.shape_cast %get3A_113 : vector<16xf32> to vector<16xf32>
          %add3A_115 = arith.constant 0 : i32
          %add3A_116 = arith.addi %multiple_of3A_112, %add3A_115 : i32
          %get3A_117 = arith.index_cast %add3A_116 : i32 to index
          %get3A_118 = arith.constant 0 : index
          %get3A_119 = tpu.vector_load %arg15[%get3A_117, %get3A_118] {strides = array<i32>} : memref<400x16xf32, #tpu.memory_space<vmem>>, vector<1x16xf32>,
          %get3A_120 = vector.shape_cast %get3A_119 : vector<1x16xf32> to vector<16xf32>
          %slice3A = vector.extract_strided_slice %get3A_114 {offsets = [0], sizes = [1], strides = [1]} : vector<16xf32> to vector<1xf32>
          %squeeze3A = vector.extract %slice3A[0] : f32 from vector<1xf32>
          %mul3A_121 = vector.broadcast %squeeze3A : f32 to vector<16xf32>
          %mul3A_122 = arith.mulf %get3A_120, %mul3A_121 : vector<16xf32>
          %swap3A = arith.index_cast %add3A_116 : i32 to index
          %swap3A_123 = arith.constant 0 : index
          %swap3A_124 = tpu.vector_load %arg17[%swap3A, %swap3A_123] {strides = array<i32>} : memref<400x16xf32, #tpu.memory_space<vmem>>, vector<1x16xf32>,
          %swap3A_125 = vector.shape_cast %swap3A_124 : vector<1x16xf32> to vector<16xf32>
          %swap3A_126 = vector.shape_cast %mul3A_122 : vector<16xf32> to vector<1x16xf32>
          tpu.vector_store %arg17[%swap3A, %swap3A_123], %swap3A_126 {strides = array<i32>} : memref<400x16xf32, #tpu.memory_space<vmem>>, vector<1x16xf32>,
          %add3A_127 = arith.constant 1 : i32
          %add3A_128 = arith.addi %multiple_of3A_112, %add3A_127 : i32
          %get3A_129 = arith.index_cast %add3A_128 : i32 to index
          %get3A_130 = arith.constant 0 : index
          %get3A_131 = tpu.vector_load %arg15[%get3A_129, %get3A_130] {strides = array<i32>} : memref<400x16xf32, #tpu.memory_space<vmem>>, vector<1x16xf32>,
          %get3A_132 = vector.shape_cast %get3A_131 : vector<1x16xf32> to vector<16xf32>
          %slice3A_133 = vector.extract_strided_slice %get3A_114 {offsets = [1], sizes = [1], strides = [1]} : vector<16xf32> to vector<1xf32>
          %squeeze3A_134 = vector.extract %slice3A_133[0] : f32 from vector<1xf32>
          %mul3A_135 = vector.broadcast %squeeze3A_134 : f32 to vector<16xf32>
          %mul3A_136 = arith.mulf %get3A_132, %mul3A_135 : vector<16xf32>
          %swap3A_137 = arith.index_cast %add3A_128 : i32 to index
          %swap3A_138 = arith.constant 0 : index
          %swap3A_139 = tpu.vector_load %arg17[%swap3A_137, %swap3A_138] {strides = array<i32>} : memref<400x16xf32, #tpu.memory_space<vmem>>, vector<1x16xf32>,
          %swap3A_140 = vector.shape_cast %swap3A_139 : vector<1x16xf32> to vector<16xf32>
          %swap3A_141 = vector.shape_cast %mul3A_136 : vector<16xf32> to vector<1x16xf32>
          tpu.vector_store %arg17[%swap3A_137, %swap3A_138], %swap3A_141 {strides = array<i32>} : memref<400x16xf32, #tpu.memory_space<vmem>>, vector<1x16xf32>,
          %add3A_142 = arith.constant 2 : i32
          %add3A_143 = arith.addi %multiple_of3A_112, %add3A_142 : i32
          %get3A_144 = arith.index_cast %add3A_143 : i32 to index
          %get3A_145 = arith.constant 0 : index
          %get3A_146 = tpu.vector_load %arg15[%get3A_144, %get3A_145] {strides = array<i32>} : memref<400x16xf32, #tpu.memory_space<vmem>>, vector<1x16xf32>,
          %get3A_147 = vector.shape_cast %get3A_146 : vector<1x16xf32> to vector<16xf32>
          %slice3A_148 = vector.extract_strided_slice %get3A_114 {offsets = [2], sizes = [1], strides = [1]} : vector<16xf32> to vector<1xf32>
          %squeeze3A_149 = vector.extract %slice3A_148[0] : f32 from vector<1xf32>
          %mul3A_150 = vector.broadcast %squeeze3A_149 : f32 to vector<16xf32>
          %mul3A_151 = arith.mulf %get3A_147, %mul3A_150 : vector<16xf32>
          %swap3A_152 = arith.index_cast %add3A_143 : i32 to index
          %swap3A_153 = arith.constant 0 : index
          %swap3A_154 = tpu.vector_load %arg17[%swap3A_152, %swap3A_153] {strides = array<i32>} : memref<400x16xf32, #tpu.memory_space<vmem>>, vector<1x16xf32>,
          %swap3A_155 = vector.shape_cast %swap3A_154 : vector<1x16xf32> to vector<16xf32>
          %swap3A_156 = vector.shape_cast %mul3A_151 : vector<16xf32> to vector<1x16xf32>
          tpu.vector_store %arg17[%swap3A_152, %swap3A_153], %swap3A_156 {strides = array<i32>} : memref<400x16xf32, #tpu.memory_space<vmem>>, vector<1x16xf32>,
          %add3A_157 = arith.constant 3 : i32
          %add3A_158 = arith.addi %multiple_of3A_112, %add3A_157 : i32
          %get3A_159 = arith.index_cast %add3A_158 : i32 to index
          %get3A_160 = arith.constant 0 : index
          %get3A_161 = tpu.vector_load %arg15[%get3A_159, %get3A_160] {strides = array<i32>} : memref<400x16xf32, #tpu.memory_space<vmem>>, vector<1x16xf32>,
          %get3A_162 = vector.shape_cast %get3A_161 : vector<1x16xf32> to vector<16xf32>
          %slice3A_163 = vector.extract_strided_slice %get3A_114 {offsets = [3], sizes = [1], strides = [1]} : vector<16xf32> to vector<1xf32>
          %squeeze3A_164 = vector.extract %slice3A_163[0] : f32 from vector<1xf32>
          %mul3A_165 = vector.broadcast %squeeze3A_164 : f32 to vector<16xf32>
          %mul3A_166 = arith.mulf %get3A_162, %mul3A_165 : vector<16xf32>
          %swap3A_167 = arith.index_cast %add3A_158 : i32 to index
          %swap3A_168 = arith.constant 0 : index
          %swap3A_169 = tpu.vector_load %arg17[%swap3A_167, %swap3A_168] {strides = array<i32>} : memref<400x16xf32, #tpu.memory_space<vmem>>, vector<1x16xf32>,
          %swap3A_170 = vector.shape_cast %swap3A_169 : vector<1x16xf32> to vector<16xf32>
          %swap3A_171 = vector.shape_cast %mul3A_166 : vector<16xf32> to vector<1x16xf32>
          tpu.vector_store %arg17[%swap3A_167, %swap3A_168], %swap3A_171 {strides = array<i32>} : memref<400x16xf32, #tpu.memory_space<vmem>>, vector<1x16xf32>,
          %add3A_172 = arith.constant 4 : i32
          %add3A_173 = arith.addi %multiple_of3A_112, %add3A_172 : i32
          %get3A_174 = arith.index_cast %add3A_173 : i32 to index
          %get3A_175 = arith.constant 0 : index
          %get3A_176 = tpu.vector_load %arg15[%get3A_174, %get3A_175] {strides = array<i32>} : memref<400x16xf32, #tpu.memory_space<vmem>>, vector<1x16xf32>,
          %get3A_177 = vector.shape_cast %get3A_176 : vector<1x16xf32> to vector<16xf32>
          %slice3A_178 = vector.extract_strided_slice %get3A_114 {offsets = [4], sizes = [1], strides = [1]} : vector<16xf32> to vector<1xf32>
          %squeeze3A_179 = vector.extract %slice3A_178[0] : f32 from vector<1xf32>
          %mul3A_180 = vector.broadcast %squeeze3A_179 : f32 to vector<16xf32>
          %mul3A_181 = arith.mulf %get3A_177, %mul3A_180 : vector<16xf32>
          %swap3A_182 = arith.index_cast %add3A_173 : i32 to index
          %swap3A_183 = arith.constant 0 : index
          %swap3A_184 = tpu.vector_load %arg17[%swap3A_182, %swap3A_183] {strides = array<i32>} : memref<400x16xf32, #tpu.memory_space<vmem>>, vector<1x16xf32>,
          %swap3A_185 = vector.shape_cast %swap3A_184 : vector<1x16xf32> to vector<16xf32>
          %swap3A_186 = vector.shape_cast %mul3A_181 : vector<16xf32> to vector<1x16xf32>
          tpu.vector_store %arg17[%swap3A_182, %swap3A_183], %swap3A_186 {strides = array<i32>} : memref<400x16xf32, #tpu.memory_space<vmem>>, vector<1x16xf32>,
          %add3A_187 = arith.constant 5 : i32
          %add3A_188 = arith.addi %multiple_of3A_112, %add3A_187 : i32
          %get3A_189 = arith.index_cast %add3A_188 : i32 to index
          %get3A_190 = arith.constant 0 : index
          %get3A_191 = tpu.vector_load %arg15[%get3A_189, %get3A_190] {strides = array<i32>} : memref<400x16xf32, #tpu.memory_space<vmem>>, vector<1x16xf32>,
          %get3A_192 = vector.shape_cast %get3A_191 : vector<1x16xf32> to vector<16xf32>
          %slice3A_193 = vector.extract_strided_slice %get3A_114 {offsets = [5], sizes = [1], strides = [1]} : vector<16xf32> to vector<1xf32>
          %squeeze3A_194 = vector.extract %slice3A_193[0] : f32 from vector<1xf32>
          %mul3A_195 = vector.broadcast %squeeze3A_194 : f32 to vector<16xf32>
          %mul3A_196 = arith.mulf %get3A_192, %mul3A_195 : vector<16xf32>
          %swap3A_197 = arith.index_cast %add3A_188 : i32 to index
          %swap3A_198 = arith.constant 0 : index
          %swap3A_199 = tpu.vector_load %arg17[%swap3A_197, %swap3A_198] {strides = array<i32>} : memref<400x16xf32, #tpu.memory_space<vmem>>, vector<1x16xf32>,
          %swap3A_200 = vector.shape_cast %swap3A_199 : vector<1x16xf32> to vector<16xf32>
          %swap3A_201 = vector.shape_cast %mul3A_196 : vector<16xf32> to vector<1x16xf32>
          tpu.vector_store %arg17[%swap3A_197, %swap3A_198], %swap3A_201 {strides = array<i32>} : memref<400x16xf32, #tpu.memory_space<vmem>>, vector<1x16xf32>,
          %add3A_202 = arith.constant 6 : i32
          %add3A_203 = arith.addi %multiple_of3A_112, %add3A_202 : i32
          %get3A_204 = arith.index_cast %add3A_203 : i32 to index
          %get3A_205 = arith.constant 0 : index
          %get3A_206 = tpu.vector_load %arg15[%get3A_204, %get3A_205] {strides = array<i32>} : memref<400x16xf32, #tpu.memory_space<vmem>>, vector<1x16xf32>,
          %get3A_207 = vector.shape_cast %get3A_206 : vector<1x16xf32> to vector<16xf32>
          %slice3A_208 = vector.extract_strided_slice %get3A_114 {offsets = [6], sizes = [1], strides = [1]} : vector<16xf32> to vector<1xf32>
          %squeeze3A_209 = vector.extract %slice3A_208[0] : f32 from vector<1xf32>
          %mul3A_210 = vector.broadcast %squeeze3A_209 : f32 to vector<16xf32>
          %mul3A_211 = arith.mulf %get3A_207, %mul3A_210 : vector<16xf32>
          %swap3A_212 = arith.index_cast %add3A_203 : i32 to index
          %swap3A_213 = arith.constant 0 : index
          %swap3A_214 = tpu.vector_load %arg17[%swap3A_212, %swap3A_213] {strides = array<i32>} : memref<400x16xf32, #tpu.memory_space<vmem>>, vector<1x16xf32>,
          %swap3A_215 = vector.shape_cast %swap3A_214 : vector<1x16xf32> to vector<16xf32>
          %swap3A_216 = vector.shape_cast %mul3A_211 : vector<16xf32> to vector<1x16xf32>
          tpu.vector_store %arg17[%swap3A_212, %swap3A_213], %swap3A_216 {strides = array<i32>} : memref<400x16xf32, #tpu.memory_space<vmem>>, vector<1x16xf32>,
          %add3A_217 = arith.constant 7 : i32
          %add3A_218 = arith.addi %multiple_of3A_112, %add3A_217 : i32
          %get3A_219 = arith.index_cast %add3A_218 : i32 to index
          %get3A_220 = arith.constant 0 : index
          %get3A_221 = tpu.vector_load %arg15[%get3A_219, %get3A_220] {strides = array<i32>} : memref<400x16xf32, #tpu.memory_space<vmem>>, vector<1x16xf32>,
          %get3A_222 = vector.shape_cast %get3A_221 : vector<1x16xf32> to vector<16xf32>
          %slice3A_223 = vector.extract_strided_slice %get3A_114 {offsets = [7], sizes = [1], strides = [1]} : vector<16xf32> to vector<1xf32>
          %squeeze3A_224 = vector.extract %slice3A_223[0] : f32 from vector<1xf32>
          %mul3A_225 = vector.broadcast %squeeze3A_224 : f32 to vector<16xf32>
          %mul3A_226 = arith.mulf %get3A_222, %mul3A_225 : vector<16xf32>
          %swap3A_227 = arith.index_cast %add3A_218 : i32 to index
          %swap3A_228 = arith.constant 0 : index
          %swap3A_229 = tpu.vector_load %arg17[%swap3A_227, %swap3A_228] {strides = array<i32>} : memref<400x16xf32, #tpu.memory_space<vmem>>, vector<1x16xf32>,
          %swap3A_230 = vector.shape_cast %swap3A_229 : vector<1x16xf32> to vector<16xf32>
          %swap3A_231 = vector.shape_cast %mul3A_226 : vector<16xf32> to vector<1x16xf32>
          tpu.vector_store %arg17[%swap3A_227, %swap3A_228], %swap3A_231 {strides = array<i32>} : memref<400x16xf32, #tpu.memory_space<vmem>>, vector<1x16xf32>,
          %add3A_232 = arith.constant 8 : i32
          %add3A_233 = arith.addi %multiple_of3A_112, %add3A_232 : i32
          %get3A_234 = arith.index_cast %add3A_233 : i32 to index
          %get3A_235 = arith.constant 0 : index
          %get3A_236 = tpu.vector_load %arg15[%get3A_234, %get3A_235] {strides = array<i32>} : memref<400x16xf32, #tpu.memory_space<vmem>>, vector<1x16xf32>,
          %get3A_237 = vector.shape_cast %get3A_236 : vector<1x16xf32> to vector<16xf32>
          %slice3A_238 = vector.extract_strided_slice %get3A_114 {offsets = [8], sizes = [1], strides = [1]} : vector<16xf32> to vector<1xf32>
          %squeeze3A_239 = vector.extract %slice3A_238[0] : f32 from vector<1xf32>
          %mul3A_240 = vector.broadcast %squeeze3A_239 : f32 to vector<16xf32>
          %mul3A_241 = arith.mulf %get3A_237, %mul3A_240 : vector<16xf32>
          %swap3A_242 = arith.index_cast %add3A_233 : i32 to index
          %swap3A_243 = arith.constant 0 : index
          %swap3A_244 = tpu.vector_load %arg17[%swap3A_242, %swap3A_243] {strides = array<i32>} : memref<400x16xf32, #tpu.memory_space<vmem>>, vector<1x16xf32>,
          %swap3A_245 = vector.shape_cast %swap3A_244 : vector<1x16xf32> to vector<16xf32>
          %swap3A_246 = vector.shape_cast %mul3A_241 : vector<16xf32> to vector<1x16xf32>
          tpu.vector_store %arg17[%swap3A_242, %swap3A_243], %swap3A_246 {strides = array<i32>} : memref<400x16xf32, #tpu.memory_space<vmem>>, vector<1x16xf32>,
          %add3A_247 = arith.constant 9 : i32
          %add3A_248 = arith.addi %multiple_of3A_112, %add3A_247 : i32
          %get3A_249 = arith.index_cast %add3A_248 : i32 to index
          %get3A_250 = arith.constant 0 : index
          %get3A_251 = tpu.vector_load %arg15[%get3A_249, %get3A_250] {strides = array<i32>} : memref<400x16xf32, #tpu.memory_space<vmem>>, vector<1x16xf32>,
          %get3A_252 = vector.shape_cast %get3A_251 : vector<1x16xf32> to vector<16xf32>
          %slice3A_253 = vector.extract_strided_slice %get3A_114 {offsets = [9], sizes = [1], strides = [1]} : vector<16xf32> to vector<1xf32>
          %squeeze3A_254 = vector.extract %slice3A_253[0] : f32 from vector<1xf32>
          %mul3A_255 = vector.broadcast %squeeze3A_254 : f32 to vector<16xf32>
          %mul3A_256 = arith.mulf %get3A_252, %mul3A_255 : vector<16xf32>
          %swap3A_257 = arith.index_cast %add3A_248 : i32 to index
          %swap3A_258 = arith.constant 0 : index
          %swap3A_259 = tpu.vector_load %arg17[%swap3A_257, %swap3A_258] {strides = array<i32>} : memref<400x16xf32, #tpu.memory_space<vmem>>, vector<1x16xf32>,
          %swap3A_260 = vector.shape_cast %swap3A_259 : vector<1x16xf32> to vector<16xf32>
          %swap3A_261 = vector.shape_cast %mul3A_256 : vector<16xf32> to vector<1x16xf32>
          tpu.vector_store %arg17[%swap3A_257, %swap3A_258], %swap3A_261 {strides = array<i32>} : memref<400x16xf32, #tpu.memory_space<vmem>>, vector<1x16xf32>,
          %add3A_262 = arith.constant 10 : i32
          %add3A_263 = arith.addi %multiple_of3A_112, %add3A_262 : i32
          %get3A_264 = arith.index_cast %add3A_263 : i32 to index
          %get3A_265 = arith.constant 0 : index
          %get3A_266 = tpu.vector_load %arg15[%get3A_264, %get3A_265] {strides = array<i32>} : memref<400x16xf32, #tpu.memory_space<vmem>>, vector<1x16xf32>,
          %get3A_267 = vector.shape_cast %get3A_266 : vector<1x16xf32> to vector<16xf32>
          %slice3A_268 = vector.extract_strided_slice %get3A_114 {offsets = [10], sizes = [1], strides = [1]} : vector<16xf32> to vector<1xf32>
          %squeeze3A_269 = vector.extract %slice3A_268[0] : f32 from vector<1xf32>
          %mul3A_270 = vector.broadcast %squeeze3A_269 : f32 to vector<16xf32>
          %mul3A_271 = arith.mulf %get3A_267, %mul3A_270 : vector<16xf32>
          %swap3A_272 = arith.index_cast %add3A_263 : i32 to index
          %swap3A_273 = arith.constant 0 : index
          %swap3A_274 = tpu.vector_load %arg17[%swap3A_272, %swap3A_273] {strides = array<i32>} : memref<400x16xf32, #tpu.memory_space<vmem>>, vector<1x16xf32>,
          %swap3A_275 = vector.shape_cast %swap3A_274 : vector<1x16xf32> to vector<16xf32>
          %swap3A_276 = vector.shape_cast %mul3A_271 : vector<16xf32> to vector<1x16xf32>
          tpu.vector_store %arg17[%swap3A_272, %swap3A_273], %swap3A_276 {strides = array<i32>} : memref<400x16xf32, #tpu.memory_space<vmem>>, vector<1x16xf32>,
          %add3A_277 = arith.constant 11 : i32
          %add3A_278 = arith.addi %multiple_of3A_112, %add3A_277 : i32
          %get3A_279 = arith.index_cast %add3A_278 : i32 to index
          %get3A_280 = arith.constant 0 : index
          %get3A_281 = tpu.vector_load %arg15[%get3A_279, %get3A_280] {strides = array<i32>} : memref<400x16xf32, #tpu.memory_space<vmem>>, vector<1x16xf32>,
          %get3A_282 = vector.shape_cast %get3A_281 : vector<1x16xf32> to vector<16xf32>
          %slice3A_283 = vector.extract_strided_slice %get3A_114 {offsets = [11], sizes = [1], strides = [1]} : vector<16xf32> to vector<1xf32>
          %squeeze3A_284 = vector.extract %slice3A_283[0] : f32 from vector<1xf32>
          %mul3A_285 = vector.broadcast %squeeze3A_284 : f32 to vector<16xf32>
          %mul3A_286 = arith.mulf %get3A_282, %mul3A_285 : vector<16xf32>
          %swap3A_287 = arith.index_cast %add3A_278 : i32 to index
          %swap3A_288 = arith.constant 0 : index
          %swap3A_289 = tpu.vector_load %arg17[%swap3A_287, %swap3A_288] {strides = array<i32>} : memref<400x16xf32, #tpu.memory_space<vmem>>, vector<1x16xf32>,
          %swap3A_290 = vector.shape_cast %swap3A_289 : vector<1x16xf32> to vector<16xf32>
          %swap3A_291 = vector.shape_cast %mul3A_286 : vector<16xf32> to vector<1x16xf32>
          tpu.vector_store %arg17[%swap3A_287, %swap3A_288], %swap3A_291 {strides = array<i32>} : memref<400x16xf32, #tpu.memory_space<vmem>>, vector<1x16xf32>,
          %add3A_292 = arith.constant 12 : i32
          %add3A_293 = arith.addi %multiple_of3A_112, %add3A_292 : i32
          %get3A_294 = arith.index_cast %add3A_293 : i32 to index
          %get3A_295 = arith.constant 0 : index
          %get3A_296 = tpu.vector_load %arg15[%get3A_294, %get3A_295] {strides = array<i32>} : memref<400x16xf32, #tpu.memory_space<vmem>>, vector<1x16xf32>,
          %get3A_297 = vector.shape_cast %get3A_296 : vector<1x16xf32> to vector<16xf32>
          %slice3A_298 = vector.extract_strided_slice %get3A_114 {offsets = [12], sizes = [1], strides = [1]} : vector<16xf32> to vector<1xf32>
          %squeeze3A_299 = vector.extract %slice3A_298[0] : f32 from vector<1xf32>
          %mul3A_300 = vector.broadcast %squeeze3A_299 : f32 to vector<16xf32>
          %mul3A_301 = arith.mulf %get3A_297, %mul3A_300 : vector<16xf32>
          %swap3A_302 = arith.index_cast %add3A_293 : i32 to index
          %swap3A_303 = arith.constant 0 : index
          %swap3A_304 = tpu.vector_load %arg17[%swap3A_302, %swap3A_303] {strides = array<i32>} : memref<400x16xf32, #tpu.memory_space<vmem>>, vector<1x16xf32>,
          %swap3A_305 = vector.shape_cast %swap3A_304 : vector<1x16xf32> to vector<16xf32>
          %swap3A_306 = vector.shape_cast %mul3A_301 : vector<16xf32> to vector<1x16xf32>
          tpu.vector_store %arg17[%swap3A_302, %swap3A_303], %swap3A_306 {strides = array<i32>} : memref<400x16xf32, #tpu.memory_space<vmem>>, vector<1x16xf32>,
          %add3A_307 = arith.constant 13 : i32
          %add3A_308 = arith.addi %multiple_of3A_112, %add3A_307 : i32
          %get3A_309 = arith.index_cast %add3A_308 : i32 to index
          %get3A_310 = arith.constant 0 : index
          %get3A_311 = tpu.vector_load %arg15[%get3A_309, %get3A_310] {strides = array<i32>} : memref<400x16xf32, #tpu.memory_space<vmem>>, vector<1x16xf32>,
          %get3A_312 = vector.shape_cast %get3A_311 : vector<1x16xf32> to vector<16xf32>
          %slice3A_313 = vector.extract_strided_slice %get3A_114 {offsets = [13], sizes = [1], strides = [1]} : vector<16xf32> to vector<1xf32>
          %squeeze3A_314 = vector.extract %slice3A_313[0] : f32 from vector<1xf32>
          %mul3A_315 = vector.broadcast %squeeze3A_314 : f32 to vector<16xf32>
          %mul3A_316 = arith.mulf %get3A_312, %mul3A_315 : vector<16xf32>
          %swap3A_317 = arith.index_cast %add3A_308 : i32 to index
          %swap3A_318 = arith.constant 0 : index
          %swap3A_319 = tpu.vector_load %arg17[%swap3A_317, %swap3A_318] {strides = array<i32>} : memref<400x16xf32, #tpu.memory_space<vmem>>, vector<1x16xf32>,
          %swap3A_320 = vector.shape_cast %swap3A_319 : vector<1x16xf32> to vector<16xf32>
          %swap3A_321 = vector.shape_cast %mul3A_316 : vector<16xf32> to vector<1x16xf32>
          tpu.vector_store %arg17[%swap3A_317, %swap3A_318], %swap3A_321 {strides = array<i32>} : memref<400x16xf32, #tpu.memory_space<vmem>>, vector<1x16xf32>,
          %add3A_322 = arith.constant 14 : i32
          %add3A_323 = arith.addi %multiple_of3A_112, %add3A_322 : i32
          %get3A_324 = arith.index_cast %add3A_323 : i32 to index
          %get3A_325 = arith.constant 0 : index
          %get3A_326 = tpu.vector_load %arg15[%get3A_324, %get3A_325] {strides = array<i32>} : memref<400x16xf32, #tpu.memory_space<vmem>>, vector<1x16xf32>,
          %get3A_327 = vector.shape_cast %get3A_326 : vector<1x16xf32> to vector<16xf32>
          %slice3A_328 = vector.extract_strided_slice %get3A_114 {offsets = [14], sizes = [1], strides = [1]} : vector<16xf32> to vector<1xf32>
          %squeeze3A_329 = vector.extract %slice3A_328[0] : f32 from vector<1xf32>
          %mul3A_330 = vector.broadcast %squeeze3A_329 : f32 to vector<16xf32>
          %mul3A_331 = arith.mulf %get3A_327, %mul3A_330 : vector<16xf32>
          %swap3A_332 = arith.index_cast %add3A_323 : i32 to index
          %swap3A_333 = arith.constant 0 : index
          %swap3A_334 = tpu.vector_load %arg17[%swap3A_332, %swap3A_333] {strides = array<i32>} : memref<400x16xf32, #tpu.memory_space<vmem>>, vector<1x16xf32>,
          %swap3A_335 = vector.shape_cast %swap3A_334 : vector<1x16xf32> to vector<16xf32>
          %swap3A_336 = vector.shape_cast %mul3A_331 : vector<16xf32> to vector<1x16xf32>
          tpu.vector_store %arg17[%swap3A_332, %swap3A_333], %swap3A_336 {strides = array<i32>} : memref<400x16xf32, #tpu.memory_space<vmem>>, vector<1x16xf32>,
          %add3A_337 = arith.constant 15 : i32
          %add3A_338 = arith.addi %multiple_of3A_112, %add3A_337 : i32
          %get3A_339 = arith.index_cast %add3A_338 : i32 to index
          %get3A_340 = arith.constant 0 : index
          %get3A_341 = tpu.vector_load %arg15[%get3A_339, %get3A_340] {strides = array<i32>} : memref<400x16xf32, #tpu.memory_space<vmem>>, vector<1x16xf32>,
          %get3A_342 = vector.shape_cast %get3A_341 : vector<1x16xf32> to vector<16xf32>
          %slice3A_343 = vector.extract_strided_slice %get3A_114 {offsets = [15], sizes = [1], strides = [1]} : vector<16xf32> to vector<1xf32>
          %squeeze3A_344 = vector.extract %slice3A_343[0] : f32 from vector<1xf32>
          %mul3A_345 = vector.broadcast %squeeze3A_344 : f32 to vector<16xf32>
          %mul3A_346 = arith.mulf %get3A_342, %mul3A_345 : vector<16xf32>
          %swap3A_347 = arith.index_cast %add3A_338 : i32 to index
          %swap3A_348 = arith.constant 0 : index
          %swap3A_349 = tpu.vector_load %arg17[%swap3A_347, %swap3A_348] {strides = array<i32>} : memref<400x16xf32, #tpu.memory_space<vmem>>, vector<1x16xf32>,
          %swap3A_350 = vector.shape_cast %swap3A_349 : vector<1x16xf32> to vector<16xf32>
          %swap3A_351 = vector.shape_cast %mul3A_346 : vector<16xf32> to vector<1x16xf32>
          tpu.vector_store %arg17[%swap3A_347, %swap3A_348], %swap3A_351 {strides = array<i32>} : memref<400x16xf32, #tpu.memory_space<vmem>>, vector<1x16xf32>,
        }
        %scan3A_96 = arith.constant 25 : i32
        %mul3A_97 = arith.constant 400 : i32
        %mul3A_98 = arith.muli %add3A_82, %mul3A_97 : i32
        %add3A_99 = arith.addi %mul3A_11, %mul3A_98 : i32
        %multiple_of3A_100 = tpu.assume_multiple %add3A_99, 8 : i32
        "tpu.region"() ({
          %run_scoped3A = tpu.sem_alloc : memref<!tpu.dma_semaphore, #tpu.memory_space<semaphore_mem>>
          %dma_start3A_109 = tpu.memref_slice %arg3[%multiple_of3A_100] : memref<1600000xi32, #tpu.memory_space<hbm>> -> memref<400xi32, #tpu.memory_space<hbm>>
          %dma_start3A_110 = tpu.memref_slice %arg3[%multiple_of3A_100] : memref<1600000xi32, #tpu.memory_space<hbm>> -> memref<400xi32, #tpu.memory_space<hbm>>
          tpu.enqueue_dma source(%dma_start3A_110 : memref<400xi32, #tpu.memory_space<hbm>>) target(%arg11 : memref<400xi32, #tpu.memory_space<vmem>>) target_semaphore(%run_scoped3A : memref<!tpu.dma_semaphore, #tpu.memory_space<semaphore_mem>>)
          %dma_wait3A_111 = tpu.memref_slice %arg3[%multiple_of3A_100] : memref<1600000xi32, #tpu.memory_space<hbm>> -> memref<400xi32, #tpu.memory_space<hbm>>
          %dma_wait3A_112 = tpu.memref_slice %arg3[%multiple_of3A_100] : memref<1600000xi32, #tpu.memory_space<hbm>> -> memref<400xi32, #tpu.memory_space<hbm>>
          tpu.wait_dma2 semaphore(%run_scoped3A : memref<!tpu.dma_semaphore, #tpu.memory_space<semaphore_mem>>) src(%dma_wait3A_112 : memref<400xi32, #tpu.memory_space<hbm>>) dst(%arg11 : memref<400xi32, #tpu.memory_space<vmem>>)
          tpu.yield
        }) : () -> ()
        %dma_start3A_101 = arith.constant 0 : i32
        %dma_start3A_102 = arith.constant 0 : i32
        %dma_start3A_103 = tpu.memref_slice %arg18[%dma_start3A_101, %dma_start3A_102] : memref<100096x16xf32, #tpu.memory_space<vmem_shared>> -> memref<100096x16xf32, #tpu.memory_space<vmem_shared>>
        tpu.enqueue_indirect_dma source(%arg17 : memref<400x16xf32, #tpu.memory_space<vmem>>) target(%dma_start3A_103 : memref<100096x16xf32, #tpu.memory_space<vmem_shared>>) offsets(%arg11 : memref<400xi32, #tpu.memory_space<vmem>>) semaphore(%arg22 : memref<!tpu.dma_semaphore, #tpu.memory_space<semaphore_mem>>) {add = true}
        %lt3A_104 = arith.constant 124 : i32
        %lt3A_105 = arith.cmpi slt, %scan3A_50, %lt3A_104 : i32
        %convert_element_type3A_106 = arith.extui %lt3A_105 : i1 to i32
        %cond3A_107 = arith.constant 0 : i32
        %cond3A_108 = arith.cmpi ne, %convert_element_type3A_106, %cond3A_107 : i32
        scf.if %cond3A_108 {
          %add3A_109 = arith.constant 2 : i32
          %add3A_110 = arith.addi %add3A_82, %add3A_109 : i32
          %mul3A_111 = arith.constant 400 : i32
          %mul3A_112 = arith.muli %add3A_110, %mul3A_111 : i32
          %add3A_113 = arith.addi %mul3A_11, %mul3A_112 : i32
          %multiple_of3A_114 = tpu.assume_multiple %add3A_113, 8 : i32
          "tpu.region"() ({
            %run_scoped3A = tpu.sem_alloc : memref<!tpu.dma_semaphore, #tpu.memory_space<semaphore_mem>>
            %dma_start3A_118 = tpu.memref_slice %arg2[%multiple_of3A_114] : memref<1600000xi32, #tpu.memory_space<hbm>> -> memref<400xi32, #tpu.memory_space<hbm>>
            %dma_start3A_119 = tpu.memref_slice %arg2[%multiple_of3A_114] : memref<1600000xi32, #tpu.memory_space<hbm>> -> memref<400xi32, #tpu.memory_space<hbm>>
            tpu.enqueue_dma source(%dma_start3A_119 : memref<400xi32, #tpu.memory_space<hbm>>) target(%arg9 : memref<400xi32, #tpu.memory_space<vmem>>) target_semaphore(%run_scoped3A : memref<!tpu.dma_semaphore, #tpu.memory_space<semaphore_mem>>)
            %dma_wait3A_120 = tpu.memref_slice %arg2[%multiple_of3A_114] : memref<1600000xi32, #tpu.memory_space<hbm>> -> memref<400xi32, #tpu.memory_space<hbm>>
            %dma_wait3A_121 = tpu.memref_slice %arg2[%multiple_of3A_114] : memref<1600000xi32, #tpu.memory_space<hbm>> -> memref<400xi32, #tpu.memory_space<hbm>>
            tpu.wait_dma2 semaphore(%run_scoped3A : memref<!tpu.dma_semaphore, #tpu.memory_space<semaphore_mem>>) src(%dma_wait3A_121 : memref<400xi32, #tpu.memory_space<hbm>>) dst(%arg9 : memref<400xi32, #tpu.memory_space<vmem>>)
            tpu.yield
          }) : () -> ()
          "tpu.region"() ({
            %run_scoped3A = tpu.sem_alloc : memref<!tpu.dma_semaphore, #tpu.memory_space<semaphore_mem>>
            %dma_start3A_118 = tpu.memref_slice %arg4[%multiple_of3A_114] : memref<1600000xf32, #tpu.memory_space<hbm>> -> memref<400xf32, #tpu.memory_space<hbm>>
            %dma_start3A_119 = tpu.memref_slice %arg4[%multiple_of3A_114] : memref<1600000xf32, #tpu.memory_space<hbm>> -> memref<400xf32, #tpu.memory_space<hbm>>
            tpu.enqueue_dma source(%dma_start3A_119 : memref<400xf32, #tpu.memory_space<hbm>>) target(%arg13 : memref<400xf32, #tpu.memory_space<vmem>>) target_semaphore(%run_scoped3A : memref<!tpu.dma_semaphore, #tpu.memory_space<semaphore_mem>>)
            %dma_wait3A_120 = tpu.memref_slice %arg4[%multiple_of3A_114] : memref<1600000xf32, #tpu.memory_space<hbm>> -> memref<400xf32, #tpu.memory_space<hbm>>
            %dma_wait3A_121 = tpu.memref_slice %arg4[%multiple_of3A_114] : memref<1600000xf32, #tpu.memory_space<hbm>> -> memref<400xf32, #tpu.memory_space<hbm>>
            tpu.wait_dma2 semaphore(%run_scoped3A : memref<!tpu.dma_semaphore, #tpu.memory_space<semaphore_mem>>) src(%dma_wait3A_121 : memref<400xf32, #tpu.memory_space<hbm>>) dst(%arg13 : memref<400xf32, #tpu.memory_space<vmem>>)
            tpu.yield
          }) : () -> ()
          %dma_start3A_115 = arith.constant 0 : i32
          %dma_start3A_116 = arith.constant 0 : i32
          %dma_start3A_117 = tpu.memref_slice %arg5[%dma_start3A_115, %dma_start3A_116] : memref<100000x16xf32, #tpu.memory_space<hbm>> -> memref<100000x16xf32, #tpu.memory_space<hbm>>
          tpu.enqueue_indirect_dma source(%dma_start3A_117 : memref<100000x16xf32, #tpu.memory_space<hbm>>) target(%arg15 : memref<400x16xf32, #tpu.memory_space<vmem>>) offsets(%arg9 : memref<400xi32, #tpu.memory_space<vmem>>) semaphore(%arg20 : memref<!tpu.dma_semaphore, #tpu.memory_space<semaphore_mem>>)
        } else {
        }
      }
      %scan3A_44 = arith.constant 125 : i32
      %dma_wait3A = arith.constant 0 : i32
      %dma_wait3A_45 = arith.constant 0 : i32
      %dma_wait3A_46 = tpu.memref_slice %arg18[%dma_wait3A, %dma_wait3A_45] : memref<100096x16xf32, #tpu.memory_space<vmem_shared>> -> memref<100096x16xf32, #tpu.memory_space<vmem_shared>>
      tpu.wait_indirect_dma semaphore(%arg21 : memref<!tpu.dma_semaphore, #tpu.memory_space<semaphore_mem>>) src(%arg16 : memref<400x16xf32, #tpu.memory_space<vmem>>) dst(%dma_wait3A_46 : memref<100096x16xf32, #tpu.memory_space<vmem_shared>>)
      %dma_wait3A_47 = arith.constant 0 : i32
      %dma_wait3A_48 = arith.constant 0 : i32
      %dma_wait3A_49 = tpu.memref_slice %arg18[%dma_wait3A_47, %dma_wait3A_48] : memref<100096x16xf32, #tpu.memory_space<vmem_shared>> -> memref<100096x16xf32, #tpu.memory_space<vmem_shared>>
      tpu.wait_indirect_dma semaphore(%arg22 : memref<!tpu.dma_semaphore, #tpu.memory_space<semaphore_mem>>) src(%arg17 : memref<400x16xf32, #tpu.memory_space<vmem>>) dst(%dma_wait3A_49 : memref<100096x16xf32, #tpu.memory_space<vmem_shared>>)
    } else {
    }
    %eq3A_14 = arith.constant 1 : i32
    %eq3A_15 = arith.cmpi eq, %arg0, %eq3A_14 : i32
    %convert_element_type3A_16 = arith.extui %eq3A_15 : i1 to i32
    %cond3A_17 = arith.constant 0 : i32
    %cond3A_18 = arith.cmpi ne, %convert_element_type3A_16, %cond3A_17 : i32
    scf.if %cond3A_18 {
      %add3A = arith.constant 0 : i32
      %add3A_30 = arith.addi %mul3A_11, %add3A : i32
      %multiple_of3A = tpu.assume_multiple %add3A_30, 8 : i32
      "tpu.region"() ({
        %run_scoped3A = tpu.sem_alloc : memref<!tpu.dma_semaphore, #tpu.memory_space<semaphore_mem>>
        %dma_start3A_50 = tpu.memref_slice %arg2[%multiple_of3A] : memref<1600000xi32, #tpu.memory_space<hbm>> -> memref<400xi32, #tpu.memory_space<hbm>>
        %dma_start3A_51 = tpu.memref_slice %arg2[%multiple_of3A] : memref<1600000xi32, #tpu.memory_space<hbm>> -> memref<400xi32, #tpu.memory_space<hbm>>
        tpu.enqueue_dma source(%dma_start3A_51 : memref<400xi32, #tpu.memory_space<hbm>>) target(%arg8 : memref<400xi32, #tpu.memory_space<vmem>>) target_semaphore(%run_scoped3A : memref<!tpu.dma_semaphore, #tpu.memory_space<semaphore_mem>>)
        %dma_wait3A_52 = tpu.memref_slice %arg2[%multiple_of3A] : memref<1600000xi32, #tpu.memory_space<hbm>> -> memref<400xi32, #tpu.memory_space<hbm>>
        %dma_wait3A_53 = tpu.memref_slice %arg2[%multiple_of3A] : memref<1600000xi32, #tpu.memory_space<hbm>> -> memref<400xi32, #tpu.memory_space<hbm>>
        tpu.wait_dma2 semaphore(%run_scoped3A : memref<!tpu.dma_semaphore, #tpu.memory_space<semaphore_mem>>) src(%dma_wait3A_53 : memref<400xi32, #tpu.memory_space<hbm>>) dst(%arg8 : memref<400xi32, #tpu.memory_space<vmem>>)
        tpu.yield
      }) : () -> ()
      "tpu.region"() ({
        %run_scoped3A = tpu.sem_alloc : memref<!tpu.dma_semaphore, #tpu.memory_space<semaphore_mem>>
        %dma_start3A_50 = tpu.memref_slice %arg4[%multiple_of3A] : memref<1600000xf32, #tpu.memory_space<hbm>> -> memref<400xf32, #tpu.memory_space<hbm>>
        %dma_start3A_51 = tpu.memref_slice %arg4[%multiple_of3A] : memref<1600000xf32, #tpu.memory_space<hbm>> -> memref<400xf32, #tpu.memory_space<hbm>>
        tpu.enqueue_dma source(%dma_start3A_51 : memref<400xf32, #tpu.memory_space<hbm>>) target(%arg12 : memref<400xf32, #tpu.memory_space<vmem>>) target_semaphore(%run_scoped3A : memref<!tpu.dma_semaphore, #tpu.memory_space<semaphore_mem>>)
        %dma_wait3A_52 = tpu.memref_slice %arg4[%multiple_of3A] : memref<1600000xf32, #tpu.memory_space<hbm>> -> memref<400xf32, #tpu.memory_space<hbm>>
        %dma_wait3A_53 = tpu.memref_slice %arg4[%multiple_of3A] : memref<1600000xf32, #tpu.memory_space<hbm>> -> memref<400xf32, #tpu.memory_space<hbm>>
        tpu.wait_dma2 semaphore(%run_scoped3A : memref<!tpu.dma_semaphore, #tpu.memory_space<semaphore_mem>>) src(%dma_wait3A_53 : memref<400xf32, #tpu.memory_space<hbm>>) dst(%arg12 : memref<400xf32, #tpu.memory_space<vmem>>)
        tpu.yield
      }) : () -> ()
      %dma_start3A = arith.constant 0 : i32
      %dma_start3A_31 = arith.constant 0 : i32
      %dma_start3A_32 = tpu.memref_slice %arg6[%dma_start3A, %dma_start3A_31] : memref<100000x16xf32, #tpu.memory_space<hbm>> -> memref<100000x16xf32, #tpu.memory_space<hbm>>
      tpu.enqueue_indirect_dma source(%dma_start3A_32 : memref<100000x16xf32, #tpu.memory_space<hbm>>) target(%arg14 : memref<400x16xf32, #tpu.memory_space<vmem>>) offsets(%arg8 : memref<400xi32, #tpu.memory_space<vmem>>) semaphore(%arg19 : memref<!tpu.dma_semaphore, #tpu.memory_space<semaphore_mem>>)
      %add3A_33 = arith.constant 400 : i32
      %add3A_34 = arith.addi %mul3A_11, %add3A_33 : i32
      %multiple_of3A_35 = tpu.assume_multiple %add3A_34, 8 : i32
      "tpu.region"() ({
        %run_scoped3A = tpu.sem_alloc : memref<!tpu.dma_semaphore, #tpu.memory_space<semaphore_mem>>
        %dma_start3A_50 = tpu.memref_slice %arg2[%multiple_of3A_35] : memref<1600000xi32, #tpu.memory_space<hbm>> -> memref<400xi32, #tpu.memory_space<hbm>>
        %dma_start3A_51 = tpu.memref_slice %arg2[%multiple_of3A_35] : memref<1600000xi32, #tpu.memory_space<hbm>> -> memref<400xi32, #tpu.memory_space<hbm>>
        tpu.enqueue_dma source(%dma_start3A_51 : memref<400xi32, #tpu.memory_space<hbm>>) target(%arg9 : memref<400xi32, #tpu.memory_space<vmem>>) target_semaphore(%run_scoped3A : memref<!tpu.dma_semaphore, #tpu.memory_space<semaphore_mem>>)
        %dma_wait3A_52 = tpu.memref_slice %arg2[%multiple_of3A_35] : memref<1600000xi32, #tpu.memory_space<hbm>> -> memref<400xi32, #tpu.memory_space<hbm>>
        %dma_wait3A_53 = tpu.memref_slice %arg2[%multiple_of3A_35] : memref<1600000xi32, #tpu.memory_space<hbm>> -> memref<400xi32, #tpu.memory_space<hbm>>
        tpu.wait_dma2 semaphore(%run_scoped3A : memref<!tpu.dma_semaphore, #tpu.memory_space<semaphore_mem>>) src(%dma_wait3A_53 : memref<400xi32, #tpu.memory_space<hbm>>) dst(%arg9 : memref<400xi32, #tpu.memory_space<vmem>>)
        tpu.yield
      }) : () -> ()
      "tpu.region"() ({
        %run_scoped3A = tpu.sem_alloc : memref<!tpu.dma_semaphore, #tpu.memory_space<semaphore_mem>>
        %dma_start3A_50 = tpu.memref_slice %arg4[%multiple_of3A_35] : memref<1600000xf32, #tpu.memory_space<hbm>> -> memref<400xf32, #tpu.memory_space<hbm>>
        %dma_start3A_51 = tpu.memref_slice %arg4[%multiple_of3A_35] : memref<1600000xf32, #tpu.memory_space<hbm>> -> memref<400xf32, #tpu.memory_space<hbm>>
        tpu.enqueue_dma source(%dma_start3A_51 : memref<400xf32, #tpu.memory_space<hbm>>) target(%arg13 : memref<400xf32, #tpu.memory_space<vmem>>) target_semaphore(%run_scoped3A : memref<!tpu.dma_semaphore, #tpu.memory_space<semaphore_mem>>)
        %dma_wait3A_52 = tpu.memref_slice %arg4[%multiple_of3A_35] : memref<1600000xf32, #tpu.memory_space<hbm>> -> memref<400xf32, #tpu.memory_space<hbm>>
        %dma_wait3A_53 = tpu.memref_slice %arg4[%multiple_of3A_35] : memref<1600000xf32, #tpu.memory_space<hbm>> -> memref<400xf32, #tpu.memory_space<hbm>>
        tpu.wait_dma2 semaphore(%run_scoped3A : memref<!tpu.dma_semaphore, #tpu.memory_space<semaphore_mem>>) src(%dma_wait3A_53 : memref<400xf32, #tpu.memory_space<hbm>>) dst(%arg13 : memref<400xf32, #tpu.memory_space<vmem>>)
        tpu.yield
      }) : () -> ()
      %dma_start3A_36 = arith.constant 0 : i32
      %dma_start3A_37 = arith.constant 0 : i32
      %dma_start3A_38 = tpu.memref_slice %arg6[%dma_start3A_36, %dma_start3A_37] : memref<100000x16xf32, #tpu.memory_space<hbm>> -> memref<100000x16xf32, #tpu.memory_space<hbm>>
      tpu.enqueue_indirect_dma source(%dma_start3A_38 : memref<100000x16xf32, #tpu.memory_space<hbm>>) target(%arg15 : memref<400x16xf32, #tpu.memory_space<vmem>>) offsets(%arg9 : memref<400xi32, #tpu.memory_space<vmem>>) semaphore(%arg20 : memref<!tpu.dma_semaphore, #tpu.memory_space<semaphore_mem>>)
      %scan3A_39 = arith.constant 0 : i32
      %scan3A_40 = arith.constant 0 : i32
      %scan3A_41 = arith.constant 125 : i32
      %scan3A_42 = arith.addi %scan3A_40, %scan3A_41 : i32
      %scan3A_43 = arith.constant 1 : i32
      scf.for %scan3A_50 = %scan3A_40 to %scan3A_42 step %scan3A_43  : i32 {
        %mul3A_51 = arith.constant 2 : i32
        %mul3A_52 = arith.muli %scan3A_50, %mul3A_51 : i32
        %add3A_53 = arith.constant 0 : i32
        %add3A_54 = arith.addi %mul3A_52, %add3A_53 : i32
        %dma_wait3A_55 = arith.constant 0 : i32
        %dma_wait3A_56 = arith.constant 0 : i32
        %dma_wait3A_57 = tpu.memref_slice %arg6[%dma_wait3A_55, %dma_wait3A_56] : memref<100000x16xf32, #tpu.memory_space<hbm>> -> memref<100000x16xf32, #tpu.memory_space<hbm>>
        tpu.wait_indirect_dma semaphore(%arg19 : memref<!tpu.dma_semaphore, #tpu.memory_space<semaphore_mem>>) src(%dma_wait3A_57 : memref<100000x16xf32, #tpu.memory_space<hbm>>) dst(%arg14 : memref<400x16xf32, #tpu.memory_space<vmem>>)
        %gt3A = arith.constant 0 : i32
        %gt3A_58 = arith.cmpi sgt, %scan3A_50, %gt3A : i32
        %convert_element_type3A_59 = arith.extui %gt3A_58 : i1 to i32
        %cond3A_60 = arith.constant 0 : i32
        %cond3A_61 = arith.cmpi ne, %convert_element_type3A_59, %cond3A_60 : i32
        scf.if %cond3A_61 {
          %dma_wait3A_109 = arith.constant 0 : i32
          %dma_wait3A_110 = arith.constant 0 : i32
          %dma_wait3A_111 = tpu.memref_slice %arg18[%dma_wait3A_109, %dma_wait3A_110] : memref<100096x16xf32, #tpu.memory_space<vmem_shared>> -> memref<100096x16xf32, #tpu.memory_space<vmem_shared>>
          tpu.wait_indirect_dma semaphore(%arg21 : memref<!tpu.dma_semaphore, #tpu.memory_space<semaphore_mem>>) src(%arg16 : memref<400x16xf32, #tpu.memory_space<vmem>>) dst(%dma_wait3A_111 : memref<100096x16xf32, #tpu.memory_space<vmem_shared>>)
        } else {
        }
        %scan3A_62 = arith.constant 0 : i32
        %scan3A_63 = arith.constant 0 : i32
        %scan3A_64 = arith.constant 25 : i32
        %scan3A_65 = arith.addi %scan3A_63, %scan3A_64 : i32
        %scan3A_66 = arith.constant 1 : i32
        scf.for %scan3A_109 = %scan3A_63 to %scan3A_65 step %scan3A_66  : i32 {
          %mul3A_110 = arith.constant 16 : i32
          %mul3A_111 = arith.muli %scan3A_109, %mul3A_110 : i32
          %multiple_of3A_112 = tpu.assume_multiple %mul3A_111, 16 : i32
          %get3A = arith.index_cast %multiple_of3A_112 : i32 to index
          %get3A_113 = tpu.vector_load %arg12[%get3A] {strides = array<i32>} : memref<400xf32, #tpu.memory_space<vmem>>, vector<16xf32>,
          %get3A_114 = vector.shape_cast %get3A_113 : vector<16xf32> to vector<16xf32>
          %add3A_115 = arith.constant 0 : i32
          %add3A_116 = arith.addi %multiple_of3A_112, %add3A_115 : i32
          %get3A_117 = arith.index_cast %add3A_116 : i32 to index
          %get3A_118 = arith.constant 0 : index
          %get3A_119 = tpu.vector_load %arg14[%get3A_117, %get3A_118] {strides = array<i32>} : memref<400x16xf32, #tpu.memory_space<vmem>>, vector<1x16xf32>,
          %get3A_120 = vector.shape_cast %get3A_119 : vector<1x16xf32> to vector<16xf32>
          %slice3A = vector.extract_strided_slice %get3A_114 {offsets = [0], sizes = [1], strides = [1]} : vector<16xf32> to vector<1xf32>
          %squeeze3A = vector.extract %slice3A[0] : f32 from vector<1xf32>
          %mul3A_121 = vector.broadcast %squeeze3A : f32 to vector<16xf32>
          %mul3A_122 = arith.mulf %get3A_120, %mul3A_121 : vector<16xf32>
          %swap3A = arith.index_cast %add3A_116 : i32 to index
          %swap3A_123 = arith.constant 0 : index
          %swap3A_124 = tpu.vector_load %arg16[%swap3A, %swap3A_123] {strides = array<i32>} : memref<400x16xf32, #tpu.memory_space<vmem>>, vector<1x16xf32>,
          %swap3A_125 = vector.shape_cast %swap3A_124 : vector<1x16xf32> to vector<16xf32>
          %swap3A_126 = vector.shape_cast %mul3A_122 : vector<16xf32> to vector<1x16xf32>
          tpu.vector_store %arg16[%swap3A, %swap3A_123], %swap3A_126 {strides = array<i32>} : memref<400x16xf32, #tpu.memory_space<vmem>>, vector<1x16xf32>,
          %add3A_127 = arith.constant 1 : i32
          %add3A_128 = arith.addi %multiple_of3A_112, %add3A_127 : i32
          %get3A_129 = arith.index_cast %add3A_128 : i32 to index
          %get3A_130 = arith.constant 0 : index
          %get3A_131 = tpu.vector_load %arg14[%get3A_129, %get3A_130] {strides = array<i32>} : memref<400x16xf32, #tpu.memory_space<vmem>>, vector<1x16xf32>,
          %get3A_132 = vector.shape_cast %get3A_131 : vector<1x16xf32> to vector<16xf32>
          %slice3A_133 = vector.extract_strided_slice %get3A_114 {offsets = [1], sizes = [1], strides = [1]} : vector<16xf32> to vector<1xf32>
          %squeeze3A_134 = vector.extract %slice3A_133[0] : f32 from vector<1xf32>
          %mul3A_135 = vector.broadcast %squeeze3A_134 : f32 to vector<16xf32>
          %mul3A_136 = arith.mulf %get3A_132, %mul3A_135 : vector<16xf32>
          %swap3A_137 = arith.index_cast %add3A_128 : i32 to index
          %swap3A_138 = arith.constant 0 : index
          %swap3A_139 = tpu.vector_load %arg16[%swap3A_137, %swap3A_138] {strides = array<i32>} : memref<400x16xf32, #tpu.memory_space<vmem>>, vector<1x16xf32>,
          %swap3A_140 = vector.shape_cast %swap3A_139 : vector<1x16xf32> to vector<16xf32>
          %swap3A_141 = vector.shape_cast %mul3A_136 : vector<16xf32> to vector<1x16xf32>
          tpu.vector_store %arg16[%swap3A_137, %swap3A_138], %swap3A_141 {strides = array<i32>} : memref<400x16xf32, #tpu.memory_space<vmem>>, vector<1x16xf32>,
          %add3A_142 = arith.constant 2 : i32
          %add3A_143 = arith.addi %multiple_of3A_112, %add3A_142 : i32
          %get3A_144 = arith.index_cast %add3A_143 : i32 to index
          %get3A_145 = arith.constant 0 : index
          %get3A_146 = tpu.vector_load %arg14[%get3A_144, %get3A_145] {strides = array<i32>} : memref<400x16xf32, #tpu.memory_space<vmem>>, vector<1x16xf32>,
          %get3A_147 = vector.shape_cast %get3A_146 : vector<1x16xf32> to vector<16xf32>
          %slice3A_148 = vector.extract_strided_slice %get3A_114 {offsets = [2], sizes = [1], strides = [1]} : vector<16xf32> to vector<1xf32>
          %squeeze3A_149 = vector.extract %slice3A_148[0] : f32 from vector<1xf32>
          %mul3A_150 = vector.broadcast %squeeze3A_149 : f32 to vector<16xf32>
          %mul3A_151 = arith.mulf %get3A_147, %mul3A_150 : vector<16xf32>
          %swap3A_152 = arith.index_cast %add3A_143 : i32 to index
          %swap3A_153 = arith.constant 0 : index
          %swap3A_154 = tpu.vector_load %arg16[%swap3A_152, %swap3A_153] {strides = array<i32>} : memref<400x16xf32, #tpu.memory_space<vmem>>, vector<1x16xf32>,
          %swap3A_155 = vector.shape_cast %swap3A_154 : vector<1x16xf32> to vector<16xf32>
          %swap3A_156 = vector.shape_cast %mul3A_151 : vector<16xf32> to vector<1x16xf32>
          tpu.vector_store %arg16[%swap3A_152, %swap3A_153], %swap3A_156 {strides = array<i32>} : memref<400x16xf32, #tpu.memory_space<vmem>>, vector<1x16xf32>,
          %add3A_157 = arith.constant 3 : i32
          %add3A_158 = arith.addi %multiple_of3A_112, %add3A_157 : i32
          %get3A_159 = arith.index_cast %add3A_158 : i32 to index
          %get3A_160 = arith.constant 0 : index
          %get3A_161 = tpu.vector_load %arg14[%get3A_159, %get3A_160] {strides = array<i32>} : memref<400x16xf32, #tpu.memory_space<vmem>>, vector<1x16xf32>,
          %get3A_162 = vector.shape_cast %get3A_161 : vector<1x16xf32> to vector<16xf32>
          %slice3A_163 = vector.extract_strided_slice %get3A_114 {offsets = [3], sizes = [1], strides = [1]} : vector<16xf32> to vector<1xf32>
          %squeeze3A_164 = vector.extract %slice3A_163[0] : f32 from vector<1xf32>
          %mul3A_165 = vector.broadcast %squeeze3A_164 : f32 to vector<16xf32>
          %mul3A_166 = arith.mulf %get3A_162, %mul3A_165 : vector<16xf32>
          %swap3A_167 = arith.index_cast %add3A_158 : i32 to index
          %swap3A_168 = arith.constant 0 : index
          %swap3A_169 = tpu.vector_load %arg16[%swap3A_167, %swap3A_168] {strides = array<i32>} : memref<400x16xf32, #tpu.memory_space<vmem>>, vector<1x16xf32>,
          %swap3A_170 = vector.shape_cast %swap3A_169 : vector<1x16xf32> to vector<16xf32>
          %swap3A_171 = vector.shape_cast %mul3A_166 : vector<16xf32> to vector<1x16xf32>
          tpu.vector_store %arg16[%swap3A_167, %swap3A_168], %swap3A_171 {strides = array<i32>} : memref<400x16xf32, #tpu.memory_space<vmem>>, vector<1x16xf32>,
          %add3A_172 = arith.constant 4 : i32
          %add3A_173 = arith.addi %multiple_of3A_112, %add3A_172 : i32
          %get3A_174 = arith.index_cast %add3A_173 : i32 to index
          %get3A_175 = arith.constant 0 : index
          %get3A_176 = tpu.vector_load %arg14[%get3A_174, %get3A_175] {strides = array<i32>} : memref<400x16xf32, #tpu.memory_space<vmem>>, vector<1x16xf32>,
          %get3A_177 = vector.shape_cast %get3A_176 : vector<1x16xf32> to vector<16xf32>
          %slice3A_178 = vector.extract_strided_slice %get3A_114 {offsets = [4], sizes = [1], strides = [1]} : vector<16xf32> to vector<1xf32>
          %squeeze3A_179 = vector.extract %slice3A_178[0] : f32 from vector<1xf32>
          %mul3A_180 = vector.broadcast %squeeze3A_179 : f32 to vector<16xf32>
          %mul3A_181 = arith.mulf %get3A_177, %mul3A_180 : vector<16xf32>
          %swap3A_182 = arith.index_cast %add3A_173 : i32 to index
          %swap3A_183 = arith.constant 0 : index
          %swap3A_184 = tpu.vector_load %arg16[%swap3A_182, %swap3A_183] {strides = array<i32>} : memref<400x16xf32, #tpu.memory_space<vmem>>, vector<1x16xf32>,
          %swap3A_185 = vector.shape_cast %swap3A_184 : vector<1x16xf32> to vector<16xf32>
          %swap3A_186 = vector.shape_cast %mul3A_181 : vector<16xf32> to vector<1x16xf32>
          tpu.vector_store %arg16[%swap3A_182, %swap3A_183], %swap3A_186 {strides = array<i32>} : memref<400x16xf32, #tpu.memory_space<vmem>>, vector<1x16xf32>,
          %add3A_187 = arith.constant 5 : i32
          %add3A_188 = arith.addi %multiple_of3A_112, %add3A_187 : i32
          %get3A_189 = arith.index_cast %add3A_188 : i32 to index
          %get3A_190 = arith.constant 0 : index
          %get3A_191 = tpu.vector_load %arg14[%get3A_189, %get3A_190] {strides = array<i32>} : memref<400x16xf32, #tpu.memory_space<vmem>>, vector<1x16xf32>,
          %get3A_192 = vector.shape_cast %get3A_191 : vector<1x16xf32> to vector<16xf32>
          %slice3A_193 = vector.extract_strided_slice %get3A_114 {offsets = [5], sizes = [1], strides = [1]} : vector<16xf32> to vector<1xf32>
          %squeeze3A_194 = vector.extract %slice3A_193[0] : f32 from vector<1xf32>
          %mul3A_195 = vector.broadcast %squeeze3A_194 : f32 to vector<16xf32>
          %mul3A_196 = arith.mulf %get3A_192, %mul3A_195 : vector<16xf32>
          %swap3A_197 = arith.index_cast %add3A_188 : i32 to index
          %swap3A_198 = arith.constant 0 : index
          %swap3A_199 = tpu.vector_load %arg16[%swap3A_197, %swap3A_198] {strides = array<i32>} : memref<400x16xf32, #tpu.memory_space<vmem>>, vector<1x16xf32>,
          %swap3A_200 = vector.shape_cast %swap3A_199 : vector<1x16xf32> to vector<16xf32>
          %swap3A_201 = vector.shape_cast %mul3A_196 : vector<16xf32> to vector<1x16xf32>
          tpu.vector_store %arg16[%swap3A_197, %swap3A_198], %swap3A_201 {strides = array<i32>} : memref<400x16xf32, #tpu.memory_space<vmem>>, vector<1x16xf32>,
          %add3A_202 = arith.constant 6 : i32
          %add3A_203 = arith.addi %multiple_of3A_112, %add3A_202 : i32
          %get3A_204 = arith.index_cast %add3A_203 : i32 to index
          %get3A_205 = arith.constant 0 : index
          %get3A_206 = tpu.vector_load %arg14[%get3A_204, %get3A_205] {strides = array<i32>} : memref<400x16xf32, #tpu.memory_space<vmem>>, vector<1x16xf32>,
          %get3A_207 = vector.shape_cast %get3A_206 : vector<1x16xf32> to vector<16xf32>
          %slice3A_208 = vector.extract_strided_slice %get3A_114 {offsets = [6], sizes = [1], strides = [1]} : vector<16xf32> to vector<1xf32>
          %squeeze3A_209 = vector.extract %slice3A_208[0] : f32 from vector<1xf32>
          %mul3A_210 = vector.broadcast %squeeze3A_209 : f32 to vector<16xf32>
          %mul3A_211 = arith.mulf %get3A_207, %mul3A_210 : vector<16xf32>
          %swap3A_212 = arith.index_cast %add3A_203 : i32 to index
          %swap3A_213 = arith.constant 0 : index
          %swap3A_214 = tpu.vector_load %arg16[%swap3A_212, %swap3A_213] {strides = array<i32>} : memref<400x16xf32, #tpu.memory_space<vmem>>, vector<1x16xf32>,
          %swap3A_215 = vector.shape_cast %swap3A_214 : vector<1x16xf32> to vector<16xf32>
          %swap3A_216 = vector.shape_cast %mul3A_211 : vector<16xf32> to vector<1x16xf32>
          tpu.vector_store %arg16[%swap3A_212, %swap3A_213], %swap3A_216 {strides = array<i32>} : memref<400x16xf32, #tpu.memory_space<vmem>>, vector<1x16xf32>,
          %add3A_217 = arith.constant 7 : i32
          %add3A_218 = arith.addi %multiple_of3A_112, %add3A_217 : i32
          %get3A_219 = arith.index_cast %add3A_218 : i32 to index
          %get3A_220 = arith.constant 0 : index
          %get3A_221 = tpu.vector_load %arg14[%get3A_219, %get3A_220] {strides = array<i32>} : memref<400x16xf32, #tpu.memory_space<vmem>>, vector<1x16xf32>,
          %get3A_222 = vector.shape_cast %get3A_221 : vector<1x16xf32> to vector<16xf32>
          %slice3A_223 = vector.extract_strided_slice %get3A_114 {offsets = [7], sizes = [1], strides = [1]} : vector<16xf32> to vector<1xf32>
          %squeeze3A_224 = vector.extract %slice3A_223[0] : f32 from vector<1xf32>
          %mul3A_225 = vector.broadcast %squeeze3A_224 : f32 to vector<16xf32>
          %mul3A_226 = arith.mulf %get3A_222, %mul3A_225 : vector<16xf32>
          %swap3A_227 = arith.index_cast %add3A_218 : i32 to index
          %swap3A_228 = arith.constant 0 : index
          %swap3A_229 = tpu.vector_load %arg16[%swap3A_227, %swap3A_228] {strides = array<i32>} : memref<400x16xf32, #tpu.memory_space<vmem>>, vector<1x16xf32>,
          %swap3A_230 = vector.shape_cast %swap3A_229 : vector<1x16xf32> to vector<16xf32>
          %swap3A_231 = vector.shape_cast %mul3A_226 : vector<16xf32> to vector<1x16xf32>
          tpu.vector_store %arg16[%swap3A_227, %swap3A_228], %swap3A_231 {strides = array<i32>} : memref<400x16xf32, #tpu.memory_space<vmem>>, vector<1x16xf32>,
          %add3A_232 = arith.constant 8 : i32
          %add3A_233 = arith.addi %multiple_of3A_112, %add3A_232 : i32
          %get3A_234 = arith.index_cast %add3A_233 : i32 to index
          %get3A_235 = arith.constant 0 : index
          %get3A_236 = tpu.vector_load %arg14[%get3A_234, %get3A_235] {strides = array<i32>} : memref<400x16xf32, #tpu.memory_space<vmem>>, vector<1x16xf32>,
          %get3A_237 = vector.shape_cast %get3A_236 : vector<1x16xf32> to vector<16xf32>
          %slice3A_238 = vector.extract_strided_slice %get3A_114 {offsets = [8], sizes = [1], strides = [1]} : vector<16xf32> to vector<1xf32>
          %squeeze3A_239 = vector.extract %slice3A_238[0] : f32 from vector<1xf32>
          %mul3A_240 = vector.broadcast %squeeze3A_239 : f32 to vector<16xf32>
          %mul3A_241 = arith.mulf %get3A_237, %mul3A_240 : vector<16xf32>
          %swap3A_242 = arith.index_cast %add3A_233 : i32 to index
          %swap3A_243 = arith.constant 0 : index
          %swap3A_244 = tpu.vector_load %arg16[%swap3A_242, %swap3A_243] {strides = array<i32>} : memref<400x16xf32, #tpu.memory_space<vmem>>, vector<1x16xf32>,
          %swap3A_245 = vector.shape_cast %swap3A_244 : vector<1x16xf32> to vector<16xf32>
          %swap3A_246 = vector.shape_cast %mul3A_241 : vector<16xf32> to vector<1x16xf32>
          tpu.vector_store %arg16[%swap3A_242, %swap3A_243], %swap3A_246 {strides = array<i32>} : memref<400x16xf32, #tpu.memory_space<vmem>>, vector<1x16xf32>,
          %add3A_247 = arith.constant 9 : i32
          %add3A_248 = arith.addi %multiple_of3A_112, %add3A_247 : i32
          %get3A_249 = arith.index_cast %add3A_248 : i32 to index
          %get3A_250 = arith.constant 0 : index
          %get3A_251 = tpu.vector_load %arg14[%get3A_249, %get3A_250] {strides = array<i32>} : memref<400x16xf32, #tpu.memory_space<vmem>>, vector<1x16xf32>,
          %get3A_252 = vector.shape_cast %get3A_251 : vector<1x16xf32> to vector<16xf32>
          %slice3A_253 = vector.extract_strided_slice %get3A_114 {offsets = [9], sizes = [1], strides = [1]} : vector<16xf32> to vector<1xf32>
          %squeeze3A_254 = vector.extract %slice3A_253[0] : f32 from vector<1xf32>
          %mul3A_255 = vector.broadcast %squeeze3A_254 : f32 to vector<16xf32>
          %mul3A_256 = arith.mulf %get3A_252, %mul3A_255 : vector<16xf32>
          %swap3A_257 = arith.index_cast %add3A_248 : i32 to index
          %swap3A_258 = arith.constant 0 : index
          %swap3A_259 = tpu.vector_load %arg16[%swap3A_257, %swap3A_258] {strides = array<i32>} : memref<400x16xf32, #tpu.memory_space<vmem>>, vector<1x16xf32>,
          %swap3A_260 = vector.shape_cast %swap3A_259 : vector<1x16xf32> to vector<16xf32>
          %swap3A_261 = vector.shape_cast %mul3A_256 : vector<16xf32> to vector<1x16xf32>
          tpu.vector_store %arg16[%swap3A_257, %swap3A_258], %swap3A_261 {strides = array<i32>} : memref<400x16xf32, #tpu.memory_space<vmem>>, vector<1x16xf32>,
          %add3A_262 = arith.constant 10 : i32
          %add3A_263 = arith.addi %multiple_of3A_112, %add3A_262 : i32
          %get3A_264 = arith.index_cast %add3A_263 : i32 to index
          %get3A_265 = arith.constant 0 : index
          %get3A_266 = tpu.vector_load %arg14[%get3A_264, %get3A_265] {strides = array<i32>} : memref<400x16xf32, #tpu.memory_space<vmem>>, vector<1x16xf32>,
          %get3A_267 = vector.shape_cast %get3A_266 : vector<1x16xf32> to vector<16xf32>
          %slice3A_268 = vector.extract_strided_slice %get3A_114 {offsets = [10], sizes = [1], strides = [1]} : vector<16xf32> to vector<1xf32>
          %squeeze3A_269 = vector.extract %slice3A_268[0] : f32 from vector<1xf32>
          %mul3A_270 = vector.broadcast %squeeze3A_269 : f32 to vector<16xf32>
          %mul3A_271 = arith.mulf %get3A_267, %mul3A_270 : vector<16xf32>
          %swap3A_272 = arith.index_cast %add3A_263 : i32 to index
          %swap3A_273 = arith.constant 0 : index
          %swap3A_274 = tpu.vector_load %arg16[%swap3A_272, %swap3A_273] {strides = array<i32>} : memref<400x16xf32, #tpu.memory_space<vmem>>, vector<1x16xf32>,
          %swap3A_275 = vector.shape_cast %swap3A_274 : vector<1x16xf32> to vector<16xf32>
          %swap3A_276 = vector.shape_cast %mul3A_271 : vector<16xf32> to vector<1x16xf32>
          tpu.vector_store %arg16[%swap3A_272, %swap3A_273], %swap3A_276 {strides = array<i32>} : memref<400x16xf32, #tpu.memory_space<vmem>>, vector<1x16xf32>,
          %add3A_277 = arith.constant 11 : i32
          %add3A_278 = arith.addi %multiple_of3A_112, %add3A_277 : i32
          %get3A_279 = arith.index_cast %add3A_278 : i32 to index
          %get3A_280 = arith.constant 0 : index
          %get3A_281 = tpu.vector_load %arg14[%get3A_279, %get3A_280] {strides = array<i32>} : memref<400x16xf32, #tpu.memory_space<vmem>>, vector<1x16xf32>,
          %get3A_282 = vector.shape_cast %get3A_281 : vector<1x16xf32> to vector<16xf32>
          %slice3A_283 = vector.extract_strided_slice %get3A_114 {offsets = [11], sizes = [1], strides = [1]} : vector<16xf32> to vector<1xf32>
          %squeeze3A_284 = vector.extract %slice3A_283[0] : f32 from vector<1xf32>
          %mul3A_285 = vector.broadcast %squeeze3A_284 : f32 to vector<16xf32>
          %mul3A_286 = arith.mulf %get3A_282, %mul3A_285 : vector<16xf32>
          %swap3A_287 = arith.index_cast %add3A_278 : i32 to index
          %swap3A_288 = arith.constant 0 : index
          %swap3A_289 = tpu.vector_load %arg16[%swap3A_287, %swap3A_288] {strides = array<i32>} : memref<400x16xf32, #tpu.memory_space<vmem>>, vector<1x16xf32>,
          %swap3A_290 = vector.shape_cast %swap3A_289 : vector<1x16xf32> to vector<16xf32>
          %swap3A_291 = vector.shape_cast %mul3A_286 : vector<16xf32> to vector<1x16xf32>
          tpu.vector_store %arg16[%swap3A_287, %swap3A_288], %swap3A_291 {strides = array<i32>} : memref<400x16xf32, #tpu.memory_space<vmem>>, vector<1x16xf32>,
          %add3A_292 = arith.constant 12 : i32
          %add3A_293 = arith.addi %multiple_of3A_112, %add3A_292 : i32
          %get3A_294 = arith.index_cast %add3A_293 : i32 to index
          %get3A_295 = arith.constant 0 : index
          %get3A_296 = tpu.vector_load %arg14[%get3A_294, %get3A_295] {strides = array<i32>} : memref<400x16xf32, #tpu.memory_space<vmem>>, vector<1x16xf32>,
          %get3A_297 = vector.shape_cast %get3A_296 : vector<1x16xf32> to vector<16xf32>
          %slice3A_298 = vector.extract_strided_slice %get3A_114 {offsets = [12], sizes = [1], strides = [1]} : vector<16xf32> to vector<1xf32>
          %squeeze3A_299 = vector.extract %slice3A_298[0] : f32 from vector<1xf32>
          %mul3A_300 = vector.broadcast %squeeze3A_299 : f32 to vector<16xf32>
          %mul3A_301 = arith.mulf %get3A_297, %mul3A_300 : vector<16xf32>
          %swap3A_302 = arith.index_cast %add3A_293 : i32 to index
          %swap3A_303 = arith.constant 0 : index
          %swap3A_304 = tpu.vector_load %arg16[%swap3A_302, %swap3A_303] {strides = array<i32>} : memref<400x16xf32, #tpu.memory_space<vmem>>, vector<1x16xf32>,
          %swap3A_305 = vector.shape_cast %swap3A_304 : vector<1x16xf32> to vector<16xf32>
          %swap3A_306 = vector.shape_cast %mul3A_301 : vector<16xf32> to vector<1x16xf32>
          tpu.vector_store %arg16[%swap3A_302, %swap3A_303], %swap3A_306 {strides = array<i32>} : memref<400x16xf32, #tpu.memory_space<vmem>>, vector<1x16xf32>,
          %add3A_307 = arith.constant 13 : i32
          %add3A_308 = arith.addi %multiple_of3A_112, %add3A_307 : i32
          %get3A_309 = arith.index_cast %add3A_308 : i32 to index
          %get3A_310 = arith.constant 0 : index
          %get3A_311 = tpu.vector_load %arg14[%get3A_309, %get3A_310] {strides = array<i32>} : memref<400x16xf32, #tpu.memory_space<vmem>>, vector<1x16xf32>,
          %get3A_312 = vector.shape_cast %get3A_311 : vector<1x16xf32> to vector<16xf32>
          %slice3A_313 = vector.extract_strided_slice %get3A_114 {offsets = [13], sizes = [1], strides = [1]} : vector<16xf32> to vector<1xf32>
          %squeeze3A_314 = vector.extract %slice3A_313[0] : f32 from vector<1xf32>
          %mul3A_315 = vector.broadcast %squeeze3A_314 : f32 to vector<16xf32>
          %mul3A_316 = arith.mulf %get3A_312, %mul3A_315 : vector<16xf32>
          %swap3A_317 = arith.index_cast %add3A_308 : i32 to index
          %swap3A_318 = arith.constant 0 : index
          %swap3A_319 = tpu.vector_load %arg16[%swap3A_317, %swap3A_318] {strides = array<i32>} : memref<400x16xf32, #tpu.memory_space<vmem>>, vector<1x16xf32>,
          %swap3A_320 = vector.shape_cast %swap3A_319 : vector<1x16xf32> to vector<16xf32>
          %swap3A_321 = vector.shape_cast %mul3A_316 : vector<16xf32> to vector<1x16xf32>
          tpu.vector_store %arg16[%swap3A_317, %swap3A_318], %swap3A_321 {strides = array<i32>} : memref<400x16xf32, #tpu.memory_space<vmem>>, vector<1x16xf32>,
          %add3A_322 = arith.constant 14 : i32
          %add3A_323 = arith.addi %multiple_of3A_112, %add3A_322 : i32
          %get3A_324 = arith.index_cast %add3A_323 : i32 to index
          %get3A_325 = arith.constant 0 : index
          %get3A_326 = tpu.vector_load %arg14[%get3A_324, %get3A_325] {strides = array<i32>} : memref<400x16xf32, #tpu.memory_space<vmem>>, vector<1x16xf32>,
          %get3A_327 = vector.shape_cast %get3A_326 : vector<1x16xf32> to vector<16xf32>
          %slice3A_328 = vector.extract_strided_slice %get3A_114 {offsets = [14], sizes = [1], strides = [1]} : vector<16xf32> to vector<1xf32>
          %squeeze3A_329 = vector.extract %slice3A_328[0] : f32 from vector<1xf32>
          %mul3A_330 = vector.broadcast %squeeze3A_329 : f32 to vector<16xf32>
          %mul3A_331 = arith.mulf %get3A_327, %mul3A_330 : vector<16xf32>
          %swap3A_332 = arith.index_cast %add3A_323 : i32 to index
          %swap3A_333 = arith.constant 0 : index
          %swap3A_334 = tpu.vector_load %arg16[%swap3A_332, %swap3A_333] {strides = array<i32>} : memref<400x16xf32, #tpu.memory_space<vmem>>, vector<1x16xf32>,
          %swap3A_335 = vector.shape_cast %swap3A_334 : vector<1x16xf32> to vector<16xf32>
          %swap3A_336 = vector.shape_cast %mul3A_331 : vector<16xf32> to vector<1x16xf32>
          tpu.vector_store %arg16[%swap3A_332, %swap3A_333], %swap3A_336 {strides = array<i32>} : memref<400x16xf32, #tpu.memory_space<vmem>>, vector<1x16xf32>,
          %add3A_337 = arith.constant 15 : i32
          %add3A_338 = arith.addi %multiple_of3A_112, %add3A_337 : i32
          %get3A_339 = arith.index_cast %add3A_338 : i32 to index
          %get3A_340 = arith.constant 0 : index
          %get3A_341 = tpu.vector_load %arg14[%get3A_339, %get3A_340] {strides = array<i32>} : memref<400x16xf32, #tpu.memory_space<vmem>>, vector<1x16xf32>,
          %get3A_342 = vector.shape_cast %get3A_341 : vector<1x16xf32> to vector<16xf32>
          %slice3A_343 = vector.extract_strided_slice %get3A_114 {offsets = [15], sizes = [1], strides = [1]} : vector<16xf32> to vector<1xf32>
          %squeeze3A_344 = vector.extract %slice3A_343[0] : f32 from vector<1xf32>
          %mul3A_345 = vector.broadcast %squeeze3A_344 : f32 to vector<16xf32>
          %mul3A_346 = arith.mulf %get3A_342, %mul3A_345 : vector<16xf32>
          %swap3A_347 = arith.index_cast %add3A_338 : i32 to index
          %swap3A_348 = arith.constant 0 : index
          %swap3A_349 = tpu.vector_load %arg16[%swap3A_347, %swap3A_348] {strides = array<i32>} : memref<400x16xf32, #tpu.memory_space<vmem>>, vector<1x16xf32>,
          %swap3A_350 = vector.shape_cast %swap3A_349 : vector<1x16xf32> to vector<16xf32>
          %swap3A_351 = vector.shape_cast %mul3A_346 : vector<16xf32> to vector<1x16xf32>
          tpu.vector_store %arg16[%swap3A_347, %swap3A_348], %swap3A_351 {strides = array<i32>} : memref<400x16xf32, #tpu.memory_space<vmem>>, vector<1x16xf32>,
        }
        %scan3A_67 = arith.constant 25 : i32
        %mul3A_68 = arith.constant 400 : i32
        %mul3A_69 = arith.muli %add3A_54, %mul3A_68 : i32
        %add3A_70 = arith.addi %mul3A_11, %mul3A_69 : i32
        %multiple_of3A_71 = tpu.assume_multiple %add3A_70, 8 : i32
        "tpu.region"() ({
          %run_scoped3A = tpu.sem_alloc : memref<!tpu.dma_semaphore, #tpu.memory_space<semaphore_mem>>
          %dma_start3A_109 = tpu.memref_slice %arg3[%multiple_of3A_71] : memref<1600000xi32, #tpu.memory_space<hbm>> -> memref<400xi32, #tpu.memory_space<hbm>>
          %dma_start3A_110 = tpu.memref_slice %arg3[%multiple_of3A_71] : memref<1600000xi32, #tpu.memory_space<hbm>> -> memref<400xi32, #tpu.memory_space<hbm>>
          tpu.enqueue_dma source(%dma_start3A_110 : memref<400xi32, #tpu.memory_space<hbm>>) target(%arg10 : memref<400xi32, #tpu.memory_space<vmem>>) target_semaphore(%run_scoped3A : memref<!tpu.dma_semaphore, #tpu.memory_space<semaphore_mem>>)
          %dma_wait3A_111 = tpu.memref_slice %arg3[%multiple_of3A_71] : memref<1600000xi32, #tpu.memory_space<hbm>> -> memref<400xi32, #tpu.memory_space<hbm>>
          %dma_wait3A_112 = tpu.memref_slice %arg3[%multiple_of3A_71] : memref<1600000xi32, #tpu.memory_space<hbm>> -> memref<400xi32, #tpu.memory_space<hbm>>
          tpu.wait_dma2 semaphore(%run_scoped3A : memref<!tpu.dma_semaphore, #tpu.memory_space<semaphore_mem>>) src(%dma_wait3A_112 : memref<400xi32, #tpu.memory_space<hbm>>) dst(%arg10 : memref<400xi32, #tpu.memory_space<vmem>>)
          tpu.yield
        }) : () -> ()
        %dma_start3A_72 = arith.constant 0 : i32
        %dma_start3A_73 = arith.constant 0 : i32
        %dma_start3A_74 = tpu.memref_slice %arg18[%dma_start3A_72, %dma_start3A_73] : memref<100096x16xf32, #tpu.memory_space<vmem_shared>> -> memref<100096x16xf32, #tpu.memory_space<vmem_shared>>
        tpu.enqueue_indirect_dma source(%arg16 : memref<400x16xf32, #tpu.memory_space<vmem>>) target(%dma_start3A_74 : memref<100096x16xf32, #tpu.memory_space<vmem_shared>>) offsets(%arg10 : memref<400xi32, #tpu.memory_space<vmem>>) semaphore(%arg21 : memref<!tpu.dma_semaphore, #tpu.memory_space<semaphore_mem>>) {add = true}
        %lt3A = arith.constant 124 : i32
        %lt3A_75 = arith.cmpi slt, %scan3A_50, %lt3A : i32
        %convert_element_type3A_76 = arith.extui %lt3A_75 : i1 to i32
        %cond3A_77 = arith.constant 0 : i32
        %cond3A_78 = arith.cmpi ne, %convert_element_type3A_76, %cond3A_77 : i32
        scf.if %cond3A_78 {
          %add3A_109 = arith.constant 2 : i32
          %add3A_110 = arith.addi %add3A_54, %add3A_109 : i32
          %mul3A_111 = arith.constant 400 : i32
          %mul3A_112 = arith.muli %add3A_110, %mul3A_111 : i32
          %add3A_113 = arith.addi %mul3A_11, %mul3A_112 : i32
          %multiple_of3A_114 = tpu.assume_multiple %add3A_113, 8 : i32
          "tpu.region"() ({
            %run_scoped3A = tpu.sem_alloc : memref<!tpu.dma_semaphore, #tpu.memory_space<semaphore_mem>>
            %dma_start3A_118 = tpu.memref_slice %arg2[%multiple_of3A_114] : memref<1600000xi32, #tpu.memory_space<hbm>> -> memref<400xi32, #tpu.memory_space<hbm>>
            %dma_start3A_119 = tpu.memref_slice %arg2[%multiple_of3A_114] : memref<1600000xi32, #tpu.memory_space<hbm>> -> memref<400xi32, #tpu.memory_space<hbm>>
            tpu.enqueue_dma source(%dma_start3A_119 : memref<400xi32, #tpu.memory_space<hbm>>) target(%arg8 : memref<400xi32, #tpu.memory_space<vmem>>) target_semaphore(%run_scoped3A : memref<!tpu.dma_semaphore, #tpu.memory_space<semaphore_mem>>)
            %dma_wait3A_120 = tpu.memref_slice %arg2[%multiple_of3A_114] : memref<1600000xi32, #tpu.memory_space<hbm>> -> memref<400xi32, #tpu.memory_space<hbm>>
            %dma_wait3A_121 = tpu.memref_slice %arg2[%multiple_of3A_114] : memref<1600000xi32, #tpu.memory_space<hbm>> -> memref<400xi32, #tpu.memory_space<hbm>>
            tpu.wait_dma2 semaphore(%run_scoped3A : memref<!tpu.dma_semaphore, #tpu.memory_space<semaphore_mem>>) src(%dma_wait3A_121 : memref<400xi32, #tpu.memory_space<hbm>>) dst(%arg8 : memref<400xi32, #tpu.memory_space<vmem>>)
            tpu.yield
          }) : () -> ()
          "tpu.region"() ({
            %run_scoped3A = tpu.sem_alloc : memref<!tpu.dma_semaphore, #tpu.memory_space<semaphore_mem>>
            %dma_start3A_118 = tpu.memref_slice %arg4[%multiple_of3A_114] : memref<1600000xf32, #tpu.memory_space<hbm>> -> memref<400xf32, #tpu.memory_space<hbm>>
            %dma_start3A_119 = tpu.memref_slice %arg4[%multiple_of3A_114] : memref<1600000xf32, #tpu.memory_space<hbm>> -> memref<400xf32, #tpu.memory_space<hbm>>
            tpu.enqueue_dma source(%dma_start3A_119 : memref<400xf32, #tpu.memory_space<hbm>>) target(%arg12 : memref<400xf32, #tpu.memory_space<vmem>>) target_semaphore(%run_scoped3A : memref<!tpu.dma_semaphore, #tpu.memory_space<semaphore_mem>>)
            %dma_wait3A_120 = tpu.memref_slice %arg4[%multiple_of3A_114] : memref<1600000xf32, #tpu.memory_space<hbm>> -> memref<400xf32, #tpu.memory_space<hbm>>
            %dma_wait3A_121 = tpu.memref_slice %arg4[%multiple_of3A_114] : memref<1600000xf32, #tpu.memory_space<hbm>> -> memref<400xf32, #tpu.memory_space<hbm>>
            tpu.wait_dma2 semaphore(%run_scoped3A : memref<!tpu.dma_semaphore, #tpu.memory_space<semaphore_mem>>) src(%dma_wait3A_121 : memref<400xf32, #tpu.memory_space<hbm>>) dst(%arg12 : memref<400xf32, #tpu.memory_space<vmem>>)
            tpu.yield
          }) : () -> ()
          %dma_start3A_115 = arith.constant 0 : i32
          %dma_start3A_116 = arith.constant 0 : i32
          %dma_start3A_117 = tpu.memref_slice %arg6[%dma_start3A_115, %dma_start3A_116] : memref<100000x16xf32, #tpu.memory_space<hbm>> -> memref<100000x16xf32, #tpu.memory_space<hbm>>
          tpu.enqueue_indirect_dma source(%dma_start3A_117 : memref<100000x16xf32, #tpu.memory_space<hbm>>) target(%arg14 : memref<400x16xf32, #tpu.memory_space<vmem>>) offsets(%arg8 : memref<400xi32, #tpu.memory_space<vmem>>) semaphore(%arg19 : memref<!tpu.dma_semaphore, #tpu.memory_space<semaphore_mem>>)
        } else {
        }
        %mul3A_79 = arith.constant 2 : i32
        %mul3A_80 = arith.muli %scan3A_50, %mul3A_79 : i32
        %add3A_81 = arith.constant 1 : i32
        %add3A_82 = arith.addi %mul3A_80, %add3A_81 : i32
        %dma_wait3A_83 = arith.constant 0 : i32
        %dma_wait3A_84 = arith.constant 0 : i32
        %dma_wait3A_85 = tpu.memref_slice %arg6[%dma_wait3A_83, %dma_wait3A_84] : memref<100000x16xf32, #tpu.memory_space<hbm>> -> memref<100000x16xf32, #tpu.memory_space<hbm>>
        tpu.wait_indirect_dma semaphore(%arg20 : memref<!tpu.dma_semaphore, #tpu.memory_space<semaphore_mem>>) src(%dma_wait3A_85 : memref<100000x16xf32, #tpu.memory_space<hbm>>) dst(%arg15 : memref<400x16xf32, #tpu.memory_space<vmem>>)
        %gt3A_86 = arith.constant 0 : i32
        %gt3A_87 = arith.cmpi sgt, %scan3A_50, %gt3A_86 : i32
        %convert_element_type3A_88 = arith.extui %gt3A_87 : i1 to i32
        %cond3A_89 = arith.constant 0 : i32
        %cond3A_90 = arith.cmpi ne, %convert_element_type3A_88, %cond3A_89 : i32
        scf.if %cond3A_90 {
          %dma_wait3A_109 = arith.constant 0 : i32
          %dma_wait3A_110 = arith.constant 0 : i32
          %dma_wait3A_111 = tpu.memref_slice %arg18[%dma_wait3A_109, %dma_wait3A_110] : memref<100096x16xf32, #tpu.memory_space<vmem_shared>> -> memref<100096x16xf32, #tpu.memory_space<vmem_shared>>
          tpu.wait_indirect_dma semaphore(%arg22 : memref<!tpu.dma_semaphore, #tpu.memory_space<semaphore_mem>>) src(%arg17 : memref<400x16xf32, #tpu.memory_space<vmem>>) dst(%dma_wait3A_111 : memref<100096x16xf32, #tpu.memory_space<vmem_shared>>)
        } else {
        }
        %scan3A_91 = arith.constant 0 : i32
        %scan3A_92 = arith.constant 0 : i32
        %scan3A_93 = arith.constant 25 : i32
        %scan3A_94 = arith.addi %scan3A_92, %scan3A_93 : i32
        %scan3A_95 = arith.constant 1 : i32
        scf.for %scan3A_109 = %scan3A_92 to %scan3A_94 step %scan3A_95  : i32 {
          %mul3A_110 = arith.constant 16 : i32
          %mul3A_111 = arith.muli %scan3A_109, %mul3A_110 : i32
          %multiple_of3A_112 = tpu.assume_multiple %mul3A_111, 16 : i32
          %get3A = arith.index_cast %multiple_of3A_112 : i32 to index
          %get3A_113 = tpu.vector_load %arg13[%get3A] {strides = array<i32>} : memref<400xf32, #tpu.memory_space<vmem>>, vector<16xf32>,
          %get3A_114 = vector.shape_cast %get3A_113 : vector<16xf32> to vector<16xf32>
          %add3A_115 = arith.constant 0 : i32
          %add3A_116 = arith.addi %multiple_of3A_112, %add3A_115 : i32
          %get3A_117 = arith.index_cast %add3A_116 : i32 to index
          %get3A_118 = arith.constant 0 : index
          %get3A_119 = tpu.vector_load %arg15[%get3A_117, %get3A_118] {strides = array<i32>} : memref<400x16xf32, #tpu.memory_space<vmem>>, vector<1x16xf32>,
          %get3A_120 = vector.shape_cast %get3A_119 : vector<1x16xf32> to vector<16xf32>
          %slice3A = vector.extract_strided_slice %get3A_114 {offsets = [0], sizes = [1], strides = [1]} : vector<16xf32> to vector<1xf32>
          %squeeze3A = vector.extract %slice3A[0] : f32 from vector<1xf32>
          %mul3A_121 = vector.broadcast %squeeze3A : f32 to vector<16xf32>
          %mul3A_122 = arith.mulf %get3A_120, %mul3A_121 : vector<16xf32>
          %swap3A = arith.index_cast %add3A_116 : i32 to index
          %swap3A_123 = arith.constant 0 : index
          %swap3A_124 = tpu.vector_load %arg17[%swap3A, %swap3A_123] {strides = array<i32>} : memref<400x16xf32, #tpu.memory_space<vmem>>, vector<1x16xf32>,
          %swap3A_125 = vector.shape_cast %swap3A_124 : vector<1x16xf32> to vector<16xf32>
          %swap3A_126 = vector.shape_cast %mul3A_122 : vector<16xf32> to vector<1x16xf32>
          tpu.vector_store %arg17[%swap3A, %swap3A_123], %swap3A_126 {strides = array<i32>} : memref<400x16xf32, #tpu.memory_space<vmem>>, vector<1x16xf32>,
          %add3A_127 = arith.constant 1 : i32
          %add3A_128 = arith.addi %multiple_of3A_112, %add3A_127 : i32
          %get3A_129 = arith.index_cast %add3A_128 : i32 to index
          %get3A_130 = arith.constant 0 : index
          %get3A_131 = tpu.vector_load %arg15[%get3A_129, %get3A_130] {strides = array<i32>} : memref<400x16xf32, #tpu.memory_space<vmem>>, vector<1x16xf32>,
          %get3A_132 = vector.shape_cast %get3A_131 : vector<1x16xf32> to vector<16xf32>
          %slice3A_133 = vector.extract_strided_slice %get3A_114 {offsets = [1], sizes = [1], strides = [1]} : vector<16xf32> to vector<1xf32>
          %squeeze3A_134 = vector.extract %slice3A_133[0] : f32 from vector<1xf32>
          %mul3A_135 = vector.broadcast %squeeze3A_134 : f32 to vector<16xf32>
          %mul3A_136 = arith.mulf %get3A_132, %mul3A_135 : vector<16xf32>
          %swap3A_137 = arith.index_cast %add3A_128 : i32 to index
          %swap3A_138 = arith.constant 0 : index
          %swap3A_139 = tpu.vector_load %arg17[%swap3A_137, %swap3A_138] {strides = array<i32>} : memref<400x16xf32, #tpu.memory_space<vmem>>, vector<1x16xf32>,
          %swap3A_140 = vector.shape_cast %swap3A_139 : vector<1x16xf32> to vector<16xf32>
          %swap3A_141 = vector.shape_cast %mul3A_136 : vector<16xf32> to vector<1x16xf32>
          tpu.vector_store %arg17[%swap3A_137, %swap3A_138], %swap3A_141 {strides = array<i32>} : memref<400x16xf32, #tpu.memory_space<vmem>>, vector<1x16xf32>,
          %add3A_142 = arith.constant 2 : i32
          %add3A_143 = arith.addi %multiple_of3A_112, %add3A_142 : i32
          %get3A_144 = arith.index_cast %add3A_143 : i32 to index
          %get3A_145 = arith.constant 0 : index
          %get3A_146 = tpu.vector_load %arg15[%get3A_144, %get3A_145] {strides = array<i32>} : memref<400x16xf32, #tpu.memory_space<vmem>>, vector<1x16xf32>,
          %get3A_147 = vector.shape_cast %get3A_146 : vector<1x16xf32> to vector<16xf32>
          %slice3A_148 = vector.extract_strided_slice %get3A_114 {offsets = [2], sizes = [1], strides = [1]} : vector<16xf32> to vector<1xf32>
          %squeeze3A_149 = vector.extract %slice3A_148[0] : f32 from vector<1xf32>
          %mul3A_150 = vector.broadcast %squeeze3A_149 : f32 to vector<16xf32>
          %mul3A_151 = arith.mulf %get3A_147, %mul3A_150 : vector<16xf32>
          %swap3A_152 = arith.index_cast %add3A_143 : i32 to index
          %swap3A_153 = arith.constant 0 : index
          %swap3A_154 = tpu.vector_load %arg17[%swap3A_152, %swap3A_153] {strides = array<i32>} : memref<400x16xf32, #tpu.memory_space<vmem>>, vector<1x16xf32>,
          %swap3A_155 = vector.shape_cast %swap3A_154 : vector<1x16xf32> to vector<16xf32>
          %swap3A_156 = vector.shape_cast %mul3A_151 : vector<16xf32> to vector<1x16xf32>
          tpu.vector_store %arg17[%swap3A_152, %swap3A_153], %swap3A_156 {strides = array<i32>} : memref<400x16xf32, #tpu.memory_space<vmem>>, vector<1x16xf32>,
          %add3A_157 = arith.constant 3 : i32
          %add3A_158 = arith.addi %multiple_of3A_112, %add3A_157 : i32
          %get3A_159 = arith.index_cast %add3A_158 : i32 to index
          %get3A_160 = arith.constant 0 : index
          %get3A_161 = tpu.vector_load %arg15[%get3A_159, %get3A_160] {strides = array<i32>} : memref<400x16xf32, #tpu.memory_space<vmem>>, vector<1x16xf32>,
          %get3A_162 = vector.shape_cast %get3A_161 : vector<1x16xf32> to vector<16xf32>
          %slice3A_163 = vector.extract_strided_slice %get3A_114 {offsets = [3], sizes = [1], strides = [1]} : vector<16xf32> to vector<1xf32>
          %squeeze3A_164 = vector.extract %slice3A_163[0] : f32 from vector<1xf32>
          %mul3A_165 = vector.broadcast %squeeze3A_164 : f32 to vector<16xf32>
          %mul3A_166 = arith.mulf %get3A_162, %mul3A_165 : vector<16xf32>
          %swap3A_167 = arith.index_cast %add3A_158 : i32 to index
          %swap3A_168 = arith.constant 0 : index
          %swap3A_169 = tpu.vector_load %arg17[%swap3A_167, %swap3A_168] {strides = array<i32>} : memref<400x16xf32, #tpu.memory_space<vmem>>, vector<1x16xf32>,
          %swap3A_170 = vector.shape_cast %swap3A_169 : vector<1x16xf32> to vector<16xf32>
          %swap3A_171 = vector.shape_cast %mul3A_166 : vector<16xf32> to vector<1x16xf32>
          tpu.vector_store %arg17[%swap3A_167, %swap3A_168], %swap3A_171 {strides = array<i32>} : memref<400x16xf32, #tpu.memory_space<vmem>>, vector<1x16xf32>,
          %add3A_172 = arith.constant 4 : i32
          %add3A_173 = arith.addi %multiple_of3A_112, %add3A_172 : i32
          %get3A_174 = arith.index_cast %add3A_173 : i32 to index
          %get3A_175 = arith.constant 0 : index
          %get3A_176 = tpu.vector_load %arg15[%get3A_174, %get3A_175] {strides = array<i32>} : memref<400x16xf32, #tpu.memory_space<vmem>>, vector<1x16xf32>,
          %get3A_177 = vector.shape_cast %get3A_176 : vector<1x16xf32> to vector<16xf32>
          %slice3A_178 = vector.extract_strided_slice %get3A_114 {offsets = [4], sizes = [1], strides = [1]} : vector<16xf32> to vector<1xf32>
          %squeeze3A_179 = vector.extract %slice3A_178[0] : f32 from vector<1xf32>
          %mul3A_180 = vector.broadcast %squeeze3A_179 : f32 to vector<16xf32>
          %mul3A_181 = arith.mulf %get3A_177, %mul3A_180 : vector<16xf32>
          %swap3A_182 = arith.index_cast %add3A_173 : i32 to index
          %swap3A_183 = arith.constant 0 : index
          %swap3A_184 = tpu.vector_load %arg17[%swap3A_182, %swap3A_183] {strides = array<i32>} : memref<400x16xf32, #tpu.memory_space<vmem>>, vector<1x16xf32>,
          %swap3A_185 = vector.shape_cast %swap3A_184 : vector<1x16xf32> to vector<16xf32>
          %swap3A_186 = vector.shape_cast %mul3A_181 : vector<16xf32> to vector<1x16xf32>
          tpu.vector_store %arg17[%swap3A_182, %swap3A_183], %swap3A_186 {strides = array<i32>} : memref<400x16xf32, #tpu.memory_space<vmem>>, vector<1x16xf32>,
          %add3A_187 = arith.constant 5 : i32
          %add3A_188 = arith.addi %multiple_of3A_112, %add3A_187 : i32
          %get3A_189 = arith.index_cast %add3A_188 : i32 to index
          %get3A_190 = arith.constant 0 : index
          %get3A_191 = tpu.vector_load %arg15[%get3A_189, %get3A_190] {strides = array<i32>} : memref<400x16xf32, #tpu.memory_space<vmem>>, vector<1x16xf32>,
          %get3A_192 = vector.shape_cast %get3A_191 : vector<1x16xf32> to vector<16xf32>
          %slice3A_193 = vector.extract_strided_slice %get3A_114 {offsets = [5], sizes = [1], strides = [1]} : vector<16xf32> to vector<1xf32>
          %squeeze3A_194 = vector.extract %slice3A_193[0] : f32 from vector<1xf32>
          %mul3A_195 = vector.broadcast %squeeze3A_194 : f32 to vector<16xf32>
          %mul3A_196 = arith.mulf %get3A_192, %mul3A_195 : vector<16xf32>
          %swap3A_197 = arith.index_cast %add3A_188 : i32 to index
          %swap3A_198 = arith.constant 0 : index
          %swap3A_199 = tpu.vector_load %arg17[%swap3A_197, %swap3A_198] {strides = array<i32>} : memref<400x16xf32, #tpu.memory_space<vmem>>, vector<1x16xf32>,
          %swap3A_200 = vector.shape_cast %swap3A_199 : vector<1x16xf32> to vector<16xf32>
          %swap3A_201 = vector.shape_cast %mul3A_196 : vector<16xf32> to vector<1x16xf32>
          tpu.vector_store %arg17[%swap3A_197, %swap3A_198], %swap3A_201 {strides = array<i32>} : memref<400x16xf32, #tpu.memory_space<vmem>>, vector<1x16xf32>,
          %add3A_202 = arith.constant 6 : i32
          %add3A_203 = arith.addi %multiple_of3A_112, %add3A_202 : i32
          %get3A_204 = arith.index_cast %add3A_203 : i32 to index
          %get3A_205 = arith.constant 0 : index
          %get3A_206 = tpu.vector_load %arg15[%get3A_204, %get3A_205] {strides = array<i32>} : memref<400x16xf32, #tpu.memory_space<vmem>>, vector<1x16xf32>,
          %get3A_207 = vector.shape_cast %get3A_206 : vector<1x16xf32> to vector<16xf32>
          %slice3A_208 = vector.extract_strided_slice %get3A_114 {offsets = [6], sizes = [1], strides = [1]} : vector<16xf32> to vector<1xf32>
          %squeeze3A_209 = vector.extract %slice3A_208[0] : f32 from vector<1xf32>
          %mul3A_210 = vector.broadcast %squeeze3A_209 : f32 to vector<16xf32>
          %mul3A_211 = arith.mulf %get3A_207, %mul3A_210 : vector<16xf32>
          %swap3A_212 = arith.index_cast %add3A_203 : i32 to index
          %swap3A_213 = arith.constant 0 : index
          %swap3A_214 = tpu.vector_load %arg17[%swap3A_212, %swap3A_213] {strides = array<i32>} : memref<400x16xf32, #tpu.memory_space<vmem>>, vector<1x16xf32>,
          %swap3A_215 = vector.shape_cast %swap3A_214 : vector<1x16xf32> to vector<16xf32>
          %swap3A_216 = vector.shape_cast %mul3A_211 : vector<16xf32> to vector<1x16xf32>
          tpu.vector_store %arg17[%swap3A_212, %swap3A_213], %swap3A_216 {strides = array<i32>} : memref<400x16xf32, #tpu.memory_space<vmem>>, vector<1x16xf32>,
          %add3A_217 = arith.constant 7 : i32
          %add3A_218 = arith.addi %multiple_of3A_112, %add3A_217 : i32
          %get3A_219 = arith.index_cast %add3A_218 : i32 to index
          %get3A_220 = arith.constant 0 : index
          %get3A_221 = tpu.vector_load %arg15[%get3A_219, %get3A_220] {strides = array<i32>} : memref<400x16xf32, #tpu.memory_space<vmem>>, vector<1x16xf32>,
          %get3A_222 = vector.shape_cast %get3A_221 : vector<1x16xf32> to vector<16xf32>
          %slice3A_223 = vector.extract_strided_slice %get3A_114 {offsets = [7], sizes = [1], strides = [1]} : vector<16xf32> to vector<1xf32>
          %squeeze3A_224 = vector.extract %slice3A_223[0] : f32 from vector<1xf32>
          %mul3A_225 = vector.broadcast %squeeze3A_224 : f32 to vector<16xf32>
          %mul3A_226 = arith.mulf %get3A_222, %mul3A_225 : vector<16xf32>
          %swap3A_227 = arith.index_cast %add3A_218 : i32 to index
          %swap3A_228 = arith.constant 0 : index
          %swap3A_229 = tpu.vector_load %arg17[%swap3A_227, %swap3A_228] {strides = array<i32>} : memref<400x16xf32, #tpu.memory_space<vmem>>, vector<1x16xf32>,
          %swap3A_230 = vector.shape_cast %swap3A_229 : vector<1x16xf32> to vector<16xf32>
          %swap3A_231 = vector.shape_cast %mul3A_226 : vector<16xf32> to vector<1x16xf32>
          tpu.vector_store %arg17[%swap3A_227, %swap3A_228], %swap3A_231 {strides = array<i32>} : memref<400x16xf32, #tpu.memory_space<vmem>>, vector<1x16xf32>,
          %add3A_232 = arith.constant 8 : i32
          %add3A_233 = arith.addi %multiple_of3A_112, %add3A_232 : i32
          %get3A_234 = arith.index_cast %add3A_233 : i32 to index
          %get3A_235 = arith.constant 0 : index
          %get3A_236 = tpu.vector_load %arg15[%get3A_234, %get3A_235] {strides = array<i32>} : memref<400x16xf32, #tpu.memory_space<vmem>>, vector<1x16xf32>,
          %get3A_237 = vector.shape_cast %get3A_236 : vector<1x16xf32> to vector<16xf32>
          %slice3A_238 = vector.extract_strided_slice %get3A_114 {offsets = [8], sizes = [1], strides = [1]} : vector<16xf32> to vector<1xf32>
          %squeeze3A_239 = vector.extract %slice3A_238[0] : f32 from vector<1xf32>
          %mul3A_240 = vector.broadcast %squeeze3A_239 : f32 to vector<16xf32>
          %mul3A_241 = arith.mulf %get3A_237, %mul3A_240 : vector<16xf32>
          %swap3A_242 = arith.index_cast %add3A_233 : i32 to index
          %swap3A_243 = arith.constant 0 : index
          %swap3A_244 = tpu.vector_load %arg17[%swap3A_242, %swap3A_243] {strides = array<i32>} : memref<400x16xf32, #tpu.memory_space<vmem>>, vector<1x16xf32>,
          %swap3A_245 = vector.shape_cast %swap3A_244 : vector<1x16xf32> to vector<16xf32>
          %swap3A_246 = vector.shape_cast %mul3A_241 : vector<16xf32> to vector<1x16xf32>
          tpu.vector_store %arg17[%swap3A_242, %swap3A_243], %swap3A_246 {strides = array<i32>} : memref<400x16xf32, #tpu.memory_space<vmem>>, vector<1x16xf32>,
          %add3A_247 = arith.constant 9 : i32
          %add3A_248 = arith.addi %multiple_of3A_112, %add3A_247 : i32
          %get3A_249 = arith.index_cast %add3A_248 : i32 to index
          %get3A_250 = arith.constant 0 : index
          %get3A_251 = tpu.vector_load %arg15[%get3A_249, %get3A_250] {strides = array<i32>} : memref<400x16xf32, #tpu.memory_space<vmem>>, vector<1x16xf32>,
          %get3A_252 = vector.shape_cast %get3A_251 : vector<1x16xf32> to vector<16xf32>
          %slice3A_253 = vector.extract_strided_slice %get3A_114 {offsets = [9], sizes = [1], strides = [1]} : vector<16xf32> to vector<1xf32>
          %squeeze3A_254 = vector.extract %slice3A_253[0] : f32 from vector<1xf32>
          %mul3A_255 = vector.broadcast %squeeze3A_254 : f32 to vector<16xf32>
          %mul3A_256 = arith.mulf %get3A_252, %mul3A_255 : vector<16xf32>
          %swap3A_257 = arith.index_cast %add3A_248 : i32 to index
          %swap3A_258 = arith.constant 0 : index
          %swap3A_259 = tpu.vector_load %arg17[%swap3A_257, %swap3A_258] {strides = array<i32>} : memref<400x16xf32, #tpu.memory_space<vmem>>, vector<1x16xf32>,
          %swap3A_260 = vector.shape_cast %swap3A_259 : vector<1x16xf32> to vector<16xf32>
          %swap3A_261 = vector.shape_cast %mul3A_256 : vector<16xf32> to vector<1x16xf32>
          tpu.vector_store %arg17[%swap3A_257, %swap3A_258], %swap3A_261 {strides = array<i32>} : memref<400x16xf32, #tpu.memory_space<vmem>>, vector<1x16xf32>,
          %add3A_262 = arith.constant 10 : i32
          %add3A_263 = arith.addi %multiple_of3A_112, %add3A_262 : i32
          %get3A_264 = arith.index_cast %add3A_263 : i32 to index
          %get3A_265 = arith.constant 0 : index
          %get3A_266 = tpu.vector_load %arg15[%get3A_264, %get3A_265] {strides = array<i32>} : memref<400x16xf32, #tpu.memory_space<vmem>>, vector<1x16xf32>,
          %get3A_267 = vector.shape_cast %get3A_266 : vector<1x16xf32> to vector<16xf32>
          %slice3A_268 = vector.extract_strided_slice %get3A_114 {offsets = [10], sizes = [1], strides = [1]} : vector<16xf32> to vector<1xf32>
          %squeeze3A_269 = vector.extract %slice3A_268[0] : f32 from vector<1xf32>
          %mul3A_270 = vector.broadcast %squeeze3A_269 : f32 to vector<16xf32>
          %mul3A_271 = arith.mulf %get3A_267, %mul3A_270 : vector<16xf32>
          %swap3A_272 = arith.index_cast %add3A_263 : i32 to index
          %swap3A_273 = arith.constant 0 : index
          %swap3A_274 = tpu.vector_load %arg17[%swap3A_272, %swap3A_273] {strides = array<i32>} : memref<400x16xf32, #tpu.memory_space<vmem>>, vector<1x16xf32>,
          %swap3A_275 = vector.shape_cast %swap3A_274 : vector<1x16xf32> to vector<16xf32>
          %swap3A_276 = vector.shape_cast %mul3A_271 : vector<16xf32> to vector<1x16xf32>
          tpu.vector_store %arg17[%swap3A_272, %swap3A_273], %swap3A_276 {strides = array<i32>} : memref<400x16xf32, #tpu.memory_space<vmem>>, vector<1x16xf32>,
          %add3A_277 = arith.constant 11 : i32
          %add3A_278 = arith.addi %multiple_of3A_112, %add3A_277 : i32
          %get3A_279 = arith.index_cast %add3A_278 : i32 to index
          %get3A_280 = arith.constant 0 : index
          %get3A_281 = tpu.vector_load %arg15[%get3A_279, %get3A_280] {strides = array<i32>} : memref<400x16xf32, #tpu.memory_space<vmem>>, vector<1x16xf32>,
          %get3A_282 = vector.shape_cast %get3A_281 : vector<1x16xf32> to vector<16xf32>
          %slice3A_283 = vector.extract_strided_slice %get3A_114 {offsets = [11], sizes = [1], strides = [1]} : vector<16xf32> to vector<1xf32>
          %squeeze3A_284 = vector.extract %slice3A_283[0] : f32 from vector<1xf32>
          %mul3A_285 = vector.broadcast %squeeze3A_284 : f32 to vector<16xf32>
          %mul3A_286 = arith.mulf %get3A_282, %mul3A_285 : vector<16xf32>
          %swap3A_287 = arith.index_cast %add3A_278 : i32 to index
          %swap3A_288 = arith.constant 0 : index
          %swap3A_289 = tpu.vector_load %arg17[%swap3A_287, %swap3A_288] {strides = array<i32>} : memref<400x16xf32, #tpu.memory_space<vmem>>, vector<1x16xf32>,
          %swap3A_290 = vector.shape_cast %swap3A_289 : vector<1x16xf32> to vector<16xf32>
          %swap3A_291 = vector.shape_cast %mul3A_286 : vector<16xf32> to vector<1x16xf32>
          tpu.vector_store %arg17[%swap3A_287, %swap3A_288], %swap3A_291 {strides = array<i32>} : memref<400x16xf32, #tpu.memory_space<vmem>>, vector<1x16xf32>,
          %add3A_292 = arith.constant 12 : i32
          %add3A_293 = arith.addi %multiple_of3A_112, %add3A_292 : i32
          %get3A_294 = arith.index_cast %add3A_293 : i32 to index
          %get3A_295 = arith.constant 0 : index
          %get3A_296 = tpu.vector_load %arg15[%get3A_294, %get3A_295] {strides = array<i32>} : memref<400x16xf32, #tpu.memory_space<vmem>>, vector<1x16xf32>,
          %get3A_297 = vector.shape_cast %get3A_296 : vector<1x16xf32> to vector<16xf32>
          %slice3A_298 = vector.extract_strided_slice %get3A_114 {offsets = [12], sizes = [1], strides = [1]} : vector<16xf32> to vector<1xf32>
          %squeeze3A_299 = vector.extract %slice3A_298[0] : f32 from vector<1xf32>
          %mul3A_300 = vector.broadcast %squeeze3A_299 : f32 to vector<16xf32>
          %mul3A_301 = arith.mulf %get3A_297, %mul3A_300 : vector<16xf32>
          %swap3A_302 = arith.index_cast %add3A_293 : i32 to index
          %swap3A_303 = arith.constant 0 : index
          %swap3A_304 = tpu.vector_load %arg17[%swap3A_302, %swap3A_303] {strides = array<i32>} : memref<400x16xf32, #tpu.memory_space<vmem>>, vector<1x16xf32>,
          %swap3A_305 = vector.shape_cast %swap3A_304 : vector<1x16xf32> to vector<16xf32>
          %swap3A_306 = vector.shape_cast %mul3A_301 : vector<16xf32> to vector<1x16xf32>
          tpu.vector_store %arg17[%swap3A_302, %swap3A_303], %swap3A_306 {strides = array<i32>} : memref<400x16xf32, #tpu.memory_space<vmem>>, vector<1x16xf32>,
          %add3A_307 = arith.constant 13 : i32
          %add3A_308 = arith.addi %multiple_of3A_112, %add3A_307 : i32
          %get3A_309 = arith.index_cast %add3A_308 : i32 to index
          %get3A_310 = arith.constant 0 : index
          %get3A_311 = tpu.vector_load %arg15[%get3A_309, %get3A_310] {strides = array<i32>} : memref<400x16xf32, #tpu.memory_space<vmem>>, vector<1x16xf32>,
          %get3A_312 = vector.shape_cast %get3A_311 : vector<1x16xf32> to vector<16xf32>
          %slice3A_313 = vector.extract_strided_slice %get3A_114 {offsets = [13], sizes = [1], strides = [1]} : vector<16xf32> to vector<1xf32>
          %squeeze3A_314 = vector.extract %slice3A_313[0] : f32 from vector<1xf32>
          %mul3A_315 = vector.broadcast %squeeze3A_314 : f32 to vector<16xf32>
          %mul3A_316 = arith.mulf %get3A_312, %mul3A_315 : vector<16xf32>
          %swap3A_317 = arith.index_cast %add3A_308 : i32 to index
          %swap3A_318 = arith.constant 0 : index
          %swap3A_319 = tpu.vector_load %arg17[%swap3A_317, %swap3A_318] {strides = array<i32>} : memref<400x16xf32, #tpu.memory_space<vmem>>, vector<1x16xf32>,
          %swap3A_320 = vector.shape_cast %swap3A_319 : vector<1x16xf32> to vector<16xf32>
          %swap3A_321 = vector.shape_cast %mul3A_316 : vector<16xf32> to vector<1x16xf32>
          tpu.vector_store %arg17[%swap3A_317, %swap3A_318], %swap3A_321 {strides = array<i32>} : memref<400x16xf32, #tpu.memory_space<vmem>>, vector<1x16xf32>,
          %add3A_322 = arith.constant 14 : i32
          %add3A_323 = arith.addi %multiple_of3A_112, %add3A_322 : i32
          %get3A_324 = arith.index_cast %add3A_323 : i32 to index
          %get3A_325 = arith.constant 0 : index
          %get3A_326 = tpu.vector_load %arg15[%get3A_324, %get3A_325] {strides = array<i32>} : memref<400x16xf32, #tpu.memory_space<vmem>>, vector<1x16xf32>,
          %get3A_327 = vector.shape_cast %get3A_326 : vector<1x16xf32> to vector<16xf32>
          %slice3A_328 = vector.extract_strided_slice %get3A_114 {offsets = [14], sizes = [1], strides = [1]} : vector<16xf32> to vector<1xf32>
          %squeeze3A_329 = vector.extract %slice3A_328[0] : f32 from vector<1xf32>
          %mul3A_330 = vector.broadcast %squeeze3A_329 : f32 to vector<16xf32>
          %mul3A_331 = arith.mulf %get3A_327, %mul3A_330 : vector<16xf32>
          %swap3A_332 = arith.index_cast %add3A_323 : i32 to index
          %swap3A_333 = arith.constant 0 : index
          %swap3A_334 = tpu.vector_load %arg17[%swap3A_332, %swap3A_333] {strides = array<i32>} : memref<400x16xf32, #tpu.memory_space<vmem>>, vector<1x16xf32>,
          %swap3A_335 = vector.shape_cast %swap3A_334 : vector<1x16xf32> to vector<16xf32>
          %swap3A_336 = vector.shape_cast %mul3A_331 : vector<16xf32> to vector<1x16xf32>
          tpu.vector_store %arg17[%swap3A_332, %swap3A_333], %swap3A_336 {strides = array<i32>} : memref<400x16xf32, #tpu.memory_space<vmem>>, vector<1x16xf32>,
          %add3A_337 = arith.constant 15 : i32
          %add3A_338 = arith.addi %multiple_of3A_112, %add3A_337 : i32
          %get3A_339 = arith.index_cast %add3A_338 : i32 to index
          %get3A_340 = arith.constant 0 : index
          %get3A_341 = tpu.vector_load %arg15[%get3A_339, %get3A_340] {strides = array<i32>} : memref<400x16xf32, #tpu.memory_space<vmem>>, vector<1x16xf32>,
          %get3A_342 = vector.shape_cast %get3A_341 : vector<1x16xf32> to vector<16xf32>
          %slice3A_343 = vector.extract_strided_slice %get3A_114 {offsets = [15], sizes = [1], strides = [1]} : vector<16xf32> to vector<1xf32>
          %squeeze3A_344 = vector.extract %slice3A_343[0] : f32 from vector<1xf32>
          %mul3A_345 = vector.broadcast %squeeze3A_344 : f32 to vector<16xf32>
          %mul3A_346 = arith.mulf %get3A_342, %mul3A_345 : vector<16xf32>
          %swap3A_347 = arith.index_cast %add3A_338 : i32 to index
          %swap3A_348 = arith.constant 0 : index
          %swap3A_349 = tpu.vector_load %arg17[%swap3A_347, %swap3A_348] {strides = array<i32>} : memref<400x16xf32, #tpu.memory_space<vmem>>, vector<1x16xf32>,
          %swap3A_350 = vector.shape_cast %swap3A_349 : vector<1x16xf32> to vector<16xf32>
          %swap3A_351 = vector.shape_cast %mul3A_346 : vector<16xf32> to vector<1x16xf32>
          tpu.vector_store %arg17[%swap3A_347, %swap3A_348], %swap3A_351 {strides = array<i32>} : memref<400x16xf32, #tpu.memory_space<vmem>>, vector<1x16xf32>,
        }
        %scan3A_96 = arith.constant 25 : i32
        %mul3A_97 = arith.constant 400 : i32
        %mul3A_98 = arith.muli %add3A_82, %mul3A_97 : i32
        %add3A_99 = arith.addi %mul3A_11, %mul3A_98 : i32
        %multiple_of3A_100 = tpu.assume_multiple %add3A_99, 8 : i32
        "tpu.region"() ({
          %run_scoped3A = tpu.sem_alloc : memref<!tpu.dma_semaphore, #tpu.memory_space<semaphore_mem>>
          %dma_start3A_109 = tpu.memref_slice %arg3[%multiple_of3A_100] : memref<1600000xi32, #tpu.memory_space<hbm>> -> memref<400xi32, #tpu.memory_space<hbm>>
          %dma_start3A_110 = tpu.memref_slice %arg3[%multiple_of3A_100] : memref<1600000xi32, #tpu.memory_space<hbm>> -> memref<400xi32, #tpu.memory_space<hbm>>
          tpu.enqueue_dma source(%dma_start3A_110 : memref<400xi32, #tpu.memory_space<hbm>>) target(%arg11 : memref<400xi32, #tpu.memory_space<vmem>>) target_semaphore(%run_scoped3A : memref<!tpu.dma_semaphore, #tpu.memory_space<semaphore_mem>>)
          %dma_wait3A_111 = tpu.memref_slice %arg3[%multiple_of3A_100] : memref<1600000xi32, #tpu.memory_space<hbm>> -> memref<400xi32, #tpu.memory_space<hbm>>
          %dma_wait3A_112 = tpu.memref_slice %arg3[%multiple_of3A_100] : memref<1600000xi32, #tpu.memory_space<hbm>> -> memref<400xi32, #tpu.memory_space<hbm>>
          tpu.wait_dma2 semaphore(%run_scoped3A : memref<!tpu.dma_semaphore, #tpu.memory_space<semaphore_mem>>) src(%dma_wait3A_112 : memref<400xi32, #tpu.memory_space<hbm>>) dst(%arg11 : memref<400xi32, #tpu.memory_space<vmem>>)
          tpu.yield
        }) : () -> ()
        %dma_start3A_101 = arith.constant 0 : i32
        %dma_start3A_102 = arith.constant 0 : i32
        %dma_start3A_103 = tpu.memref_slice %arg18[%dma_start3A_101, %dma_start3A_102] : memref<100096x16xf32, #tpu.memory_space<vmem_shared>> -> memref<100096x16xf32, #tpu.memory_space<vmem_shared>>
        tpu.enqueue_indirect_dma source(%arg17 : memref<400x16xf32, #tpu.memory_space<vmem>>) target(%dma_start3A_103 : memref<100096x16xf32, #tpu.memory_space<vmem_shared>>) offsets(%arg11 : memref<400xi32, #tpu.memory_space<vmem>>) semaphore(%arg22 : memref<!tpu.dma_semaphore, #tpu.memory_space<semaphore_mem>>) {add = true}
        %lt3A_104 = arith.constant 124 : i32
        %lt3A_105 = arith.cmpi slt, %scan3A_50, %lt3A_104 : i32
        %convert_element_type3A_106 = arith.extui %lt3A_105 : i1 to i32
        %cond3A_107 = arith.constant 0 : i32
        %cond3A_108 = arith.cmpi ne, %convert_element_type3A_106, %cond3A_107 : i32
        scf.if %cond3A_108 {
          %add3A_109 = arith.constant 2 : i32
          %add3A_110 = arith.addi %add3A_82, %add3A_109 : i32
          %mul3A_111 = arith.constant 400 : i32
          %mul3A_112 = arith.muli %add3A_110, %mul3A_111 : i32
          %add3A_113 = arith.addi %mul3A_11, %mul3A_112 : i32
          %multiple_of3A_114 = tpu.assume_multiple %add3A_113, 8 : i32
          "tpu.region"() ({
            %run_scoped3A = tpu.sem_alloc : memref<!tpu.dma_semaphore, #tpu.memory_space<semaphore_mem>>
            %dma_start3A_118 = tpu.memref_slice %arg2[%multiple_of3A_114] : memref<1600000xi32, #tpu.memory_space<hbm>> -> memref<400xi32, #tpu.memory_space<hbm>>
            %dma_start3A_119 = tpu.memref_slice %arg2[%multiple_of3A_114] : memref<1600000xi32, #tpu.memory_space<hbm>> -> memref<400xi32, #tpu.memory_space<hbm>>
            tpu.enqueue_dma source(%dma_start3A_119 : memref<400xi32, #tpu.memory_space<hbm>>) target(%arg9 : memref<400xi32, #tpu.memory_space<vmem>>) target_semaphore(%run_scoped3A : memref<!tpu.dma_semaphore, #tpu.memory_space<semaphore_mem>>)
            %dma_wait3A_120 = tpu.memref_slice %arg2[%multiple_of3A_114] : memref<1600000xi32, #tpu.memory_space<hbm>> -> memref<400xi32, #tpu.memory_space<hbm>>
            %dma_wait3A_121 = tpu.memref_slice %arg2[%multiple_of3A_114] : memref<1600000xi32, #tpu.memory_space<hbm>> -> memref<400xi32, #tpu.memory_space<hbm>>
            tpu.wait_dma2 semaphore(%run_scoped3A : memref<!tpu.dma_semaphore, #tpu.memory_space<semaphore_mem>>) src(%dma_wait3A_121 : memref<400xi32, #tpu.memory_space<hbm>>) dst(%arg9 : memref<400xi32, #tpu.memory_space<vmem>>)
            tpu.yield
          }) : () -> ()
          "tpu.region"() ({
            %run_scoped3A = tpu.sem_alloc : memref<!tpu.dma_semaphore, #tpu.memory_space<semaphore_mem>>
            %dma_start3A_118 = tpu.memref_slice %arg4[%multiple_of3A_114] : memref<1600000xf32, #tpu.memory_space<hbm>> -> memref<400xf32, #tpu.memory_space<hbm>>
            %dma_start3A_119 = tpu.memref_slice %arg4[%multiple_of3A_114] : memref<1600000xf32, #tpu.memory_space<hbm>> -> memref<400xf32, #tpu.memory_space<hbm>>
            tpu.enqueue_dma source(%dma_start3A_119 : memref<400xf32, #tpu.memory_space<hbm>>) target(%arg13 : memref<400xf32, #tpu.memory_space<vmem>>) target_semaphore(%run_scoped3A : memref<!tpu.dma_semaphore, #tpu.memory_space<semaphore_mem>>)
            %dma_wait3A_120 = tpu.memref_slice %arg4[%multiple_of3A_114] : memref<1600000xf32, #tpu.memory_space<hbm>> -> memref<400xf32, #tpu.memory_space<hbm>>
            %dma_wait3A_121 = tpu.memref_slice %arg4[%multiple_of3A_114] : memref<1600000xf32, #tpu.memory_space<hbm>> -> memref<400xf32, #tpu.memory_space<hbm>>
            tpu.wait_dma2 semaphore(%run_scoped3A : memref<!tpu.dma_semaphore, #tpu.memory_space<semaphore_mem>>) src(%dma_wait3A_121 : memref<400xf32, #tpu.memory_space<hbm>>) dst(%arg13 : memref<400xf32, #tpu.memory_space<vmem>>)
            tpu.yield
          }) : () -> ()
          %dma_start3A_115 = arith.constant 0 : i32
          %dma_start3A_116 = arith.constant 0 : i32
          %dma_start3A_117 = tpu.memref_slice %arg6[%dma_start3A_115, %dma_start3A_116] : memref<100000x16xf32, #tpu.memory_space<hbm>> -> memref<100000x16xf32, #tpu.memory_space<hbm>>
          tpu.enqueue_indirect_dma source(%dma_start3A_117 : memref<100000x16xf32, #tpu.memory_space<hbm>>) target(%arg15 : memref<400x16xf32, #tpu.memory_space<vmem>>) offsets(%arg9 : memref<400xi32, #tpu.memory_space<vmem>>) semaphore(%arg20 : memref<!tpu.dma_semaphore, #tpu.memory_space<semaphore_mem>>)
        } else {
        }
      }
      %scan3A_44 = arith.constant 125 : i32
      %dma_wait3A = arith.constant 0 : i32
      %dma_wait3A_45 = arith.constant 0 : i32
      %dma_wait3A_46 = tpu.memref_slice %arg18[%dma_wait3A, %dma_wait3A_45] : memref<100096x16xf32, #tpu.memory_space<vmem_shared>> -> memref<100096x16xf32, #tpu.memory_space<vmem_shared>>
      tpu.wait_indirect_dma semaphore(%arg21 : memref<!tpu.dma_semaphore, #tpu.memory_space<semaphore_mem>>) src(%arg16 : memref<400x16xf32, #tpu.memory_space<vmem>>) dst(%dma_wait3A_46 : memref<100096x16xf32, #tpu.memory_space<vmem_shared>>)
      %dma_wait3A_47 = arith.constant 0 : i32
      %dma_wait3A_48 = arith.constant 0 : i32
      %dma_wait3A_49 = tpu.memref_slice %arg18[%dma_wait3A_47, %dma_wait3A_48] : memref<100096x16xf32, #tpu.memory_space<vmem_shared>> -> memref<100096x16xf32, #tpu.memory_space<vmem_shared>>
      tpu.wait_indirect_dma semaphore(%arg22 : memref<!tpu.dma_semaphore, #tpu.memory_space<semaphore_mem>>) src(%arg17 : memref<400x16xf32, #tpu.memory_space<vmem>>) dst(%dma_wait3A_49 : memref<100096x16xf32, #tpu.memory_space<vmem_shared>>)
    } else {
    }
    %barrier3A_19 = arith.constant 0 : index
    tpu.barrier barrier_id(%barrier3A_19)
    %eq3A_20 = arith.constant 0 : i32
    %eq3A_21 = arith.cmpi eq, %arg0, %eq3A_20 : i32
    %convert_element_type3A_22 = arith.extui %eq3A_21 : i1 to i32
    %cond3A_23 = arith.constant 0 : i32
    %cond3A_24 = arith.cmpi ne, %convert_element_type3A_22, %cond3A_23 : i32
    scf.if %cond3A_24 {
      %scan3A_30 = arith.constant 0 : i32
      %scan3A_31 = arith.constant 0 : i32
      %scan3A_32 = arith.constant 16 : i32
      %scan3A_33 = arith.addi %scan3A_31, %scan3A_32 : i32
      %scan3A_34 = arith.constant 1 : i32
      scf.for %scan3A_36 = %scan3A_31 to %scan3A_33 step %scan3A_34  : i32 {
        %mul3A_37 = arith.constant 6256 : i32
        %mul3A_38 = arith.muli %arg1, %mul3A_37 : i32
        %mul3A_39 = arith.constant 391 : i32
        %mul3A_40 = arith.muli %scan3A_36, %mul3A_39 : i32
        %add3A = arith.addi %mul3A_38, %mul3A_40 : i32
        "tpu.region"() ({
          %run_scoped3A_41 = tpu.sem_alloc : memref<!tpu.dma_semaphore, #tpu.memory_space<semaphore_mem>>
          %dma_start3A = arith.constant 0 : i32
          %dma_start3A_42 = arith.constant 0 : i32
          %dma_start3A_43 = tpu.memref_slice %arg16[%dma_start3A, %dma_start3A_42] : memref<400x16xf32, #tpu.memory_space<vmem>> -> memref<391x16xf32, #tpu.memory_space<vmem>>
          %dma_start3A_44 = arith.constant 0 : i32
          %dma_start3A_45 = tpu.memref_slice %arg18[%add3A, %dma_start3A_44] : memref<100096x16xf32, #tpu.memory_space<vmem_shared>> -> memref<391x16xf32, #tpu.memory_space<vmem_shared>>
          %dma_start3A_46 = arith.constant 0 : i32
          %dma_start3A_47 = arith.constant 0 : i32
          %dma_start3A_48 = tpu.memref_slice %arg16[%dma_start3A_46, %dma_start3A_47] : memref<400x16xf32, #tpu.memory_space<vmem>> -> memref<391x16xf32, #tpu.memory_space<vmem>>
          %dma_start3A_49 = arith.constant 0 : i32
          %dma_start3A_50 = tpu.memref_slice %arg18[%add3A, %dma_start3A_49] : memref<100096x16xf32, #tpu.memory_space<vmem_shared>> -> memref<391x16xf32, #tpu.memory_space<vmem_shared>>
          tpu.enqueue_dma source(%dma_start3A_50 : memref<391x16xf32, #tpu.memory_space<vmem_shared>>) target(%dma_start3A_48 : memref<391x16xf32, #tpu.memory_space<vmem>>) target_semaphore(%run_scoped3A_41 : memref<!tpu.dma_semaphore, #tpu.memory_space<semaphore_mem>>)
          %dma_wait3A = arith.constant 0 : i32
          %dma_wait3A_51 = arith.constant 0 : i32
          %dma_wait3A_52 = tpu.memref_slice %arg16[%dma_wait3A, %dma_wait3A_51] : memref<400x16xf32, #tpu.memory_space<vmem>> -> memref<391x16xf32, #tpu.memory_space<vmem>>
          %dma_wait3A_53 = arith.constant 0 : i32
          %dma_wait3A_54 = tpu.memref_slice %arg18[%add3A, %dma_wait3A_53] : memref<100096x16xf32, #tpu.memory_space<vmem_shared>> -> memref<391x16xf32, #tpu.memory_space<vmem_shared>>
          %dma_wait3A_55 = arith.constant 0 : i32
          %dma_wait3A_56 = arith.constant 0 : i32
          %dma_wait3A_57 = tpu.memref_slice %arg16[%dma_wait3A_55, %dma_wait3A_56] : memref<400x16xf32, #tpu.memory_space<vmem>> -> memref<391x16xf32, #tpu.memory_space<vmem>>
          %dma_wait3A_58 = arith.constant 0 : i32
          %dma_wait3A_59 = tpu.memref_slice %arg18[%add3A, %dma_wait3A_58] : memref<100096x16xf32, #tpu.memory_space<vmem_shared>> -> memref<391x16xf32, #tpu.memory_space<vmem_shared>>
          tpu.wait_dma2 semaphore(%run_scoped3A_41 : memref<!tpu.dma_semaphore, #tpu.memory_space<semaphore_mem>>) src(%dma_wait3A_59 : memref<391x16xf32, #tpu.memory_space<vmem_shared>>) dst(%dma_wait3A_57 : memref<391x16xf32, #tpu.memory_space<vmem>>)
          tpu.yield
        }) : () -> ()
        %run_scoped3A = arith.constant 0 : i32
        "tpu.region"() ({
          %run_scoped3A_41 = tpu.sem_alloc : memref<!tpu.dma_semaphore, #tpu.memory_space<semaphore_mem>>
          %dma_start3A = arith.constant 0 : i32
          %dma_start3A_42 = arith.constant 0 : i32
          %dma_start3A_43 = tpu.memref_slice %arg16[%dma_start3A, %dma_start3A_42] : memref<400x16xf32, #tpu.memory_space<vmem>> -> memref<391x16xf32, #tpu.memory_space<vmem>>
          %dma_start3A_44 = arith.constant 0 : i32
          %dma_start3A_45 = tpu.memref_slice %arg7[%run_scoped3A, %add3A, %dma_start3A_44] : memref<2x100096x16xf32, #tpu.memory_space<hbm>> -> memref<1x391x16xf32, #tpu.memory_space<hbm>>
          %dma_start3A_46 = tpu.memref_squeeze %dma_start3A_45 : memref<1x391x16xf32, #tpu.memory_space<hbm>> -> memref<391x16xf32, #tpu.memory_space<hbm>>
          %dma_start3A_47 = arith.constant 0 : i32
          %dma_start3A_48 = tpu.memref_slice %arg7[%run_scoped3A, %add3A, %dma_start3A_47] : memref<2x100096x16xf32, #tpu.memory_space<hbm>> -> memref<1x391x16xf32, #tpu.memory_space<hbm>>
          %dma_start3A_49 = tpu.memref_squeeze %dma_start3A_48 : memref<1x391x16xf32, #tpu.memory_space<hbm>> -> memref<391x16xf32, #tpu.memory_space<hbm>>
          %dma_start3A_50 = arith.constant 0 : i32
          %dma_start3A_51 = arith.constant 0 : i32
          %dma_start3A_52 = tpu.memref_slice %arg16[%dma_start3A_50, %dma_start3A_51] : memref<400x16xf32, #tpu.memory_space<vmem>> -> memref<391x16xf32, #tpu.memory_space<vmem>>
          tpu.enqueue_dma source(%dma_start3A_52 : memref<391x16xf32, #tpu.memory_space<vmem>>) target(%dma_start3A_49 : memref<391x16xf32, #tpu.memory_space<hbm>>) target_semaphore(%run_scoped3A_41 : memref<!tpu.dma_semaphore, #tpu.memory_space<semaphore_mem>>)
          %dma_wait3A = arith.constant 0 : i32
          %dma_wait3A_53 = arith.constant 0 : i32
          %dma_wait3A_54 = tpu.memref_slice %arg16[%dma_wait3A, %dma_wait3A_53] : memref<400x16xf32, #tpu.memory_space<vmem>> -> memref<391x16xf32, #tpu.memory_space<vmem>>
          %dma_wait3A_55 = arith.constant 0 : i32
          %dma_wait3A_56 = tpu.memref_slice %arg7[%run_scoped3A, %add3A, %dma_wait3A_55] : memref<2x100096x16xf32, #tpu.memory_space<hbm>> -> memref<1x391x16xf32, #tpu.memory_space<hbm>>
          %dma_wait3A_57 = tpu.memref_squeeze %dma_wait3A_56 : memref<1x391x16xf32, #tpu.memory_space<hbm>> -> memref<391x16xf32, #tpu.memory_space<hbm>>
          %dma_wait3A_58 = arith.constant 0 : i32
          %dma_wait3A_59 = tpu.memref_slice %arg7[%run_scoped3A, %add3A, %dma_wait3A_58] : memref<2x100096x16xf32, #tpu.memory_space<hbm>> -> memref<1x391x16xf32, #tpu.memory_space<hbm>>
          %dma_wait3A_60 = tpu.memref_squeeze %dma_wait3A_59 : memref<1x391x16xf32, #tpu.memory_space<hbm>> -> memref<391x16xf32, #tpu.memory_space<hbm>>
          %dma_wait3A_61 = arith.constant 0 : i32
          %dma_wait3A_62 = arith.constant 0 : i32
          %dma_wait3A_63 = tpu.memref_slice %arg16[%dma_wait3A_61, %dma_wait3A_62] : memref<400x16xf32, #tpu.memory_space<vmem>> -> memref<391x16xf32, #tpu.memory_space<vmem>>
          tpu.wait_dma2 semaphore(%run_scoped3A_41 : memref<!tpu.dma_semaphore, #tpu.memory_space<semaphore_mem>>) src(%dma_wait3A_63 : memref<391x16xf32, #tpu.memory_space<vmem>>) dst(%dma_wait3A_60 : memref<391x16xf32, #tpu.memory_space<hbm>>)
          tpu.yield
        }) : () -> ()
      }
      %scan3A_35 = arith.constant 16 : i32
    } else {
    }
    %eq3A_25 = arith.constant 1 : i32
    %eq3A_26 = arith.cmpi eq, %arg0, %eq3A_25 : i32
    %convert_element_type3A_27 = arith.extui %eq3A_26 : i1 to i32
    %cond3A_28 = arith.constant 0 : i32
    %cond3A_29 = arith.cmpi ne, %convert_element_type3A_27, %cond3A_28 : i32
    scf.if %cond3A_29 {
      %scan3A_30 = arith.constant 0 : i32
      %scan3A_31 = arith.constant 0 : i32
      %scan3A_32 = arith.constant 16 : i32
      %scan3A_33 = arith.addi %scan3A_31, %scan3A_32 : i32
      %scan3A_34 = arith.constant 1 : i32
      scf.for %scan3A_36 = %scan3A_31 to %scan3A_33 step %scan3A_34  : i32 {
        %mul3A_37 = arith.constant 6256 : i32
        %mul3A_38 = arith.muli %arg1, %mul3A_37 : i32
        %mul3A_39 = arith.constant 391 : i32
        %mul3A_40 = arith.muli %scan3A_36, %mul3A_39 : i32
        %add3A = arith.addi %mul3A_38, %mul3A_40 : i32
        "tpu.region"() ({
          %run_scoped3A_41 = tpu.sem_alloc : memref<!tpu.dma_semaphore, #tpu.memory_space<semaphore_mem>>
          %dma_start3A = arith.constant 0 : i32
          %dma_start3A_42 = arith.constant 0 : i32
          %dma_start3A_43 = tpu.memref_slice %arg16[%dma_start3A, %dma_start3A_42] : memref<400x16xf32, #tpu.memory_space<vmem>> -> memref<391x16xf32, #tpu.memory_space<vmem>>
          %dma_start3A_44 = arith.constant 0 : i32
          %dma_start3A_45 = tpu.memref_slice %arg18[%add3A, %dma_start3A_44] : memref<100096x16xf32, #tpu.memory_space<vmem_shared>> -> memref<391x16xf32, #tpu.memory_space<vmem_shared>>
          %dma_start3A_46 = arith.constant 0 : i32
          %dma_start3A_47 = arith.constant 0 : i32
          %dma_start3A_48 = tpu.memref_slice %arg16[%dma_start3A_46, %dma_start3A_47] : memref<400x16xf32, #tpu.memory_space<vmem>> -> memref<391x16xf32, #tpu.memory_space<vmem>>
          %dma_start3A_49 = arith.constant 0 : i32
          %dma_start3A_50 = tpu.memref_slice %arg18[%add3A, %dma_start3A_49] : memref<100096x16xf32, #tpu.memory_space<vmem_shared>> -> memref<391x16xf32, #tpu.memory_space<vmem_shared>>
          tpu.enqueue_dma source(%dma_start3A_50 : memref<391x16xf32, #tpu.memory_space<vmem_shared>>) target(%dma_start3A_48 : memref<391x16xf32, #tpu.memory_space<vmem>>) target_semaphore(%run_scoped3A_41 : memref<!tpu.dma_semaphore, #tpu.memory_space<semaphore_mem>>)
          %dma_wait3A = arith.constant 0 : i32
          %dma_wait3A_51 = arith.constant 0 : i32
          %dma_wait3A_52 = tpu.memref_slice %arg16[%dma_wait3A, %dma_wait3A_51] : memref<400x16xf32, #tpu.memory_space<vmem>> -> memref<391x16xf32, #tpu.memory_space<vmem>>
          %dma_wait3A_53 = arith.constant 0 : i32
          %dma_wait3A_54 = tpu.memref_slice %arg18[%add3A, %dma_wait3A_53] : memref<100096x16xf32, #tpu.memory_space<vmem_shared>> -> memref<391x16xf32, #tpu.memory_space<vmem_shared>>
          %dma_wait3A_55 = arith.constant 0 : i32
          %dma_wait3A_56 = arith.constant 0 : i32
          %dma_wait3A_57 = tpu.memref_slice %arg16[%dma_wait3A_55, %dma_wait3A_56] : memref<400x16xf32, #tpu.memory_space<vmem>> -> memref<391x16xf32, #tpu.memory_space<vmem>>
          %dma_wait3A_58 = arith.constant 0 : i32
          %dma_wait3A_59 = tpu.memref_slice %arg18[%add3A, %dma_wait3A_58] : memref<100096x16xf32, #tpu.memory_space<vmem_shared>> -> memref<391x16xf32, #tpu.memory_space<vmem_shared>>
          tpu.wait_dma2 semaphore(%run_scoped3A_41 : memref<!tpu.dma_semaphore, #tpu.memory_space<semaphore_mem>>) src(%dma_wait3A_59 : memref<391x16xf32, #tpu.memory_space<vmem_shared>>) dst(%dma_wait3A_57 : memref<391x16xf32, #tpu.memory_space<vmem>>)
          tpu.yield
        }) : () -> ()
        %run_scoped3A = arith.constant 1 : i32
        "tpu.region"() ({
          %run_scoped3A_41 = tpu.sem_alloc : memref<!tpu.dma_semaphore, #tpu.memory_space<semaphore_mem>>
          %dma_start3A = arith.constant 0 : i32
          %dma_start3A_42 = arith.constant 0 : i32
          %dma_start3A_43 = tpu.memref_slice %arg16[%dma_start3A, %dma_start3A_42] : memref<400x16xf32, #tpu.memory_space<vmem>> -> memref<391x16xf32, #tpu.memory_space<vmem>>
          %dma_start3A_44 = arith.constant 0 : i32
          %dma_start3A_45 = tpu.memref_slice %arg7[%run_scoped3A, %add3A, %dma_start3A_44] : memref<2x100096x16xf32, #tpu.memory_space<hbm>> -> memref<1x391x16xf32, #tpu.memory_space<hbm>>
          %dma_start3A_46 = tpu.memref_squeeze %dma_start3A_45 : memref<1x391x16xf32, #tpu.memory_space<hbm>> -> memref<391x16xf32, #tpu.memory_space<hbm>>
          %dma_start3A_47 = arith.constant 0 : i32
          %dma_start3A_48 = tpu.memref_slice %arg7[%run_scoped3A, %add3A, %dma_start3A_47] : memref<2x100096x16xf32, #tpu.memory_space<hbm>> -> memref<1x391x16xf32, #tpu.memory_space<hbm>>
          %dma_start3A_49 = tpu.memref_squeeze %dma_start3A_48 : memref<1x391x16xf32, #tpu.memory_space<hbm>> -> memref<391x16xf32, #tpu.memory_space<hbm>>
          %dma_start3A_50 = arith.constant 0 : i32
          %dma_start3A_51 = arith.constant 0 : i32
          %dma_start3A_52 = tpu.memref_slice %arg16[%dma_start3A_50, %dma_start3A_51] : memref<400x16xf32, #tpu.memory_space<vmem>> -> memref<391x16xf32, #tpu.memory_space<vmem>>
          tpu.enqueue_dma source(%dma_start3A_52 : memref<391x16xf32, #tpu.memory_space<vmem>>) target(%dma_start3A_49 : memref<391x16xf32, #tpu.memory_space<hbm>>) target_semaphore(%run_scoped3A_41 : memref<!tpu.dma_semaphore, #tpu.memory_space<semaphore_mem>>)
          %dma_wait3A = arith.constant 0 : i32
          %dma_wait3A_53 = arith.constant 0 : i32
          %dma_wait3A_54 = tpu.memref_slice %arg16[%dma_wait3A, %dma_wait3A_53] : memref<400x16xf32, #tpu.memory_space<vmem>> -> memref<391x16xf32, #tpu.memory_space<vmem>>
          %dma_wait3A_55 = arith.constant 0 : i32
          %dma_wait3A_56 = tpu.memref_slice %arg7[%run_scoped3A, %add3A, %dma_wait3A_55] : memref<2x100096x16xf32, #tpu.memory_space<hbm>> -> memref<1x391x16xf32, #tpu.memory_space<hbm>>
          %dma_wait3A_57 = tpu.memref_squeeze %dma_wait3A_56 : memref<1x391x16xf32, #tpu.memory_space<hbm>> -> memref<391x16xf32, #tpu.memory_space<hbm>>
          %dma_wait3A_58 = arith.constant 0 : i32
          %dma_wait3A_59 = tpu.memref_slice %arg7[%run_scoped3A, %add3A, %dma_wait3A_58] : memref<2x100096x16xf32, #tpu.memory_space<hbm>> -> memref<1x391x16xf32, #tpu.memory_space<hbm>>
          %dma_wait3A_60 = tpu.memref_squeeze %dma_wait3A_59 : memref<1x391x16xf32, #tpu.memory_space<hbm>> -> memref<391x16xf32, #tpu.memory_space<hbm>>
          %dma_wait3A_61 = arith.constant 0 : i32
          %dma_wait3A_62 = arith.constant 0 : i32
          %dma_wait3A_63 = tpu.memref_slice %arg16[%dma_wait3A_61, %dma_wait3A_62] : memref<400x16xf32, #tpu.memory_space<vmem>> -> memref<391x16xf32, #tpu.memory_space<vmem>>
          tpu.wait_dma2 semaphore(%run_scoped3A_41 : memref<!tpu.dma_semaphore, #tpu.memory_space<semaphore_mem>>) src(%dma_wait3A_63 : memref<391x16xf32, #tpu.memory_space<vmem>>) dst(%dma_wait3A_60 : memref<391x16xf32, #tpu.memory_space<hbm>>)
          tpu.yield
        }) : () -> ()
      }
      %scan3A_35 = arith.constant 16 : i32
    } else {
    }
    return
  }
}

#map = affine_map<(d0, d1) -> (0)>
module attributes {stable_mosaic.version = 14 : i64} {
  func.func @_deg_kernel(%arg0: i32, %arg1: i32, %arg2: memref<1600000xi32, #tpu.memory_space<hbm>>, %arg3: memref<1600000xf32, #tpu.memory_space<hbm>>, %arg4: memref<200192xf32, #tpu.memory_space<hbm>>, %arg5: memref<10000xi32, #tpu.memory_space<vmem>>, %arg6: memref<10000xf32, #tpu.memory_space<vmem>>, %arg7: memref<6256xf32, #tpu.memory_space<vmem>>, %arg8: memref<100096xf32, #tpu.memory_space<vmem_shared>>) attributes {dimension_semantics = [#tpu.dimension_semantics<core_parallel>, #tpu.dimension_semantics<subcore_parallel>], iteration_bounds = array<i64: 2, 16>, scalar_prefetch = 0 : i64, scratch_operands = 4 : i64, tpu.core_type = #tpu.core_type<sc_vector_subcore>, window_params = [{transform_indices = #map}, {transform_indices = #map}, {transform_indices = #map}]} {
    %scan3A = arith.constant 0 : i32
    %scan3A_0 = arith.constant 0 : i32
    %scan3A_1 = arith.constant 391 : i32
    %scan3A_2 = arith.addi %scan3A_0, %scan3A_1 : i32
    %scan3A_3 = arith.constant 1 : i32
    scf.for %scan3A_24 = %scan3A_0 to %scan3A_2 step %scan3A_3  : i32 {
      %broadcast_in_dim3A = arith.constant 0.000000e+00 : f32
      %broadcast_in_dim3A_25 = vector.broadcast %broadcast_in_dim3A : f32 to vector<16xf32>
      %mul3A_26 = arith.constant 16 : i32
      %mul3A_27 = arith.muli %scan3A_24, %mul3A_26 : i32
      %swap3A = arith.index_cast %mul3A_27 : i32 to index
      %swap3A_28 = tpu.vector_load %arg7[%swap3A] {strides = array<i32>} : memref<6256xf32, #tpu.memory_space<vmem>>, vector<16xf32>,
      %swap3A_29 = vector.shape_cast %swap3A_28 : vector<16xf32> to vector<16xf32>
      %swap3A_30 = vector.shape_cast %broadcast_in_dim3A_25 : vector<16xf32> to vector<16xf32>
      tpu.vector_store %arg7[%swap3A], %swap3A_30 {strides = array<i32>} : memref<6256xf32, #tpu.memory_space<vmem>>, vector<16xf32>,
    }
    %scan3A_4 = arith.constant 391 : i32
    %mul3A = arith.constant 6256 : i32
    %mul3A_5 = arith.muli %arg1, %mul3A : i32
    "tpu.region"() ({
      %run_scoped3A = tpu.sem_alloc : memref<!tpu.dma_semaphore, #tpu.memory_space<semaphore_mem>>
      %dma_start3A = tpu.memref_slice %arg8[%mul3A_5] : memref<100096xf32, #tpu.memory_space<vmem_shared>> -> memref<6256xf32, #tpu.memory_space<vmem_shared>>
      %dma_start3A_24 = tpu.memref_slice %arg8[%mul3A_5] : memref<100096xf32, #tpu.memory_space<vmem_shared>> -> memref<6256xf32, #tpu.memory_space<vmem_shared>>
      tpu.enqueue_dma source(%arg7 : memref<6256xf32, #tpu.memory_space<vmem>>) target(%dma_start3A_24 : memref<6256xf32, #tpu.memory_space<vmem_shared>>) target_semaphore(%run_scoped3A : memref<!tpu.dma_semaphore, #tpu.memory_space<semaphore_mem>>)
      %dma_wait3A = tpu.memref_slice %arg8[%mul3A_5] : memref<100096xf32, #tpu.memory_space<vmem_shared>> -> memref<6256xf32, #tpu.memory_space<vmem_shared>>
      %dma_wait3A_25 = tpu.memref_slice %arg8[%mul3A_5] : memref<100096xf32, #tpu.memory_space<vmem_shared>> -> memref<6256xf32, #tpu.memory_space<vmem_shared>>
      tpu.wait_dma2 semaphore(%run_scoped3A : memref<!tpu.dma_semaphore, #tpu.memory_space<semaphore_mem>>) src(%arg7 : memref<6256xf32, #tpu.memory_space<vmem>>) dst(%dma_wait3A_25 : memref<6256xf32, #tpu.memory_space<vmem_shared>>)
      tpu.yield
    }) : () -> ()
    %barrier3A = arith.constant 0 : index
    tpu.barrier barrier_id(%barrier3A)
    %mul3A_6 = arith.constant 800000 : i32
    %mul3A_7 = arith.muli %arg0, %mul3A_6 : i32
    %mul3A_8 = arith.constant 50000 : i32
    %mul3A_9 = arith.muli %arg1, %mul3A_8 : i32
    %add3A = arith.addi %mul3A_7, %mul3A_9 : i32
    %scan3A_10 = arith.constant 0 : i32
    %scan3A_11 = arith.constant 0 : i32
    %scan3A_12 = arith.constant 5 : i32
    %scan3A_13 = arith.addi %scan3A_11, %scan3A_12 : i32
    %scan3A_14 = arith.constant 1 : i32
    scf.for %scan3A_24 = %scan3A_11 to %scan3A_13 step %scan3A_14  : i32 {
      %mul3A_25 = arith.constant 10000 : i32
      %mul3A_26 = arith.muli %scan3A_24, %mul3A_25 : i32
      %add3A_27 = arith.addi %add3A, %mul3A_26 : i32
      "tpu.region"() ({
        %run_scoped3A = tpu.sem_alloc : memref<!tpu.dma_semaphore, #tpu.memory_space<semaphore_mem>>
        %dma_start3A = tpu.memref_slice %arg2[%add3A_27] : memref<1600000xi32, #tpu.memory_space<hbm>> -> memref<10000xi32, #tpu.memory_space<hbm>>
        %dma_start3A_28 = tpu.memref_slice %arg2[%add3A_27] : memref<1600000xi32, #tpu.memory_space<hbm>> -> memref<10000xi32, #tpu.memory_space<hbm>>
        tpu.enqueue_dma source(%dma_start3A_28 : memref<10000xi32, #tpu.memory_space<hbm>>) target(%arg5 : memref<10000xi32, #tpu.memory_space<vmem>>) target_semaphore(%run_scoped3A : memref<!tpu.dma_semaphore, #tpu.memory_space<semaphore_mem>>)
        %dma_wait3A = tpu.memref_slice %arg2[%add3A_27] : memref<1600000xi32, #tpu.memory_space<hbm>> -> memref<10000xi32, #tpu.memory_space<hbm>>
        %dma_wait3A_29 = tpu.memref_slice %arg2[%add3A_27] : memref<1600000xi32, #tpu.memory_space<hbm>> -> memref<10000xi32, #tpu.memory_space<hbm>>
        tpu.wait_dma2 semaphore(%run_scoped3A : memref<!tpu.dma_semaphore, #tpu.memory_space<semaphore_mem>>) src(%dma_wait3A_29 : memref<10000xi32, #tpu.memory_space<hbm>>) dst(%arg5 : memref<10000xi32, #tpu.memory_space<vmem>>)
        tpu.yield
      }) : () -> ()
      "tpu.region"() ({
        %run_scoped3A = tpu.sem_alloc : memref<!tpu.dma_semaphore, #tpu.memory_space<semaphore_mem>>
        %dma_start3A = tpu.memref_slice %arg3[%add3A_27] : memref<1600000xf32, #tpu.memory_space<hbm>> -> memref<10000xf32, #tpu.memory_space<hbm>>
        %dma_start3A_28 = tpu.memref_slice %arg3[%add3A_27] : memref<1600000xf32, #tpu.memory_space<hbm>> -> memref<10000xf32, #tpu.memory_space<hbm>>
        tpu.enqueue_dma source(%dma_start3A_28 : memref<10000xf32, #tpu.memory_space<hbm>>) target(%arg6 : memref<10000xf32, #tpu.memory_space<vmem>>) target_semaphore(%run_scoped3A : memref<!tpu.dma_semaphore, #tpu.memory_space<semaphore_mem>>)
        %dma_wait3A = tpu.memref_slice %arg3[%add3A_27] : memref<1600000xf32, #tpu.memory_space<hbm>> -> memref<10000xf32, #tpu.memory_space<hbm>>
        %dma_wait3A_29 = tpu.memref_slice %arg3[%add3A_27] : memref<1600000xf32, #tpu.memory_space<hbm>> -> memref<10000xf32, #tpu.memory_space<hbm>>
        tpu.wait_dma2 semaphore(%run_scoped3A : memref<!tpu.dma_semaphore, #tpu.memory_space<semaphore_mem>>) src(%dma_wait3A_29 : memref<10000xf32, #tpu.memory_space<hbm>>) dst(%arg6 : memref<10000xf32, #tpu.memory_space<vmem>>)
        tpu.yield
      }) : () -> ()
      "tpu.region"() ({
        %run_scoped3A = tpu.sem_alloc : memref<!tpu.dma_semaphore, #tpu.memory_space<semaphore_mem>>
        %dma_start3A = arith.constant 0 : i32
        %dma_start3A_28 = tpu.memref_slice %arg8[%dma_start3A] : memref<100096xf32, #tpu.memory_space<vmem_shared>> -> memref<100096xf32, #tpu.memory_space<vmem_shared>>
        tpu.enqueue_indirect_dma source(%arg6 : memref<10000xf32, #tpu.memory_space<vmem>>) target(%dma_start3A_28 : memref<100096xf32, #tpu.memory_space<vmem_shared>>) offsets(%arg5 : memref<10000xi32, #tpu.memory_space<vmem>>) semaphore(%run_scoped3A : memref<!tpu.dma_semaphore, #tpu.memory_space<semaphore_mem>>) {add = true}
        %dma_wait3A = arith.constant 0 : i32
        %dma_wait3A_29 = tpu.memref_slice %arg8[%dma_wait3A] : memref<100096xf32, #tpu.memory_space<vmem_shared>> -> memref<100096xf32, #tpu.memory_space<vmem_shared>>
        tpu.wait_indirect_dma semaphore(%run_scoped3A : memref<!tpu.dma_semaphore, #tpu.memory_space<semaphore_mem>>) src(%arg6 : memref<10000xf32, #tpu.memory_space<vmem>>) dst(%dma_wait3A_29 : memref<100096xf32, #tpu.memory_space<vmem_shared>>)
        tpu.yield
      }) : () -> ()
    }
    %scan3A_15 = arith.constant 5 : i32
    %barrier3A_16 = arith.constant 0 : index
    tpu.barrier barrier_id(%barrier3A_16)
    %eq3A = arith.constant 0 : i32
    %eq3A_17 = arith.cmpi eq, %arg0, %eq3A : i32
    %convert_element_type3A = arith.extui %eq3A_17 : i1 to i32
    %cond3A = arith.constant 0 : i32
    %cond3A_18 = arith.cmpi ne, %convert_element_type3A, %cond3A : i32
    scf.if %cond3A_18 {
      %mul3A_24 = arith.constant 6256 : i32
      %mul3A_25 = arith.muli %arg1, %mul3A_24 : i32
      "tpu.region"() ({
        %run_scoped3A = tpu.sem_alloc : memref<!tpu.dma_semaphore, #tpu.memory_space<semaphore_mem>>
        %dma_start3A = tpu.memref_slice %arg8[%mul3A_25] : memref<100096xf32, #tpu.memory_space<vmem_shared>> -> memref<6256xf32, #tpu.memory_space<vmem_shared>>
        %dma_start3A_30 = tpu.memref_slice %arg8[%mul3A_25] : memref<100096xf32, #tpu.memory_space<vmem_shared>> -> memref<6256xf32, #tpu.memory_space<vmem_shared>>
        tpu.enqueue_dma source(%dma_start3A_30 : memref<6256xf32, #tpu.memory_space<vmem_shared>>) target(%arg7 : memref<6256xf32, #tpu.memory_space<vmem>>) target_semaphore(%run_scoped3A : memref<!tpu.dma_semaphore, #tpu.memory_space<semaphore_mem>>)
        %dma_wait3A = tpu.memref_slice %arg8[%mul3A_25] : memref<100096xf32, #tpu.memory_space<vmem_shared>> -> memref<6256xf32, #tpu.memory_space<vmem_shared>>
        %dma_wait3A_31 = tpu.memref_slice %arg8[%mul3A_25] : memref<100096xf32, #tpu.memory_space<vmem_shared>> -> memref<6256xf32, #tpu.memory_space<vmem_shared>>
        tpu.wait_dma2 semaphore(%run_scoped3A : memref<!tpu.dma_semaphore, #tpu.memory_space<semaphore_mem>>) src(%dma_wait3A_31 : memref<6256xf32, #tpu.memory_space<vmem_shared>>) dst(%arg7 : memref<6256xf32, #tpu.memory_space<vmem>>)
        tpu.yield
      }) : () -> ()
      %mul3A_26 = arith.constant 6256 : i32
      %mul3A_27 = arith.muli %arg1, %mul3A_26 : i32
      %add3A_28 = arith.constant 0 : i32
      %add3A_29 = arith.addi %add3A_28, %mul3A_27 : i32
      "tpu.region"() ({
        %run_scoped3A = tpu.sem_alloc : memref<!tpu.dma_semaphore, #tpu.memory_space<semaphore_mem>>
        %dma_start3A = tpu.memref_slice %arg4[%add3A_29] : memref<200192xf32, #tpu.memory_space<hbm>> -> memref<6256xf32, #tpu.memory_space<hbm>>
        %dma_start3A_30 = tpu.memref_slice %arg4[%add3A_29] : memref<200192xf32, #tpu.memory_space<hbm>> -> memref<6256xf32, #tpu.memory_space<hbm>>
        tpu.enqueue_dma source(%arg7 : memref<6256xf32, #tpu.memory_space<vmem>>) target(%dma_start3A_30 : memref<6256xf32, #tpu.memory_space<hbm>>) target_semaphore(%run_scoped3A : memref<!tpu.dma_semaphore, #tpu.memory_space<semaphore_mem>>)
        %dma_wait3A = tpu.memref_slice %arg4[%add3A_29] : memref<200192xf32, #tpu.memory_space<hbm>> -> memref<6256xf32, #tpu.memory_space<hbm>>
        %dma_wait3A_31 = tpu.memref_slice %arg4[%add3A_29] : memref<200192xf32, #tpu.memory_space<hbm>> -> memref<6256xf32, #tpu.memory_space<hbm>>
        tpu.wait_dma2 semaphore(%run_scoped3A : memref<!tpu.dma_semaphore, #tpu.memory_space<semaphore_mem>>) src(%arg7 : memref<6256xf32, #tpu.memory_space<vmem>>) dst(%dma_wait3A_31 : memref<6256xf32, #tpu.memory_space<hbm>>)
        tpu.yield
      }) : () -> ()
    } else {
    }
    %eq3A_19 = arith.constant 1 : i32
    %eq3A_20 = arith.cmpi eq, %arg0, %eq3A_19 : i32
    %convert_element_type3A_21 = arith.extui %eq3A_20 : i1 to i32
    %cond3A_22 = arith.constant 0 : i32
    %cond3A_23 = arith.cmpi ne, %convert_element_type3A_21, %cond3A_22 : i32
    scf.if %cond3A_23 {
      %mul3A_24 = arith.constant 6256 : i32
      %mul3A_25 = arith.muli %arg1, %mul3A_24 : i32
      "tpu.region"() ({
        %run_scoped3A = tpu.sem_alloc : memref<!tpu.dma_semaphore, #tpu.memory_space<semaphore_mem>>
        %dma_start3A = tpu.memref_slice %arg8[%mul3A_25] : memref<100096xf32, #tpu.memory_space<vmem_shared>> -> memref<6256xf32, #tpu.memory_space<vmem_shared>>
        %dma_start3A_30 = tpu.memref_slice %arg8[%mul3A_25] : memref<100096xf32, #tpu.memory_space<vmem_shared>> -> memref<6256xf32, #tpu.memory_space<vmem_shared>>
        tpu.enqueue_dma source(%dma_start3A_30 : memref<6256xf32, #tpu.memory_space<vmem_shared>>) target(%arg7 : memref<6256xf32, #tpu.memory_space<vmem>>) target_semaphore(%run_scoped3A : memref<!tpu.dma_semaphore, #tpu.memory_space<semaphore_mem>>)
        %dma_wait3A = tpu.memref_slice %arg8[%mul3A_25] : memref<100096xf32, #tpu.memory_space<vmem_shared>> -> memref<6256xf32, #tpu.memory_space<vmem_shared>>
        %dma_wait3A_31 = tpu.memref_slice %arg8[%mul3A_25] : memref<100096xf32, #tpu.memory_space<vmem_shared>> -> memref<6256xf32, #tpu.memory_space<vmem_shared>>
        tpu.wait_dma2 semaphore(%run_scoped3A : memref<!tpu.dma_semaphore, #tpu.memory_space<semaphore_mem>>) src(%dma_wait3A_31 : memref<6256xf32, #tpu.memory_space<vmem_shared>>) dst(%arg7 : memref<6256xf32, #tpu.memory_space<vmem>>)
        tpu.yield
      }) : () -> ()
      %mul3A_26 = arith.constant 6256 : i32
      %mul3A_27 = arith.muli %arg1, %mul3A_26 : i32
      %add3A_28 = arith.constant 100096 : i32
      %add3A_29 = arith.addi %add3A_28, %mul3A_27 : i32
      "tpu.region"() ({
        %run_scoped3A = tpu.sem_alloc : memref<!tpu.dma_semaphore, #tpu.memory_space<semaphore_mem>>
        %dma_start3A = tpu.memref_slice %arg4[%add3A_29] : memref<200192xf32, #tpu.memory_space<hbm>> -> memref<6256xf32, #tpu.memory_space<hbm>>
        %dma_start3A_30 = tpu.memref_slice %arg4[%add3A_29] : memref<200192xf32, #tpu.memory_space<hbm>> -> memref<6256xf32, #tpu.memory_space<hbm>>
        tpu.enqueue_dma source(%arg7 : memref<6256xf32, #tpu.memory_space<vmem>>) target(%dma_start3A_30 : memref<6256xf32, #tpu.memory_space<hbm>>) target_semaphore(%run_scoped3A : memref<!tpu.dma_semaphore, #tpu.memory_space<semaphore_mem>>)
        %dma_wait3A = tpu.memref_slice %arg4[%add3A_29] : memref<200192xf32, #tpu.memory_space<hbm>> -> memref<6256xf32, #tpu.memory_space<hbm>>
        %dma_wait3A_31 = tpu.memref_slice %arg4[%add3A_29] : memref<200192xf32, #tpu.memory_space<hbm>> -> memref<6256xf32, #tpu.memory_space<hbm>>
        tpu.wait_dma2 semaphore(%run_scoped3A : memref<!tpu.dma_semaphore, #tpu.memory_space<semaphore_mem>>) src(%arg7 : memref<6256xf32, #tpu.memory_space<vmem>>) dst(%dma_wait3A_31 : memref<6256xf32, #tpu.memory_space<hbm>>)
        tpu.yield
      }) : () -> ()
    } else {
    }
    return
  }
}

module attributes {stable_mosaic.version = 14 : i64} {
  func.func @_prep_body(%arg0: i32, %arg1: memref<2048x2xf32, #tpu.memory_space<vmem>>, %arg2: memref<2048x32xf32, #tpu.memory_space<vmem>>, %arg3: memref<1x2048xf32, #tpu.memory_space<vmem>>, %arg4: memref<2048x16xf32, #tpu.memory_space<vmem>>, %arg5: memref<2048x16xf32, #tpu.memory_space<vmem>>) attributes {dimension_semantics = [#tpu.dimension_semantics<arbitrary>], iteration_bounds = array<i64: 49>, scalar_prefetch = 0 : i64, scratch_operands = 0 : i64, tpu.core_type = #tpu.core_type<tc>, window_params = [{transform_indices = @transform_0, window_bounds = array<i64: 2048, 2>}, {transform_indices = @transform_1, window_bounds = array<i64: 2048, 32>}, {transform_indices = @transform_2, window_bounds = array<i64: 1, 2048>}, {transform_indices = @transform_3, window_bounds = array<i64: 2048, 16>}, {transform_indices = @transform_4, window_bounds = array<i64: 2048, 16>}]} {
    %get3A = arith.constant 0 : index
    %get3A_0 = arith.constant 0 : index
    %get3A_1 = vector.load %arg1[%get3A, %get3A_0] : memref<2048x2xf32, #tpu.memory_space<vmem>>, vector<2048x2xf32>
    %reduce_sum3A = arith.constant dense<0.000000e+00> : vector<2048xf32>
    %reduce_sum3A_2 = vector.multi_reduction <add>, %get3A_1, %reduce_sum3A [1] : vector<2048x2xf32> to vector<2048xf32>
    %broadcast_in_dim3A = vector.shape_cast %reduce_sum3A_2 : vector<2048xf32> to vector<2048x1xf32>
    %gt3A = arith.constant 0.000000e+00 : f32
    %gt3A_3 = vector.broadcast %gt3A : f32 to vector<2048x1xf32>
    %gt3A_4 = arith.cmpf ogt, %broadcast_in_dim3A, %gt3A_3 : vector<2048x1xf32>
    %rsqrt3A = math.rsqrt %broadcast_in_dim3A : vector<2048x1xf32>
    %jit3A = arith.constant 0.000000e+00 : f32
    %broadcast_in_dim3A_5 = vector.broadcast %jit3A : f32 to vector<2048x1xf32>
    %select_n3A = arith.select %gt3A_4, %rsqrt3A, %broadcast_in_dim3A_5 : vector<2048x1xi1>, vector<2048x1xf32>
    %transpose3A = tpu.transpose %select_n3A, [1, 0] : vector<2048x1xf32> -> vector<1x2048xf32>
    %swap3A = arith.constant 0 : index
    %swap3A_6 = arith.constant 0 : index
    %swap3A_7 = vector.load %arg3[%swap3A, %swap3A_6] : memref<1x2048xf32, #tpu.memory_space<vmem>>, vector<1x2048xf32>
    tpu.vector_store %arg3[%swap3A, %swap3A_6], %transpose3A {strides = array<i32>} : memref<1x2048xf32, #tpu.memory_space<vmem>>, vector<1x2048xf32>,
    %get3A_8 = arith.constant 0 : index
    %get3A_9 = arith.constant 0 : index
    %get3A_10 = vector.load %arg2[%get3A_8, %get3A_9] : memref<2048x32xf32, #tpu.memory_space<vmem>>, vector<2048x32xf32>
    %mul3A = vector.broadcast %select_n3A : vector<2048x1xf32> to vector<2048x32xf32>
    %mul3A_11 = arith.mulf %get3A_10, %mul3A : vector<2048x32xf32>
    %slice3A = vector.extract_strided_slice %mul3A_11 {offsets = [0, 0], sizes = [2048, 16], strides = [1, 1]} : vector<2048x32xf32> to vector<2048x16xf32>
    %swap3A_12 = arith.constant 0 : index
    %swap3A_13 = arith.constant 0 : index
    %swap3A_14 = vector.load %arg4[%swap3A_12, %swap3A_13] : memref<2048x16xf32, #tpu.memory_space<vmem>>, vector<2048x16xf32>
    tpu.vector_store %arg4[%swap3A_12, %swap3A_13], %slice3A {strides = array<i32>} : memref<2048x16xf32, #tpu.memory_space<vmem>>, vector<2048x16xf32>,
    %slice3A_15 = vector.extract_strided_slice %mul3A_11 {offsets = [0, 16], sizes = [2048, 16], strides = [1, 1]} : vector<2048x32xf32> to vector<2048x16xf32>
    %swap3A_16 = arith.constant 0 : index
    %swap3A_17 = arith.constant 0 : index
    %swap3A_18 = vector.load %arg5[%swap3A_16, %swap3A_17] : memref<2048x16xf32, #tpu.memory_space<vmem>>, vector<2048x16xf32>
    tpu.vector_store %arg5[%swap3A_16, %swap3A_17], %slice3A_15 {strides = array<i32>} : memref<2048x16xf32, #tpu.memory_space<vmem>>, vector<2048x16xf32>,
    return
  }
  func.func @transform_0(%arg0: i32) -> (i32, i32) {
    %c0_i32 = arith.constant 0 : i32
    %c0_i32_0 = arith.constant 0 : i32
    return %arg0, %c0_i32 : i32, i32
  }
  func.func @transform_1(%arg0: i32) -> (i32, i32) {
    %c0_i32 = arith.constant 0 : i32
    %c0_i32_0 = arith.constant 0 : i32
    return %arg0, %c0_i32 : i32, i32
  }
  func.func @transform_2(%arg0: i32) -> (i32, i32) {
    %c0_i32 = arith.constant 0 : i32
    %c0_i32_0 = arith.constant 0 : i32
    return %c0_i32, %arg0 : i32, i32
  }
  func.func @transform_3(%arg0: i32) -> (i32, i32) {
    %c0_i32 = arith.constant 0 : i32
    %c0_i32_0 = arith.constant 0 : i32
    return %arg0, %c0_i32 : i32, i32
  }
  func.func @transform_4(%arg0: i32) -> (i32, i32) {
    %c0_i32 = arith.constant 0 : i32
    %c0_i32_0 = arith.constant 0 : i32
    return %arg0, %c0_i32 : i32, i32
  }
}

module attributes {stable_mosaic.version = 14 : i64} {
  func.func @_gates_body(%arg0: i32, %arg1: memref<2048x8xf32, #tpu.memory_space<vmem>>, %arg2: memref<2048x32xf32, #tpu.memory_space<vmem>>, %arg3: memref<2048x32xf32, #tpu.memory_space<vmem>>, %arg4: memref<2048x16xf32, #tpu.memory_space<vmem>>, %arg5: memref<2048x16xf32, #tpu.memory_space<vmem>>, %arg6: memref<1x2048xf32, #tpu.memory_space<vmem>>, %arg7: memref<8x128xf32, #tpu.memory_space<vmem>>, %arg8: memref<32x128xf32, #tpu.memory_space<vmem>>, %arg9: memref<16x128xf32, #tpu.memory_space<vmem>>, %arg10: memref<16x128xf32, #tpu.memory_space<vmem>>, %arg11: memref<1x128xf32, #tpu.memory_space<vmem>>, %arg12: memref<1x32xf32, #tpu.memory_space<vmem>>, %arg13: memref<1x32xf32, #tpu.memory_space<vmem>>, %arg14: memref<1x32xf32, #tpu.memory_space<vmem>>, %arg15: memref<32x1xf32, #tpu.memory_space<vmem>>, %arg16: memref<1x1xf32, #tpu.memory_space<vmem>>, %arg17: memref<2048x1xf32, #tpu.memory_space<vmem>>, %arg18: memref<2048x32xf32, #tpu.memory_space<vmem>>, %arg19: memref<2048x32xf32, #tpu.memory_space<vmem>>) attributes {dimension_semantics = [#tpu.dimension_semantics<arbitrary>], iteration_bounds = array<i64: 49>, scalar_prefetch = 0 : i64, scratch_operands = 0 : i64, tpu.core_type = #tpu.core_type<tc>, window_params = [{transform_indices = @transform_0, window_bounds = array<i64: 2048, 8>}, {transform_indices = @transform_1, window_bounds = array<i64: 2048, 32>}, {transform_indices = @transform_2, window_bounds = array<i64: 2048, 32>}, {transform_indices = @transform_3, window_bounds = array<i64: 2048, 16>}, {transform_indices = @transform_4, window_bounds = array<i64: 2048, 16>}, {transform_indices = @transform_5, window_bounds = array<i64: 1, 2048>}, {pipeline_mode = #tpu.pipeline_mode<synchronous>, transform_indices = @transform_6, window_bounds = array<i64: 8, 128>}, {pipeline_mode = #tpu.pipeline_mode<synchronous>, transform_indices = @transform_7, window_bounds = array<i64: 32, 128>}, {pipeline_mode = #tpu.pipeline_mode<synchronous>, transform_indices = @transform_8, window_bounds = array<i64: 16, 128>}, {pipeline_mode = #tpu.pipeline_mode<synchronous>, transform_indices = @transform_9, window_bounds = array<i64: 16, 128>}, {pipeline_mode = #tpu.pipeline_mode<synchronous>, transform_indices = @transform_10, window_bounds = array<i64: 1, 128>}, {pipeline_mode = #tpu.pipeline_mode<synchronous>, transform_indices = @transform_11, window_bounds = array<i64: 1, 32>}, {pipeline_mode = #tpu.pipeline_mode<synchronous>, transform_indices = @transform_12, window_bounds = array<i64: 1, 32>}, {pipeline_mode = #tpu.pipeline_mode<synchronous>, transform_indices = @transform_13, window_bounds = array<i64: 1, 32>}, {pipeline_mode = #tpu.pipeline_mode<synchronous>, transform_indices = @transform_14, window_bounds = array<i64: 32, 1>}, {pipeline_mode = #tpu.pipeline_mode<synchronous>, transform_indices = @transform_15, window_bounds = array<i64: 1, 1>}, {transform_indices = @transform_16, window_bounds = array<i64: 2048, 1>}, {transform_indices = @transform_17, window_bounds = array<i64: 2048, 32>}, {transform_indices = @transform_18, window_bounds = array<i64: 2048, 32>}]} {
    %get3A = arith.constant 0 : index
    %get3A_0 = arith.constant 0 : index
    %get3A_1 = vector.load %arg4[%get3A, %get3A_0] : memref<2048x16xf32, #tpu.memory_space<vmem>>, vector<2048x16xf32>
    %get3A_2 = arith.constant 0 : index
    %get3A_3 = arith.constant 0 : index
    %get3A_4 = vector.load %arg9[%get3A_2, %get3A_3] : memref<16x128xf32, #tpu.memory_space<vmem>>, vector<16x128xf32>
    %dot_general3A = arith.constant dense<0.000000e+00> : vector<2048x128xf32>
    %dot_general3A_5 = tpu.matmul %get3A_1, %get3A_4, %dot_general3A {dimension_numbers = #tpu.dot_dimension_numbers<[1], [0], [0], [1], [0, 0, 1, 1], [], []>, transpose_lhs_hint = false} : vector<2048x16xf32>, vector<16x128xf32>, vector<2048x128xf32> -> vector<2048x128xf32>
    %get3A_6 = arith.constant 0 : index
    %get3A_7 = arith.constant 0 : index
    %get3A_8 = vector.load %arg5[%get3A_6, %get3A_7] : memref<2048x16xf32, #tpu.memory_space<vmem>>, vector<2048x16xf32>
    %get3A_9 = arith.constant 0 : index
    %get3A_10 = arith.constant 0 : index
    %get3A_11 = vector.load %arg10[%get3A_9, %get3A_10] : memref<16x128xf32, #tpu.memory_space<vmem>>, vector<16x128xf32>
    %dot_general3A_12 = arith.constant dense<0.000000e+00> : vector<2048x128xf32>
    %dot_general3A_13 = tpu.matmul %get3A_8, %get3A_11, %dot_general3A_12 {dimension_numbers = #tpu.dot_dimension_numbers<[1], [0], [0], [1], [0, 0, 1, 1], [], []>, transpose_lhs_hint = false} : vector<2048x16xf32>, vector<16x128xf32>, vector<2048x128xf32> -> vector<2048x128xf32>
    %add3A = arith.addf %dot_general3A_5, %dot_general3A_13 : vector<2048x128xf32>
    %get3A_14 = arith.constant 0 : index
    %get3A_15 = arith.constant 0 : index
    %get3A_16 = vector.load %arg1[%get3A_14, %get3A_15] : memref<2048x8xf32, #tpu.memory_space<vmem>>, vector<2048x8xf32>
    %get3A_17 = arith.constant 0 : index
    %get3A_18 = arith.constant 0 : index
    %get3A_19 = vector.load %arg7[%get3A_17, %get3A_18] : memref<8x128xf32, #tpu.memory_space<vmem>>, vector<8x128xf32>
    %dot_general3A_20 = arith.constant dense<0.000000e+00> : vector<2048x128xf32>
    %dot_general3A_21 = tpu.matmul %get3A_16, %get3A_19, %dot_general3A_20 {dimension_numbers = #tpu.dot_dimension_numbers<[1], [0], [0], [1], [0, 0, 1, 1], [], []>, transpose_lhs_hint = false} : vector<2048x8xf32>, vector<8x128xf32>, vector<2048x128xf32> -> vector<2048x128xf32>
    %get3A_22 = arith.constant 0 : index
    %get3A_23 = arith.constant 0 : index
    %get3A_24 = vector.load %arg2[%get3A_22, %get3A_23] : memref<2048x32xf32, #tpu.memory_space<vmem>>, vector<2048x32xf32>
    %get3A_25 = arith.constant 0 : index
    %get3A_26 = arith.constant 0 : index
    %get3A_27 = vector.load %arg8[%get3A_25, %get3A_26] : memref<32x128xf32, #tpu.memory_space<vmem>>, vector<32x128xf32>
    %dot_general3A_28 = arith.constant dense<0.000000e+00> : vector<2048x128xf32>
    %dot_general3A_29 = tpu.matmul %get3A_24, %get3A_27, %dot_general3A_28 {dimension_numbers = #tpu.dot_dimension_numbers<[1], [0], [0], [1], [0, 0, 1, 1], [], []>, transpose_lhs_hint = false} : vector<2048x32xf32>, vector<32x128xf32>, vector<2048x128xf32> -> vector<2048x128xf32>
    %add3A_30 = arith.addf %dot_general3A_21, %dot_general3A_29 : vector<2048x128xf32>
    %get3A_31 = arith.constant 0 : index
    %get3A_32 = arith.constant 0 : index
    %get3A_33 = vector.load %arg6[%get3A_31, %get3A_32] : memref<1x2048xf32, #tpu.memory_space<vmem>>, vector<1x2048xf32>
    %transpose3A = tpu.transpose %get3A_33, [1, 0] : vector<1x2048xf32> -> vector<2048x1xf32>
    %neg3A = arith.constant 0.000000e+00 : f32
    %neg3A_34 = vector.broadcast %neg3A : f32 to vector<2048x1xf32>
    %neg3A_35 = arith.subf %neg3A_34, %transpose3A : vector<2048x1xf32>
    %mul3A = vector.broadcast %neg3A_35 : vector<2048x1xf32> to vector<2048x128xf32>
    %mul3A_36 = arith.mulf %add3A, %mul3A : vector<2048x128xf32>
    %add3A_37 = arith.addf %add3A_30, %mul3A_36 : vector<2048x128xf32>
    %get3A_38 = arith.constant 0 : index
    %get3A_39 = arith.constant 0 : index
    %get3A_40 = vector.load %arg11[%get3A_38, %get3A_39] : memref<1x128xf32, #tpu.memory_space<vmem>>, vector<1x128xf32>
    %add3A_41 = vector.broadcast %get3A_40 : vector<1x128xf32> to vector<2048x128xf32>
    %add3A_42 = arith.addf %add3A_37, %add3A_41 : vector<2048x128xf32>
    %get3A_43 = arith.constant 0 : index
    %get3A_44 = arith.constant 0 : index
    %get3A_45 = vector.load %arg3[%get3A_43, %get3A_44] : memref<2048x32xf32, #tpu.memory_space<vmem>>, vector<2048x32xf32>
    %slice3A = vector.extract_strided_slice %add3A_42 {offsets = [0, 0], sizes = [2048, 32], strides = [1, 1]} : vector<2048x128xf32> to vector<2048x32xf32>
    %get3A_46 = arith.constant 0 : index
    %get3A_47 = arith.constant 0 : index
    %get3A_48 = vector.load %arg12[%get3A_46, %get3A_47] : memref<1x32xf32, #tpu.memory_space<vmem>>, vector<1x32xf32>
    %mul3A_49 = vector.broadcast %get3A_48 : vector<1x32xf32> to vector<2048x32xf32>
    %mul3A_50 = arith.mulf %mul3A_49, %get3A_45 : vector<2048x32xf32>
    %add3A_51 = arith.addf %slice3A, %mul3A_50 : vector<2048x32xf32>
    %logistic3A = arith.negf %add3A_51 : vector<2048x32xf32>
    %logistic3A_52 = math.exp %logistic3A : vector<2048x32xf32>
    %logistic3A_53 = arith.constant 1.000000e+00 : f32
    %logistic3A_54 = vector.broadcast %logistic3A_53 : f32 to vector<2048x32xf32>
    %logistic3A_55 = arith.addf %logistic3A_54, %logistic3A_52 : vector<2048x32xf32>
    %logistic3A_56 = arith.divf %logistic3A_54, %logistic3A_55 : vector<2048x32xf32>
    %slice3A_57 = vector.extract_strided_slice %add3A_42 {offsets = [0, 32], sizes = [2048, 32], strides = [1, 1]} : vector<2048x128xf32> to vector<2048x32xf32>
    %get3A_58 = arith.constant 0 : index
    %get3A_59 = arith.constant 0 : index
    %get3A_60 = vector.load %arg13[%get3A_58, %get3A_59] : memref<1x32xf32, #tpu.memory_space<vmem>>, vector<1x32xf32>
    %mul3A_61 = vector.broadcast %get3A_60 : vector<1x32xf32> to vector<2048x32xf32>
    %mul3A_62 = arith.mulf %mul3A_61, %get3A_45 : vector<2048x32xf32>
    %add3A_63 = arith.addf %slice3A_57, %mul3A_62 : vector<2048x32xf32>
    %logistic3A_64 = arith.negf %add3A_63 : vector<2048x32xf32>
    %logistic3A_65 = math.exp %logistic3A_64 : vector<2048x32xf32>
    %logistic3A_66 = arith.constant 1.000000e+00 : f32
    %logistic3A_67 = vector.broadcast %logistic3A_66 : f32 to vector<2048x32xf32>
    %logistic3A_68 = arith.addf %logistic3A_67, %logistic3A_65 : vector<2048x32xf32>
    %logistic3A_69 = arith.divf %logistic3A_67, %logistic3A_68 : vector<2048x32xf32>
    %slice3A_70 = vector.extract_strided_slice %add3A_42 {offsets = [0, 64], sizes = [2048, 32], strides = [1, 1]} : vector<2048x128xf32> to vector<2048x32xf32>
    %tanh3A = math.tanh %slice3A_70 : vector<2048x32xf32>
    %mul3A_71 = arith.mulf %logistic3A_69, %get3A_45 : vector<2048x32xf32>
    %mul3A_72 = arith.mulf %logistic3A_56, %tanh3A : vector<2048x32xf32>
    %add3A_73 = arith.addf %mul3A_71, %mul3A_72 : vector<2048x32xf32>
    %slice3A_74 = vector.extract_strided_slice %add3A_42 {offsets = [0, 96], sizes = [2048, 32], strides = [1, 1]} : vector<2048x128xf32> to vector<2048x32xf32>
    %get3A_75 = arith.constant 0 : index
    %get3A_76 = arith.constant 0 : index
    %get3A_77 = vector.load %arg14[%get3A_75, %get3A_76] : memref<1x32xf32, #tpu.memory_space<vmem>>, vector<1x32xf32>
    %mul3A_78 = vector.broadcast %get3A_77 : vector<1x32xf32> to vector<2048x32xf32>
    %mul3A_79 = arith.mulf %mul3A_78, %add3A_73 : vector<2048x32xf32>
    %add3A_80 = arith.addf %slice3A_74, %mul3A_79 : vector<2048x32xf32>
    %logistic3A_81 = arith.negf %add3A_80 : vector<2048x32xf32>
    %logistic3A_82 = math.exp %logistic3A_81 : vector<2048x32xf32>
    %logistic3A_83 = arith.constant 1.000000e+00 : f32
    %logistic3A_84 = vector.broadcast %logistic3A_83 : f32 to vector<2048x32xf32>
    %logistic3A_85 = arith.addf %logistic3A_84, %logistic3A_82 : vector<2048x32xf32>
    %logistic3A_86 = arith.divf %logistic3A_84, %logistic3A_85 : vector<2048x32xf32>
    %tanh3A_87 = math.tanh %add3A_73 : vector<2048x32xf32>
    %mul3A_88 = arith.mulf %logistic3A_86, %tanh3A_87 : vector<2048x32xf32>
    %max3A = arith.constant 0.000000e+00 : f32
    %max3A_89 = vector.broadcast %max3A : f32 to vector<2048x32xf32>
    %max3A_90 = arith.maximumf %mul3A_88, %max3A_89 : vector<2048x32xf32>
    %get3A_91 = arith.constant 0 : index
    %get3A_92 = arith.constant 0 : index
    %get3A_93 = vector.load %arg15[%get3A_91, %get3A_92] : memref<32x1xf32, #tpu.memory_space<vmem>>, vector<32x1xf32>
    %dot_general3A_94 = arith.constant dense<0.000000e+00> : vector<2048x1xf32>
    %dot_general3A_95 = tpu.matmul %max3A_90, %get3A_93, %dot_general3A_94 {dimension_numbers = #tpu.dot_dimension_numbers<[1], [0], [0], [1], [0, 0, 1, 1], [], []>, transpose_lhs_hint = false} : vector<2048x32xf32>, vector<32x1xf32>, vector<2048x1xf32> -> vector<2048x1xf32>
    %get3A_96 = arith.constant 0 : index
    %get3A_97 = arith.constant 0 : index
    %get3A_98 = vector.load %arg16[%get3A_96, %get3A_97] : memref<1x1xf32, #tpu.memory_space<vmem>>, vector<1x1xf32>
    %add3A_99 = vector.broadcast %get3A_98 : vector<1x1xf32> to vector<2048x1xf32>
    %add3A_100 = arith.addf %dot_general3A_95, %add3A_99 : vector<2048x1xf32>
    %swap3A = arith.constant 0 : index
    %swap3A_101 = arith.constant 0 : index
    %swap3A_102 = vector.load %arg17[%swap3A, %swap3A_101] : memref<2048x1xf32, #tpu.memory_space<vmem>>, vector<2048x1xf32>
    tpu.vector_store %arg17[%swap3A, %swap3A_101], %add3A_100 {strides = array<i32>} : memref<2048x1xf32, #tpu.memory_space<vmem>>, vector<2048x1xf32>,
    %swap3A_103 = arith.constant 0 : index
    %swap3A_104 = arith.constant 0 : index
    %swap3A_105 = vector.load %arg18[%swap3A_103, %swap3A_104] : memref<2048x32xf32, #tpu.memory_space<vmem>>, vector<2048x32xf32>
    tpu.vector_store %arg18[%swap3A_103, %swap3A_104], %mul3A_88 {strides = array<i32>} : memref<2048x32xf32, #tpu.memory_space<vmem>>, vector<2048x32xf32>,
    %swap3A_106 = arith.constant 0 : index
    %swap3A_107 = arith.constant 0 : index
    %swap3A_108 = vector.load %arg19[%swap3A_106, %swap3A_107] : memref<2048x32xf32, #tpu.memory_space<vmem>>, vector<2048x32xf32>
    tpu.vector_store %arg19[%swap3A_106, %swap3A_107], %add3A_73 {strides = array<i32>} : memref<2048x32xf32, #tpu.memory_space<vmem>>, vector<2048x32xf32>,
    return
  }
  func.func @transform_0(%arg0: i32) -> (i32, i32) {
    %c0_i32 = arith.constant 0 : i32
    %c0_i32_0 = arith.constant 0 : i32
    return %arg0, %c0_i32 : i32, i32
  }
  func.func @transform_1(%arg0: i32) -> (i32, i32) {
    %c0_i32 = arith.constant 0 : i32
    %c0_i32_0 = arith.constant 0 : i32
    return %arg0, %c0_i32 : i32, i32
  }
  func.func @transform_2(%arg0: i32) -> (i32, i32) {
    %c0_i32 = arith.constant 0 : i32
    %c0_i32_0 = arith.constant 0 : i32
    return %arg0, %c0_i32 : i32, i32
  }
  func.func @transform_3(%arg0: i32) -> (i32, i32) {
    %c0_i32 = arith.constant 0 : i32
    %c0_i32_0 = arith.constant 0 : i32
    return %arg0, %c0_i32 : i32, i32
  }
  func.func @transform_4(%arg0: i32) -> (i32, i32) {
    %c0_i32 = arith.constant 0 : i32
    %c0_i32_0 = arith.constant 0 : i32
    return %arg0, %c0_i32 : i32, i32
  }
  func.func @transform_5(%arg0: i32) -> (i32, i32) {
    %c0_i32 = arith.constant 0 : i32
    %c0_i32_0 = arith.constant 0 : i32
    return %c0_i32, %arg0 : i32, i32
  }
  func.func @transform_6(%arg0: i32) -> (i32, i32) {
    %c0_i32 = arith.constant 0 : i32
    %c0_i32_0 = arith.constant 0 : i32
    %c0_i32_1 = arith.constant 0 : i32
    return %c0_i32, %c0_i32_0 : i32, i32
  }
  func.func @transform_7(%arg0: i32) -> (i32, i32) {
    %c0_i32 = arith.constant 0 : i32
    %c0_i32_0 = arith.constant 0 : i32
    %c0_i32_1 = arith.constant 0 : i32
    return %c0_i32, %c0_i32_0 : i32, i32
  }
  func.func @transform_8(%arg0: i32) -> (i32, i32) {
    %c0_i32 = arith.constant 0 : i32
    %c0_i32_0 = arith.constant 0 : i32
    %c0_i32_1 = arith.constant 0 : i32
    return %c0_i32, %c0_i32_0 : i32, i32
  }
  func.func @transform_9(%arg0: i32) -> (i32, i32) {
    %c0_i32 = arith.constant 0 : i32
    %c0_i32_0 = arith.constant 0 : i32
    %c0_i32_1 = arith.constant 0 : i32
    return %c0_i32, %c0_i32_0 : i32, i32
  }
  func.func @transform_10(%arg0: i32) -> (i32, i32) {
    %c0_i32 = arith.constant 0 : i32
    %c0_i32_0 = arith.constant 0 : i32
    %c0_i32_1 = arith.constant 0 : i32
    return %c0_i32, %c0_i32_0 : i32, i32
  }
  func.func @transform_11(%arg0: i32) -> (i32, i32) {
    %c0_i32 = arith.constant 0 : i32
    %c0_i32_0 = arith.constant 0 : i32
    %c0_i32_1 = arith.constant 0 : i32
    return %c0_i32, %c0_i32_0 : i32, i32
  }
  func.func @transform_12(%arg0: i32) -> (i32, i32) {
    %c0_i32 = arith.constant 0 : i32
    %c0_i32_0 = arith.constant 0 : i32
    %c0_i32_1 = arith.constant 0 : i32
    return %c0_i32, %c0_i32_0 : i32, i32
  }
  func.func @transform_13(%arg0: i32) -> (i32, i32) {
    %c0_i32 = arith.constant 0 : i32
    %c0_i32_0 = arith.constant 0 : i32
    %c0_i32_1 = arith.constant 0 : i32
    return %c0_i32, %c0_i32_0 : i32, i32
  }
  func.func @transform_14(%arg0: i32) -> (i32, i32) {
    %c0_i32 = arith.constant 0 : i32
    %c0_i32_0 = arith.constant 0 : i32
    %c0_i32_1 = arith.constant 0 : i32
    return %c0_i32, %c0_i32_0 : i32, i32
  }
  func.func @transform_15(%arg0: i32) -> (i32, i32) {
    %c0_i32 = arith.constant 0 : i32
    %c0_i32_0 = arith.constant 0 : i32
    %c0_i32_1 = arith.constant 0 : i32
    return %c0_i32, %c0_i32_0 : i32, i32
  }
  func.func @transform_16(%arg0: i32) -> (i32, i32) {
    %c0_i32 = arith.constant 0 : i32
    %c0_i32_0 = arith.constant 0 : i32
    return %arg0, %c0_i32 : i32, i32
  }
  func.func @transform_17(%arg0: i32) -> (i32, i32) {
    %c0_i32 = arith.constant 0 : i32
    %c0_i32_0 = arith.constant 0 : i32
    return %arg0, %c0_i32 : i32, i32
  }
  func.func @transform_18(%arg0: i32) -> (i32, i32) {
    %c0_i32 = arith.constant 0 : i32
    %c0_i32_0 = arith.constant 0 : i32
    return %arg0, %c0_i32 : i32, i32
  }
}

</mosaic_0001>

<sc_bundles>
// kernel: kernel.6.cloned.1.call-start
scs
__scs_entry_jumppad:
0x0: {  	(pc) =	sbr.rel $0x88, $3  }
0x1: {  	(tag) =	ssettag $0x0;
	lr =	simm.s32 $0x1  }
0x2: {  	[smem:$0x3F87] =	sst lr;
	_ =	strace $0xD0000000  }
0x3: {  	_ = 	snop  }
0x4: {  	_ = 	snop  }
0x5: {  	_ = 	snop  }
0x6: {  	_ = 	snop  }
0x7: {  	_ = 	snop  }
__scs_overlays_trampoline_lowered:
0x8: {  	[smem:$0x3F96] =	sst s0  }
0x9: {  	[smem:$0x3F97] =	sst s1  }
0xa: {  	[smem:$0x3F98] =	sst s2  }
0xb: {  	[smem:$0x3F99] =	sst s3  }
0xc: {  	[smem:$0x3F9A] =	sst s4  }
0xd: {  	[smem:$0x3F9B] =	sst s5  }
0xe: {  	[smem:$0x3F9C] =	sst s6  }
0xf: {  	[smem:$0x3F9D] =	sst s7  }
0x10: {  	[smem:$0x3F9E] =	sst s8  }
0x11: {  	[smem:$0x3F9F] =	sst s9;
	s0 =	simm.s32 @!p0 $0x0  }
0x12: {  	s1 =	sld [smem:$0x3F85];
	s0 =	simm.s32 @p0 $0x1  }
0x13: {  	[smem:$0x3FA0] =	sst s0;
	s0 =	simm.s32 @!p1 $0x0  }
0x14: {  	s2 =	sld [smem:$0x3F84];
	s0 =	simm.s32 @p1 $0x1  }
0x15: {  	[smem:$0x3FA1] =	sst s0;
	s0 =	simm.s32 @!p2 $0x0  }
0x16: {  	s3 =	sld [smem:$0x3FDB];
	s0 =	simm.s32 @p2 $0x1  }
0x17: {  	s4 =	simm.s32 $0x1BF5;
	[smem:$0x3FA3] =	sst s0  }
0x18: {  	s0 =	sld [smem:$0x3F86];
	_ =	swait.ge [sflag:s4], $0x0  }
0x19: {  	s7 =	sld [smem:$0x3F87]  }
0x1a: {  	s8 =	sadd.s32 $0xFFFFE003, lr  }
0x1b: {  	s9 =	sadd.s32 $0xFFFFFEF7, lr;
	s5 =	simm.s32 $0xFFFFFFFF;
	p2 =	slt.u32 s8, $0xFFFFF086  }
0x1c: {  	p1 =	slt.u32 s9, $0xF7A;
	s5 =	simm.s32 @!p2 $0x0  }
0x1d: {  	s5 =	simm.s32 @p1 $0x1;
	p0 =	seq.s32 s7, s2  }
0x1e: {  	s7 =	smul.u32 @!p0 $0xF7A, s2;
	p2 =	seq.s32 @!p0 s5, $0x0  }
0x1f: {  	s9 =	smul.u32 $0xF7A, s1;
	s8 =	simm.s32 @!p0 $0x1BF5;
	p2 =	por !p2, p0  }
0x20: {  	[sflag:s8] =	ssyncset.s32 @!p0 $0xFFFFF086;
	s6 =	sadd.s32 @!p0 s3, s7;
	s7 =	simm.s32 @!p0 $0x108  }
0x21: {  	s3 =	sadd.s32 s3, s9;
	s6 =	sadd.s32 @!p0 $0x88, s6;
	s7 =	simm.s32 @p2 $0x1082  }
0x22: {  	[simem:s7], [sflag:s8] =	dma.local @!p0 [hbm:s6], $0xF7A  }
0x23: {  	s9 =	sor.u32 $0xD0000000, s2;
	s6 =	simm.s32 $0x108;
	_ =	swait.ge @!p0 [sflag:s8], $0x0  }
0x24: {  	s3 =	sadd.s32 $0x88, s3;
	s6 =	simm.s32 @!p1 $0x1082;
	[sflag:s4] =	ssyncset.s32 $0xFFFFF086  }
0x25: {  	[simem:s6], [sflag:s4] =	dma.local [hbm:s3], $0xF7A  }
0x26: {  	[smem:$0x3F87] =	sst s1;
	(tag) =	ssettag s2;
	_ =	strace s9  }
0x27: {  	s1 =	sld [smem:$0x3F97]  }
0x28: {  	s2 =	sld [smem:$0x3F98]  }
0x29: {  	s4 =	sld [smem:$0x3F9A]  }
0x2a: {  	p0 =	seq.s32 s5, $0x0;
	s5 =	sld [smem:$0x3F9B]  }
0x2b: {  	s6 =	sld [smem:$0x3F9C]  }
0x2c: {  	s7 =	sld [smem:$0x3F9D]  }
0x2d: {  	s3 =	simm.s32 $0x108;
	s8 =	sld [smem:$0x3F9E]  }
0x2e: {  	s3 =	simm.s32 @!p0 $0x1082;
	s9 =	sld [smem:$0x3F9F]  }
0x2f: {  	lr =	sadd.s32 s0, s3;
	s0 =	sld [smem:$0x3F96]  }
0x30: {  	s3 =	sld [smem:$0x3F99]  }
0x31: {  	[smem:$0x3FA2] =	sst s10  }
0x32: {  	s10 =	sld [smem:$0x3FA0];
	_ =	sdelay $0x3  }
0x33: {  	p0 =	seq.s32 s10, $0x1;
	s10 =	sld [smem:$0x3FA2];
	_ =	sdelay $0x3  }
0x34: {  	[smem:$0x3FA2] =	sst s10  }
0x35: {  	s10 =	sld [smem:$0x3FA1];
	_ =	sdelay $0x3  }
0x36: {  	p1 =	seq.s32 s10, $0x1;
	s10 =	sld [smem:$0x3FA2];
	_ =	sdelay $0x3  }
0x37: {  	[smem:$0x3FA2] =	sst s10  }
0x38: {  	s10 =	sld [smem:$0x3FA3]  }
0x39: {  	_ = 	snop;
	(pc) =	sbr.ind lr, $3  }
0x3a: {  	_ = 	snop  }
0x3b: {  	_ = 	snop  }
0x3c: {  	p2 =	seq.s32 s10, $0x1;
	s10 =	sld [smem:$0x3FA2]  }
0x3d: {  	_ =	shalt  }
0x3e: {  	_ =	shalt  }
0x3f: {  	_ =	shalt  }
0x40: {  	_ =	shalt  }
0x41: {  	_ =	shalt  }
0x42: {  	_ =	shalt  }
0x43: {  	_ =	shalt  }
0x44: {  	_ =	shalt  }
0x45: {  	_ =	shalt  }
0x46: {  	_ =	shalt  }
0x47: {  	_ =	shalt  }
0x48: {  	_ =	shalt  }
0x49: {  	_ =	shalt  }
0x4a: {  	_ =	shalt  }
0x4b: {  	_ =	shalt  }
0x4c: {  	_ =	shalt  }
0x4d: {  	_ =	shalt  }
0x4e: {  	_ =	shalt  }
0x4f: {  	_ =	shalt  }
0x50: {  	_ =	shalt  }
0x51: {  	_ =	shalt  }
0x52: {  	_ =	shalt  }
0x53: {  	_ =	shalt  }
0x54: {  	_ =	shalt  }
0x55: {  	_ =	shalt  }
0x56: {  	_ =	shalt  }
0x57: {  	_ =	shalt  }
0x58: {  	_ =	shalt  }
0x59: {  	_ =	shalt  }
0x5a: {  	_ =	shalt  }
0x5b: {  	_ =	shalt  }
0x5c: {  	_ =	shalt  }
0x5d: {  	_ =	shalt  }
0x5e: {  	_ =	shalt  }
0x5f: {  	_ =	shalt  }
0x60: {  	_ =	shalt  }
0x61: {  	_ =	shalt  }
0x62: {  	_ =	shalt  }
0x63: {  	_ =	shalt  }
0x64: {  	_ =	shalt  }
0x65: {  	_ =	shalt  }
0x66: {  	_ =	shalt  }
0x67: {  	_ =	shalt  }
0x68: {  	_ =	shalt  }
0x69: {  	_ =	shalt  }
0x6a: {  	_ =	shalt  }
0x6b: {  	_ =	shalt  }
0x6c: {  	_ =	shalt  }
0x6d: {  	_ =	shalt  }
0x6e: {  	_ =	shalt  }
0x6f: {  	_ =	shalt  }
0x70: {  	_ =	shalt  }
0x71: {  	_ =	shalt  }
0x72: {  	_ =	shalt  }
0x73: {  	_ =	shalt  }
0x74: {  	_ =	shalt  }
0x75: {  	_ =	shalt  }
0x76: {  	_ =	shalt  }
0x77: {  	_ =	shalt  }
0x78: {  	_ =	shalt  }
0x79: {  	_ =	shalt  }
0x7a: {  	_ =	shalt  }
0x7b: {  	_ =	shalt  }
0x7c: {  	_ =	shalt  }
0x7d: {  	_ =	shalt  }
0x7e: {  	_ =	shalt  }
0x7f: {  	_ =	shalt  }
0x80: {  	_ =	shalt  }
0x81: {  	_ =	shalt  }
0x82: {  	_ =	shalt  }
0x83: {  	_ =	shalt  }
0x84: {  	_ =	shalt  }
0x85: {  	_ =	shalt  }
0x86: {  	_ =	shalt  }
0x87: {  	_ =	shalt  }
.Lfunc_end0:
.L_simem_size_0:
called_computation_lowered:
.L_overlay_start_0:
0x88: {  	s2 =	sld [smem:$0x3FD9]  }
0x89: {  	s3 =	sld [smem:$0x3FFE];
	_ =	sdelay $0x1  }
0x8a: {  	s1 =	srdreg.scid  }
0x8b: {  	s0 =	sand.u32 $0x1, s1  }
0x8c: {  	s14 =	sshll.u32 s0, $0xA;
	s2 =	sadd.s32 s3, s2  }
0x8d: {  	s2 =	sadd.s32 s2, s14  }
0x8e: {  	[smem:$0x3FAE] =	sst s2  }
0x8f: {  	_ = 	snop  }
0x90: {  	s2 =	sld [smem:$0x3FD0];
	_ =	sdelay $0x2  }
0x91: {  	s4 =	simm.s32 $0xA;
	s5 =	simm.s32 $0x10;
	s15 =	sld [smem:$0x3FC7]  }
0x92: {  	[smem:s5], [sflag:s4] =	dma.local [hbm:s2], $0x1  }
0x93: {  	_ =	swait.eq [sflag:s4], $0x1  }
0x94: {  	[sflag:s4] =	ssyncset.done $0x0  }
0x95: {  	[sflag:s4] =	ssyncadd.s32 $0xFFFFFFFF  }
0x96: {  	s16 =	sld [smem:$0x12];
	(tm) =	ssettm $0x1  }
0x97: {  	s17 =	sld [smem:$0x3FFB];
	_ =	sdelay $0x3  }
0x98: {  	_ =	strace s17  }
0x99: {  	s4 =	sld [smem:$0x3FFC];
	_ =	sdelay $0x3  }
0x9a: {  	_ =	strace s4  }
0x9b: {  	s4 =	sld [smem:$0x3FFD];
	_ =	sdelay $0x3  }
0x9c: {  	_ =	strace s4  }
0x9d: {  	_ =	strace $0x8FFFFFFF  }
0x9e: {  	s18 =	sld [smem:$0x3FDB];
	_ =	sdelay $0x1  }
0x9f: {  	s19 =	simm.s32 $_scs_section_size  }
0xa0: {  	s6 =	simm.s32 $_size__tile_overlayer_lowered;
	s7 =	simm.s32 $_tile_overlayer_lowered  }
0xa1: {  	s22 =	simm.s32 $0x1BFF;
	s21 =	sshll.u32 s7, $0x1;
	s4 =	sadd.s32 s19, s18  }
0xa2: {  	s8 =	simm.s32 $0x0;
	s20 =	sshll.u32 s6, $0x1;
	s6 =	sadd.s32 s21, s4  }
0xa3: {  	[timem:s8], [sflag:s22] =	dma.local [hbm:s6], s20  }
0xa4: {  	_ =	swait.ge [sflag:s22], s20  }
0xa5: {  	s5 =	ssub.s32 $0x0, s20;
	[sflag:s22] =	ssyncset.done $0x0  }
0xa6: {  	[sflag:s22] =	ssyncadd.s32 s5;
	_ =	sdelay $0x1  }
0xa7: {  	s23 =	simm.s32 $0x1B8B  }
0xa8: {  	_ =	swait.ge [sflag:s23], $0x1  }
0xa9: {  	[sflag:s23] =	ssyncset.done $0x0  }
0xaa: {  	s25 =	simm.s32 $0x1B8E;
	s24 =	sld [smem:$0x3FFE];
	[sflag:s23] =	ssyncadd.s32 $0xFFFFFFFF  }
0xab: {  	s26 =	simm.s32 $execute0_lowered;
	[smem:$0x3FD2] =	sst s25  }
0xac: {  	s6 =	sshll.u32 s26, $0x1;
	_ =	strace $0x80000046;
	[dreg:$0x1] =	wrdreg $0xFFFFFFFF  }
0xad: {  	s28 =	simm.s32 $_size_execute0_lowered;
	s4 =	sadd.s32 s4, s6;
	[dreg:$0x0] =	wrdreg $0x0  }
0xae: {  	s6 =	sshll.u32 s28, $0x1;
	[dreg:$0x2] =	wrdreg s4  }
0xaf: {  	[dreg:$0x3] =	wrdreg s6  }
0xb0: {  	[dreg:$0x4] =	wrdreg $0xC0  }
0xb1: {  	_ =	task [dreg:s8], $0x5FFFF  }
0xb2: {  	[dreg:$0x1] =	wrdreg $0xFFFFFFFF  }
0xb3: {  	[dreg:$0x0] =	wrdreg $0x60  }
0xb4: {  	[dreg:$0x2] =	wrdreg s24  }
0xb5: {  	[dreg:$0x3] =	wrdreg s15  }
0xb6: {  	[dreg:$0x4] =	wrdreg s16  }
0xb7: {  	[dreg:$0x5] =	wrdreg $0x67800  }
0xb8: {  	[dreg:$0x6] =	wrdreg $0x9  }
0xb9: {  	_ =	task.clear_ibuf [dreg:s8], $0x7FFFF;
	_ =	strace $0x90000046  }
0xba: {  	s29 =	simm.s32 $0x9;
	_ =	strace $0x80000048  }
0xbb: {  	_ =	swait.ge [sflag:s29], $0x1  }
0xbc: {  	[sflag:s29] =	ssyncadd.s32 $0xFFFFFFFF  }
0xbd: {  	_ =	strace $0x90000048  }
0xbe: {  	_ =	sfence  }
0xbf: {  	s30 =	sld [smem:$0x0];
	_ =	sdelay $0x2  }
0xc0: {  	s31 =	sshll.u32 s1, $0xD;
	s1 =	sshrl.u32 s1, $0x2  }
0xc1: {  	s3 =	sand.u32 $0x4000, s31;
	s1 =	sadd.s32 s1, s30  }
0xc2: {  	s0 =	sor.u32 s3, s0;
	s1 =	sshll.u32 s1, $0x11  }
0xc3: {  	s0 =	sor.u32 s1, s0  }
0xc4: {  	s0 =	sadd.s32 $0x8F2B, s0  }
0xc5: {  	[sflag:s0] =	ssyncadd.remote.s32 $0x1  }
0xc6: {  	_ =	sfence.sel $0xFFFF  }
0xc7: {  	[dreg:$0x0] =	wrdreg $0xFFFFFFFF;
	(pc) =	sbr.abs _section_cstart, $3  }
0xc8: {  	[dreg:$0x1] =	wrdreg $0xFFFFFFFF  }
0xc9: {  	_ =	task.clear_ibuf [dreg:s8], $0x2FFFF;
	_ =	strace $0x9FFFFFFF  }
0xca: {  	(tm) =	ssettm $0x7FFFFFFF  }
0xcb: {  	_ =	shalt  }
tec
execute0_lowered:
.L_overlay_start_1:
0x0: {  	(tag) =	ssettag $0x1  }
0x1: {  	s4 =	rddreg [dreg:$0x0]  }
0x2: {  	s15 =	rddreg [dreg:$0x1]  }
0x3: {  	s16 =	rddreg [dreg:$0x2]  }
0x4: {  	s1 =	rddreg [dreg:$0x3]  }
0x5: {  	s2 =	srdreg.scid;
	s0 =	rddreg [dreg:$0x4];
	s3 =	simm.s32 $0x0  }
0x6: {  	s20 =	simm.s32 $0x2710;
	s5 =	sand.u32 $0x1, s2;
	s2 =	stileid.u32  }
0x7: {  	s21 =	simm.s32 $0x0;
	[smem:$0x7FF] =	sst s3;
	s6 =	smul.u32 $0xC3500, s5  }
0x8: {  	s14 =	sadd.s32 $0x6400, s4;
	s7 =	ssub.s32 $0x2, s5;
	s8 =	smul.u32 $0xC350, s2  }
0x9: {  	_ =	strace $0x80000047;
	s17 =	smul.u32 $0x1870, s2;
	s9 =	sshrl.u32 s7, $0x1  }
0xa: {  	p0 =	seq.s32 s5, $0x1;
	s7 =	ssub.s32 s7, s9;
	s6 =	sadd.s32 s8, s6  }
0xb: {  	s4 =	sadd.s32 s17, s1;
	s19 =	sadd.s32 $0x18700, s17;
	s18 =	sshrl.u32 s6, $0x3  }
0xc: {  	s5 =	smax.u32 s7, $0x1;
	s17 =	smov.u32 @p0 s19;
	s19 =	simm.s32 $0x2780  }
0xd: {  	s31 =	sadd.s32 $0x4E2, s18;
	s6 =	sadd.s32 s14, s18;
	s7 =	sadd.s32 s15, s18  }
0xe: {  	s11 =	sadd.s32 $0x9C4, s18;
	s13 =	sadd.s32 $0xEA6, s18;
	s18 =	sadd.s32 $0x1388, s18  }
0xf: {  	s17 =	sshrl.u32 s17, $0x3;
	s8 =	sadd.s32 s14, s31;
	s9 =	sadd.s32 s15, s31  }
0x10: {  	s10 =	sadd.s32 s14, s11;
	s11 =	sadd.s32 s15, s11;
	s12 =	sadd.s32 s14, s13  }
0x11: {  	s13 =	sadd.s32 s15, s13;
	s14 =	sadd.s32 s14, s18;
	s15 =	sadd.s32 s15, s18  }
0x12: {  	v0 =	vimm.f32 $0.0e+00;
	s16 =	sadd.s32 s16, s17;
	s17 =	simm.s32 $0x4F00;
	s18 =	simm.s32 $0x1  }
.LBB2_1:
0x13: {  	s22 =	simm.s32 $0x40;
	s23 =	simm.s32 $0x0  }
.LBB2_2:
0x14: {  	p0 =	sne.s32 s22, $0x6180;
	[tilespmem:s23+$0x4F00] =	vst v0;
	s23 =	smov.u32 s22;
	s22 =	sadd.s32 $0x40, s22  }
.Ltmp0:
0x15: {  	(pc) =	sbr.rel @p0 .LBB2_2-.Ltmp0, $2  }
0x16: {  	_ =	sdelay $0x2  }
0x17: {  	s23 =	sshra.s32 s23, $0x2  }
0x18: {  	[tilespmem:s23+$0x4F00] =	vst v0  }
0x19: {  	[spmem:s4] =	stream.linear.scatter [tilespmem:s17], [sflag:$0x1], $0x1870, $0x38;
	[tilespmem:$0x7FF0] =	vst v63  }
0x1a: {  	_ =	swait.ge [sflag:s18], $0x1870  }
0x1b: {  	[sflag:s18] =	ssyncset.done $0x0  }
0x1c: {  	[sflag:s18] =	ssyncadd.s32 $0xFFFFE790  }
0x1d: {  	[bflag:$0x0] =	sbarrier.arrive $0xFFFF  }
0x1e: {  	[tilespmem:s3], [sflag:$0x1] =	stream.linear.gather [hbm4b:s6+s3], $0x2710, $0x38;
	[tilespmem:$0x7FF0] =	vst v63  }
0x1f: {  	_ =	swait.ge [sflag:s18], $0x2710  }
0x20: {  	[sflag:s18] =	ssyncset.done $0x0  }
0x21: {  	[sflag:s18] =	ssyncadd.s32 $0xFFFFD8F0  }
0x22: {  	[tilespmem:s19], [sflag:$0x1] =	stream.linear.gather [hbm4b:s7+s3], $0x2710, $0x38;
	[tilespmem:$0x7FF0] =	vst v63  }
0x23: {  	_ =	swait.ge [sflag:s18], $0x2710  }
0x24: {  	[sflag:s18] =	ssyncset.done $0x0  }
0x25: {  	[sflag:s18] =	ssyncadd.s32 $0xFFFFD8F0  }
0x26: {  	[spmem:s1] =	stream.indirect.scatter.add.f32 [tilespmem:s19], [sflag:$0x1], $0x1, s3, s20, $0xb8;
	[tilespmem:$0x7FF0] =	vst v63  }
0x27: {  	_ =	swait.ge [sflag:s18], $0x2710  }
0x28: {  	[sflag:s18] =	ssyncset.done $0x0  }
0x29: {  	[sflag:s18] =	ssyncadd.s32 $0xFFFFD8F0  }
0x2a: {  	[tilespmem:s3], [sflag:$0x1] =	stream.linear.gather [hbm4b:s8+s3], $0x2710, $0x38;
	[tilespmem:$0x7FF0] =	vst v63  }
0x2b: {  	_ =	swait.ge [sflag:s18], $0x2710  }
0x2c: {  	[sflag:s18] =	ssyncset.done $0x0  }
0x2d: {  	[sflag:s18] =	ssyncadd.s32 $0xFFFFD8F0  }
0x2e: {  	[tilespmem:s19], [sflag:$0x1] =	stream.linear.gather [hbm4b:s9+s3], $0x2710, $0x38;
	[tilespmem:$0x7FF0] =	vst v63  }
0x2f: {  	_ =	swait.ge [sflag:s18], $0x2710  }
0x30: {  	[sflag:s18] =	ssyncset.done $0x0  }
0x31: {  	[sflag:s18] =	ssyncadd.s32 $0xFFFFD8F0  }
0x32: {  	[spmem:s1] =	stream.indirect.scatter.add.f32 [tilespmem:s19], [sflag:$0x1], $0x1, s3, s20, $0xb8;
	[tilespmem:$0x7FF0] =	vst v63  }
0x33: {  	_ =	swait.ge [sflag:s18], $0x2710  }
0x34: {  	[sflag:s18] =	ssyncset.done $0x0  }
0x35: {  	[sflag:s18] =	ssyncadd.s32 $0xFFFFD8F0  }
0x36: {  	[tilespmem:s3], [sflag:$0x1] =	stream.linear.gather [hbm4b:s10+s3], $0x2710, $0x38;
	[tilespmem:$0x7FF0] =	vst v63  }
0x37: {  	_ =	swait.ge [sflag:s18], $0x2710  }
0x38: {  	[sflag:s18] =	ssyncset.done $0x0  }
0x39: {  	[sflag:s18] =	ssyncadd.s32 $0xFFFFD8F0  }
0x3a: {  	[tilespmem:s19], [sflag:$0x1] =	stream.linear.gather [hbm4b:s11+s3], $0x2710, $0x38;
	[tilespmem:$0x7FF0] =	vst v63  }
0x3b: {  	_ =	swait.ge [sflag:s18], $0x2710  }
0x3c: {  	[sflag:s18] =	ssyncset.done $0x0  }
0x3d: {  	[sflag:s18] =	ssyncadd.s32 $0xFFFFD8F0  }
0x3e: {  	[spmem:s1] =	stream.indirect.scatter.add.f32 [tilespmem:s19], [sflag:$0x1], $0x1, s3, s20, $0xb8;
	[tilespmem:$0x7FF0] =	vst v63  }
0x3f: {  	_ =	swait.ge [sflag:s18], $0x2710  }
0x40: {  	[sflag:s18] =	ssyncset.done $0x0  }
0x41: {  	[sflag:s18] =	ssyncadd.s32 $0xFFFFD8F0  }
0x42: {  	[tilespmem:s3], [sflag:$0x1] =	stream.linear.gather [hbm4b:s12+s3], $0x2710, $0x38;
	[tilespmem:$0x7FF0] =	vst v63  }
0x43: {  	_ =	swait.ge [sflag:s18], $0x2710  }
0x44: {  	[sflag:s18] =	ssyncset.done $0x0  }
0x45: {  	[sflag:s18] =	ssyncadd.s32 $0xFFFFD8F0  }
0x46: {  	[tilespmem:s19], [sflag:$0x1] =	stream.linear.gather [hbm4b:s13+s3], $0x2710, $0x38;
	[tilespmem:$0x7FF0] =	vst v63  }
0x47: {  	_ =	swait.ge [sflag:s18], $0x2710  }
0x48: {  	[sflag:s18] =	ssyncset.done $0x0  }
0x49: {  	[sflag:s18] =	ssyncadd.s32 $0xFFFFD8F0  }
0x4a: {  	[spmem:s1] =	stream.indirect.scatter.add.f32 [tilespmem:s19], [sflag:$0x1], $0x1, s3, s20, $0xb8;
	[tilespmem:$0x7FF0] =	vst v63  }
0x4b: {  	_ =	swait.ge [sflag:s18], $0x2710  }
0x4c: {  	[sflag:s18] =	ssyncset.done $0x0  }
0x4d: {  	[sflag:s18] =	ssyncadd.s32 $0xFFFFD8F0  }
0x4e: {  	[tilespmem:s3], [sflag:$0x1] =	stream.linear.gather [hbm4b:s14+s3], $0x2710, $0x38;
	[tilespmem:$0x7FF0] =	vst v63  }
0x4f: {  	_ =	swait.ge [sflag:s18], $0x2710  }
0x50: {  	[sflag:s18] =	ssyncset.done $0x0  }
0x51: {  	[sflag:s18] =	ssyncadd.s32 $0xFFFFD8F0  }
0x52: {  	[tilespmem:s19], [sflag:$0x1] =	stream.linear.gather [hbm4b:s15+s3], $0x2710, $0x38;
	[tilespmem:$0x7FF0] =	vst v63  }
0x53: {  	_ =	swait.ge [sflag:s18], $0x2710  }
0x54: {  	[sflag:s18] =	ssyncset.done $0x0  }
0x55: {  	[sflag:s18] =	ssyncadd.s32 $0xFFFFD8F0  }
0x56: {  	[spmem:s1] =	stream.indirect.scatter.add.f32 [tilespmem:s19], [sflag:$0x1], $0x1, s3, s20, $0xb8;
	[tilespmem:$0x7FF0] =	vst v63  }
0x57: {  	_ =	swait.ge [sflag:s18], $0x2710  }
0x58: {  	[sflag:s18] =	ssyncset.done $0x0  }
0x59: {  	[sflag:s18] =	ssyncadd.s32 $0xFFFFD8F0  }
0x5a: {  	[bflag:$0x0] =	sbarrier.arrive $0xFFFF  }
0x5b: {  	[tilespmem:s17], [sflag:$0x1] =	stream.linear.gather [spmem:s4], $0x1870, $0x38;
	[tilespmem:$0x7FF0] =	vst v63  }
0x5c: {  	s21 =	sadd.s32 $0x1, s21;
	_ =	swait.ge [sflag:s18], $0x1870  }
0x5d: {  	p0 =	sne.s32 s21, s5;
	[sflag:s18] =	ssyncset.done $0x0  }
.Ltmp1:
0x5e: {  	[sflag:s18] =	ssyncadd.s32 $0xFFFFE790;
	(pc) =	sbr.rel @p0 .LBB2_1-.Ltmp1, $4  }
0x5f: {  	[hbm4b:s16+s3] =	stream.linear.scatter [tilespmem:s17], [sflag:$0x1], $0x1870, $0x38;
	[tilespmem:$0x7FF0] =	vst v63  }
0x60: {  	_ =	swait.ge [sflag:s18], $0x1870  }
0x61: {  	[sflag:s18] =	ssyncset.done $0x0  }
0x62: {  	[sflag:s18] =	ssyncadd.s32 $0xFFFFE790  }
0x63: {  	_ =	sfence.sel $0x180000  }
0x64: {  	[bflag:$0x0] =	sbarrier.arrive $0xFFFF  }
0x65: {  	p0 =	sne.s32 s2, $0x0;
	_ =	strace $0x90000047  }
0x66: {  	s0 =	sadd.s32 @!p0 $0x100000, s0;
	[bflag:$0x2] =	sbarrier.arrive $0xFFFF  }
0x67: {  	[sflag:s0] =	ssyncadd.tile.s32 @!p0 $0x1;
	_ =	shalt  }
.Lfunc_end2:
_tile_overlayer_lowered:
.L_overlay_start_2:
0x68: {  	(tag) =	ssettag $0x2  }
0x69: {  	s0 =	rddreg [dreg:$0x0];
	s2 =	stileid.u32  }
0x6a: {  	s1 =	rddreg [dreg:$0x1];
	p0 =	sne.s32 s2, $0x0  }
0x6b: {  	s3 =	rddreg [dreg:$0x2];
	[bflag:$0x3] =	sbarrier.arrive $0xFFFF;
	s2 =	simm.s32 @!p0 $0x1C01  }
0x6c: {  	[timem:s3], [sflag:s2] =	dma.local @!p0 [hbm:s0], s1  }
0x6d: {  	s0 =	simm.s32 @!p0 $0x1  }
0x6e: {  	_ =	swait.ge @!p0 [sflag:s0], s1  }
0x6f: {  	s1 =	ssub.s32 @!p0 $0x0, s1;
	[sflag:s0] =	ssyncset.done @!p0 $0x0  }
0x70: {  	[sflag:s0] =	ssyncadd.s32 @!p0 s1  }
0x71: {  	[bflag:$0x3] =	sbarrier.arrive $0xFFFF  }
0x72: {  	_ =	shalt  }

// kernel: kernel.9.cloned.1.call-start
scs
__scs_entry_jumppad:
0x0: {  	(pc) =	sbr.rel $0x88, $3  }
0x1: {  	(tag) =	ssettag $0x0;
	lr =	simm.s32 $0x1  }
0x2: {  	[smem:$0x3F87] =	sst lr;
	_ =	strace $0xD0000000  }
0x3: {  	_ = 	snop  }
0x4: {  	_ = 	snop  }
0x5: {  	_ = 	snop  }
0x6: {  	_ = 	snop  }
0x7: {  	_ = 	snop  }
__scs_overlays_trampoline_lowered:
0x8: {  	[smem:$0x3F96] =	sst s0  }
0x9: {  	[smem:$0x3F97] =	sst s1  }
0xa: {  	[smem:$0x3F98] =	sst s2  }
0xb: {  	[smem:$0x3F99] =	sst s3  }
0xc: {  	[smem:$0x3F9A] =	sst s4  }
0xd: {  	[smem:$0x3F9B] =	sst s5  }
0xe: {  	[smem:$0x3F9C] =	sst s6  }
0xf: {  	[smem:$0x3F9D] =	sst s7  }
0x10: {  	[smem:$0x3F9E] =	sst s8  }
0x11: {  	[smem:$0x3F9F] =	sst s9;
	s0 =	simm.s32 @!p0 $0x0  }
0x12: {  	s1 =	sld [smem:$0x3F85];
	s0 =	simm.s32 @p0 $0x1  }
0x13: {  	[smem:$0x3FA0] =	sst s0;
	s0 =	simm.s32 @!p1 $0x0  }
0x14: {  	s2 =	sld [smem:$0x3F84];
	s0 =	simm.s32 @p1 $0x1  }
0x15: {  	[smem:$0x3FA1] =	sst s0;
	s0 =	simm.s32 @!p2 $0x0  }
0x16: {  	s3 =	sld [smem:$0x3FDB];
	s0 =	simm.s32 @p2 $0x1  }
0x17: {  	s4 =	simm.s32 $0x1BF5;
	[smem:$0x3FA3] =	sst s0  }
0x18: {  	s0 =	sld [smem:$0x3F86];
	_ =	swait.ge [sflag:s4], $0x0  }
0x19: {  	s7 =	sld [smem:$0x3F87]  }
0x1a: {  	s8 =	sadd.s32 $0xFFFFE003, lr  }
0x1b: {  	s9 =	sadd.s32 $0xFFFFFEF7, lr;
	s5 =	simm.s32 $0xFFFFFFFF;
	p2 =	slt.u32 s8, $0xFFFFF086  }
0x1c: {  	p1 =	slt.u32 s9, $0xF7A;
	s5 =	simm.s32 @!p2 $0x0  }
0x1d: {  	s5 =	simm.s32 @p1 $0x1;
	p0 =	seq.s32 s7, s2  }
0x1e: {  	s7 =	smul.u32 @!p0 $0xF7A, s2;
	p2 =	seq.s32 @!p0 s5, $0x0  }
0x1f: {  	s9 =	smul.u32 $0xF7A, s1;
	s8 =	simm.s32 @!p0 $0x1BF5;
	p2 =	por !p2, p0  }
0x20: {  	[sflag:s8] =	ssyncset.s32 @!p0 $0xFFFFF086;
	s6 =	sadd.s32 @!p0 s3, s7;
	s7 =	simm.s32 @!p0 $0x108  }
0x21: {  	s3 =	sadd.s32 s3, s9;
	s6 =	sadd.s32 @!p0 $0x88, s6;
	s7 =	simm.s32 @p2 $0x1082  }
0x22: {  	[simem:s7], [sflag:s8] =	dma.local @!p0 [hbm:s6], $0xF7A  }
0x23: {  	s9 =	sor.u32 $0xD0000000, s2;
	s6 =	simm.s32 $0x108;
	_ =	swait.ge @!p0 [sflag:s8], $0x0  }
0x24: {  	s3 =	sadd.s32 $0x88, s3;
	s6 =	simm.s32 @!p1 $0x1082;
	[sflag:s4] =	ssyncset.s32 $0xFFFFF086  }
0x25: {  	[simem:s6], [sflag:s4] =	dma.local [hbm:s3], $0xF7A  }
0x26: {  	[smem:$0x3F87] =	sst s1;
	(tag) =	ssettag s2;
	_ =	strace s9  }
0x27: {  	s1 =	sld [smem:$0x3F97]  }
0x28: {  	s2 =	sld [smem:$0x3F98]  }
0x29: {  	s4 =	sld [smem:$0x3F9A]  }
0x2a: {  	p0 =	seq.s32 s5, $0x0;
	s5 =	sld [smem:$0x3F9B]  }
0x2b: {  	s6 =	sld [smem:$0x3F9C]  }
0x2c: {  	s7 =	sld [smem:$0x3F9D]  }
0x2d: {  	s3 =	simm.s32 $0x108;
	s8 =	sld [smem:$0x3F9E]  }
0x2e: {  	s3 =	simm.s32 @!p0 $0x1082;
	s9 =	sld [smem:$0x3F9F]  }
0x2f: {  	lr =	sadd.s32 s0, s3;
	s0 =	sld [smem:$0x3F96]  }
0x30: {  	s3 =	sld [smem:$0x3F99]  }
0x31: {  	[smem:$0x3FA2] =	sst s10  }
0x32: {  	s10 =	sld [smem:$0x3FA0];
	_ =	sdelay $0x3  }
0x33: {  	p0 =	seq.s32 s10, $0x1;
	s10 =	sld [smem:$0x3FA2];
	_ =	sdelay $0x3  }
0x34: {  	[smem:$0x3FA2] =	sst s10  }
0x35: {  	s10 =	sld [smem:$0x3FA1];
	_ =	sdelay $0x3  }
0x36: {  	p1 =	seq.s32 s10, $0x1;
	s10 =	sld [smem:$0x3FA2];
	_ =	sdelay $0x3  }
0x37: {  	[smem:$0x3FA2] =	sst s10  }
0x38: {  	s10 =	sld [smem:$0x3FA3]  }
0x39: {  	_ = 	snop;
	(pc) =	sbr.ind lr, $3  }
0x3a: {  	_ = 	snop  }
0x3b: {  	_ = 	snop  }
0x3c: {  	p2 =	seq.s32 s10, $0x1;
	s10 =	sld [smem:$0x3FA2]  }
0x3d: {  	_ =	shalt  }
0x3e: {  	_ =	shalt  }
0x3f: {  	_ =	shalt  }
0x40: {  	_ =	shalt  }
0x41: {  	_ =	shalt  }
0x42: {  	_ =	shalt  }
0x43: {  	_ =	shalt  }
0x44: {  	_ =	shalt  }
0x45: {  	_ =	shalt  }
0x46: {  	_ =	shalt  }
0x47: {  	_ =	shalt  }
0x48: {  	_ =	shalt  }
0x49: {  	_ =	shalt  }
0x4a: {  	_ =	shalt  }
0x4b: {  	_ =	shalt  }
0x4c: {  	_ =	shalt  }
0x4d: {  	_ =	shalt  }
0x4e: {  	_ =	shalt  }
0x4f: {  	_ =	shalt  }
0x50: {  	_ =	shalt  }
0x51: {  	_ =	shalt  }
0x52: {  	_ =	shalt  }
0x53: {  	_ =	shalt  }
0x54: {  	_ =	shalt  }
0x55: {  	_ =	shalt  }
0x56: {  	_ =	shalt  }
0x57: {  	_ =	shalt  }
0x58: {  	_ =	shalt  }
0x59: {  	_ =	shalt  }
0x5a: {  	_ =	shalt  }
0x5b: {  	_ =	shalt  }
0x5c: {  	_ =	shalt  }
0x5d: {  	_ =	shalt  }
0x5e: {  	_ =	shalt  }
0x5f: {  	_ =	shalt  }
0x60: {  	_ =	shalt  }
0x61: {  	_ =	shalt  }
0x62: {  	_ =	shalt  }
0x63: {  	_ =	shalt  }
0x64: {  	_ =	shalt  }
0x65: {  	_ =	shalt  }
0x66: {  	_ =	shalt  }
0x67: {  	_ =	shalt  }
0x68: {  	_ =	shalt  }
0x69: {  	_ =	shalt  }
0x6a: {  	_ =	shalt  }
0x6b: {  	_ =	shalt  }
0x6c: {  	_ =	shalt  }
0x6d: {  	_ =	shalt  }
0x6e: {  	_ =	shalt  }
0x6f: {  	_ =	shalt  }
0x70: {  	_ =	shalt  }
0x71: {  	_ =	shalt  }
0x72: {  	_ =	shalt  }
0x73: {  	_ =	shalt  }
0x74: {  	_ =	shalt  }
0x75: {  	_ =	shalt  }
0x76: {  	_ =	shalt  }
0x77: {  	_ =	shalt  }
0x78: {  	_ =	shalt  }
0x79: {  	_ =	shalt  }
0x7a: {  	_ =	shalt  }
0x7b: {  	_ =	shalt  }
0x7c: {  	_ =	shalt  }
0x7d: {  	_ =	shalt  }
0x7e: {  	_ =	shalt  }
0x7f: {  	_ =	shalt  }
0x80: {  	_ =	shalt  }
0x81: {  	_ =	shalt  }
0x82: {  	_ =	shalt  }
0x83: {  	_ =	shalt  }
0x84: {  	_ =	shalt  }
0x85: {  	_ =	shalt  }
0x86: {  	_ =	shalt  }
0x87: {  	_ =	shalt  }
.Lfunc_end0:
.L_simem_size_0:
called_computation.1_lowered:
.L_overlay_start_0:
0x88: {  	s2 =	sld [smem:$0x3FD9]  }
0x89: {  	s3 =	sld [smem:$0x3FFE];
	_ =	sdelay $0x1  }
0x8a: {  	s1 =	srdreg.scid  }
0x8b: {  	s0 =	sand.u32 $0x1, s1  }
0x8c: {  	s14 =	sshll.u32 s0, $0xA;
	s2 =	sadd.s32 s3, s2  }
0x8d: {  	s2 =	sadd.s32 s2, s14  }
0x8e: {  	[smem:$0x3FAE] =	sst s2  }
0x8f: {  	_ = 	snop  }
0x90: {  	s2 =	sld [smem:$0x3FD0];
	_ =	sdelay $0x2  }
0x91: {  	s4 =	simm.s32 $0xA;
	s5 =	simm.s32 $0x10;
	s15 =	sld [smem:$0x3FC7]  }
0x92: {  	[smem:s5], [sflag:s4] =	dma.local [hbm:s2], $0x1  }
0x93: {  	_ =	swait.eq [sflag:s4], $0x1  }
0x94: {  	[sflag:s4] =	ssyncset.done $0x0  }
0x95: {  	s16 =	sld [smem:$0x11];
	[sflag:s4] =	ssyncadd.s32 $0xFFFFFFFF  }
0x96: {  	s17 =	sld [smem:$0x12];
	(tm) =	ssettm $0x1  }
0x97: {  	s18 =	sld [smem:$0x3FFB];
	_ =	sdelay $0x3  }
0x98: {  	_ =	strace s18  }
0x99: {  	s5 =	sld [smem:$0x3FFC];
	_ =	sdelay $0x3  }
0x9a: {  	_ =	strace s5  }
0x9b: {  	s5 =	sld [smem:$0x3FFD];
	_ =	sdelay $0x3  }
0x9c: {  	_ =	strace s5  }
0x9d: {  	_ =	strace $0x8FFFFFFF  }
0x9e: {  	s19 =	sld [smem:$0x3FDB];
	_ =	sdelay $0x1  }
0x9f: {  	s6 =	simm.s32 $_scs_section_size  }
0xa0: {  	s7 =	simm.s32 $_size__tile_overlayer_lowered;
	s8 =	simm.s32 $_tile_overlayer_lowered  }
0xa1: {  	s22 =	simm.s32 $0x1BFF;
	s21 =	sshll.u32 s8, $0x1;
	s5 =	sadd.s32 s6, s19  }
0xa2: {  	s9 =	simm.s32 $0x0;
	s20 =	sshll.u32 s7, $0x1;
	s7 =	sadd.s32 s21, s5  }
0xa3: {  	[timem:s9], [sflag:s22] =	dma.local [hbm:s7], s20  }
0xa4: {  	_ =	swait.ge [sflag:s22], s20  }
0xa5: {  	s6 =	ssub.s32 $0x0, s20;
	[sflag:s22] =	ssyncset.done $0x0  }
0xa6: {  	[sflag:s22] =	ssyncadd.s32 s6;
	_ =	sdelay $0x1  }
0xa7: {  	s23 =	simm.s32 $0x1B8B  }
0xa8: {  	_ =	swait.ge [sflag:s23], $0x1  }
0xa9: {  	[sflag:s23] =	ssyncset.done $0x0  }
0xaa: {  	s25 =	simm.s32 $0x1B8E;
	s24 =	sld [smem:$0x3FFE];
	[sflag:s23] =	ssyncadd.s32 $0xFFFFFFFF  }
0xab: {  	s26 =	simm.s32 $execute0_lowered;
	[smem:$0x3FD2] =	sst s25  }
0xac: {  	s7 =	sshll.u32 s26, $0x1;
	_ =	strace $0x80000049;
	[dreg:$0x1] =	wrdreg $0xFFFFFFFF  }
0xad: {  	s28 =	simm.s32 $_size_execute0_lowered;
	s5 =	sadd.s32 s5, s7;
	[dreg:$0x0] =	wrdreg $0x0  }
0xae: {  	s7 =	sshll.u32 s28, $0x1;
	[dreg:$0x2] =	wrdreg s5  }
0xaf: {  	[dreg:$0x3] =	wrdreg s7  }
0xb0: {  	[dreg:$0x4] =	wrdreg $0xC0  }
0xb1: {  	_ =	task [dreg:s9], $0x5FFFF  }
0xb2: {  	[dreg:$0x1] =	wrdreg $0xFFFFFFFF  }
0xb3: {  	[dreg:$0x0] =	wrdreg $0x60  }
0xb4: {  	[dreg:$0x2] =	wrdreg s24  }
0xb5: {  	[dreg:$0x3] =	wrdreg s16  }
0xb6: {  	[dreg:$0x4] =	wrdreg s15  }
0xb7: {  	[dreg:$0x5] =	wrdreg s17  }
0xb8: {  	[dreg:$0x6] =	wrdreg $0x6D600  }
0xb9: {  	[dreg:$0x7] =	wrdreg $0x9  }
0xba: {  	_ =	task.clear_ibuf [dreg:s9], $0x8FFFF;
	_ =	strace $0x90000049  }
0xbb: {  	s29 =	simm.s32 $0x9;
	_ =	strace $0x8000004B  }
0xbc: {  	_ =	swait.ge [sflag:s29], $0x1  }
0xbd: {  	[sflag:s29] =	ssyncadd.s32 $0xFFFFFFFF  }
0xbe: {  	_ =	strace $0x9000004B  }
0xbf: {  	_ =	sfence  }
0xc0: {  	s30 =	sld [smem:$0x0];
	_ =	sdelay $0x2  }
0xc1: {  	s31 =	sshll.u32 s1, $0xD;
	s1 =	sshrl.u32 s1, $0x2  }
0xc2: {  	s3 =	sand.u32 $0x4000, s31;
	s1 =	sadd.s32 s1, s30  }
0xc3: {  	s0 =	sor.u32 s3, s0;
	s1 =	sshll.u32 s1, $0x11  }
0xc4: {  	s0 =	sor.u32 s1, s0  }
0xc5: {  	s0 =	sadd.s32 $0x8F2B, s0  }
0xc6: {  	[sflag:s0] =	ssyncadd.remote.s32 $0x1  }
0xc7: {  	_ =	sfence.sel $0xFFFF  }
0xc8: {  	[dreg:$0x0] =	wrdreg $0xFFFFFFFF;
	(pc) =	sbr.abs _section_cstart, $3  }
0xc9: {  	[dreg:$0x1] =	wrdreg $0xFFFFFFFF  }
0xca: {  	_ =	task.clear_ibuf [dreg:s9], $0x2FFFF;
	_ =	strace $0x9FFFFFFF  }
0xcb: {  	(tm) =	ssettm $0x7FFFFFFF  }
tec
execute0_lowered:
.L_overlay_start_1:
0x0: {  	(tag) =	ssettag $0x1  }
0x1: {  	s0 =	rddreg [dreg:$0x0]  }
0x2: {  	s1 =	rddreg [dreg:$0x1]  }
0x3: {  	s2 =	rddreg [dreg:$0x2]  }
0x4: {  	s4 =	rddreg [dreg:$0x3]  }
0x5: {  	s3 =	rddreg [dreg:$0x4];
	s5 =	simm.s32 $0x0;
	s6 =	srdreg.scid  }
0x6: {  	s17 =	stileid.u32;
	[smem:$0x7FF] =	sst s5  }
0x7: {  	s11 =	sand.u32 $0x1, s6;
	s7 =	smul.u32 $0x186A0, s17;
	s8 =	sadd.s32 $0x344600, s0  }
0x8: {  	s6 =	sadd.s32 $0x6400, s0;
	s9 =	sadd.s32 $0x375400, s0;
	s14 =	smul.u32 $0x61C00, s17  }
0x9: {  	_ =	strace $0x8000004A;
	s10 =	ssub.s32 $0x2, s11;
	s12 =	sshrl.u32 s7, $0x3  }
0xa: {  	s16 =	sshrl.u32 s10, $0x1;
	s21 =	sshrl.u32 s14, $0x2;
	s13 =	sadd.s32 s6, s12  }
0xb: {  	s0 =	ssub.s32 s10, s16;
	s12 =	sadd.s32 s2, s12;
	[dreg:$0x6] =	wrdreg s13  }
0xc: {  	s10 =	sadd.s32 $0x190, s7;
	[dreg:$0x7] =	wrdreg s12;
	s0 =	smax.u32 s0, $0x1  }
0xd: {  	s18 =	sshrl.u32 s10, $0x3;
	s12 =	sadd.s32 s21, s3;
	[dreg:$0xa] =	wrdreg s0  }
0xe: {  	s19 =	sadd.s32 s6, s18;
	[dreg:$0xb] =	wrdreg s12  }
0xf: {  	s20 =	sadd.s32 s2, s18;
	[dreg:$0x8] =	wrdreg s19  }
0x10: {  	s23 =	sadd.s32 $0x1870, s12;
	[dreg:$0x9] =	wrdreg s20  }
0x11: {  	s24 =	sadd.s32 $0x30E0, s12;
	[dreg:$0xc] =	wrdreg s23  }
0x12: {  	s25 =	sadd.s32 $0x4950, s12;
	[dreg:$0xd] =	wrdreg s24  }
0x13: {  	s28 =	simm.s32 $0x2;
	s26 =	sadd.s32 $0x61C0, s12;
	[dreg:$0xe] =	wrdreg s25  }
0x14: {  	s29 =	simm.s32 $0x4;
	s13 =	sadd.s32 $0x7A30, s12;
	[dreg:$0xf] =	wrdreg s26  }
0x15: {  	s30 =	simm.s32 $0x4B0;
	s14 =	sadd.s32 $0x92A0, s12;
	[dreg:$0x10] =	wrdreg s13  }
0x16: {  	s22 =	smul.u32 $0x30E0, s17;
	s17 =	sadd.s32 $0xAB10, s12;
	[dreg:$0x11] =	wrdreg s14  }
0x17: {  	s31 =	simm.s32 $0x5460;
	s18 =	sadd.s32 $0xC380, s12;
	[dreg:$0x12] =	wrdreg s17  }
0x18: {  	p0 =	sne.s32 s11, $0x0;
	s21 =	sadd.s32 $0x10CD0, s12;
	[dreg:$0x13] =	wrdreg s18  }
0x19: {  	s15 =	sadd.s32 $0x320, s7;
	s19 =	sadd.s32 $0xDBF0, s12;
	[dreg:$0x16] =	wrdreg s21  }
0x1a: {  	s16 =	sadd.s32 $0x4B0, s7;
	s20 =	sadd.s32 $0xF460, s12;
	[dreg:$0x14] =	wrdreg s19  }
0x1b: {  	s23 =	sadd.s32 s22, s4;
	s22 =	sadd.s32 $0x12540, s12;
	[dreg:$0x15] =	wrdreg s20  }
0x1c: {  	s24 =	sadd.s32 $0x13DB0, s12;
	s25 =	sadd.s32 $0x15620, s12;
	[dreg:$0x17] =	wrdreg s22  }
.Ltmp0:
0x1d: {  	s26 =	sadd.s32 $0x16E90, s12;
	[dreg:$0x18] =	wrdreg s24;
	(pc) =	sbr.rel .LBB2_1-.Ltmp0, $4  }
0x1e: {  	s14 =	simm.s32 $0x3B60;
	s17 =	simm.s32 $0x5;
	[dreg:$0x19] =	wrdreg s25  }
0x1f: {  	s21 =	simm.s32 $0x960;
	s4 =	simm.s32 $0x0;
	[dreg:$0x1a] =	wrdreg s26  }
0x20: {  	s13 =	sadd.s32 $0x30E00, s23;
	s20 =	simm.s32 $0x190;
	s22 =	simm.s32 $0x7D0  }
0x21: {  	v0 =	vimm.f32 $0.0e+00;
	s24 =	simm.s32 $0x2260;
	s25 =	simm.s32 $0x1;
	s26 =	simm.s32 $0x320  }
.LBB2_32:
0x22: {  	s4 =	sadd.s32 $0x1, s4;
	s0 =	rddreg [dreg:$0xa]  }
0x23: {  	p1 =	sne.s32 s4, s0  }
.Ltmp1:
0x24: {  	_ = 	snop;
	(pc) =	sbr.rel @!p1 .LBB2_33-.Ltmp1, $1  }
0x25: {  	_ =	sdelay $0x3  }
.LBB2_1:
0x26: {  	[dreg:$0x1b] =	wrdreg s4;
	s0 =	simm.s32 $0x40;
	s4 =	simm.s32 $0x0  }
.LBB2_2:
0x27: {  	p1 =	sne.s32 s0, $0x6180;
	[tilespmem:s4+$0x3B60] =	vst v0;
	s4 =	smov.u32 s0;
	s0 =	sadd.s32 $0x40, s0  }
.Ltmp2:
0x28: {  	(pc) =	sbr.rel @p1 .LBB2_2-.Ltmp2, $2  }
0x29: {  	_ =	sdelay $0x2  }
0x2a: {  	s4 =	sshra.s32 s4, $0x2  }
0x2b: {  	[tilespmem:s4+$0x3B60] =	vst v0  }
0x2c: {  	[spmem:s12] =	stream.linear.scatter [tilespmem:s14], [sflag:$0x5], $0x1870, $0x38;
	[tilespmem:$0x1F460] =	vst v63  }
0x2d: {  	_ =	swait.ge [sflag:s17], $0x1870  }
0x2e: {  	[sflag:s17] =	ssyncset.done $0x0  }
0x2f: {  	s0 =	rddreg [dreg:$0xc];
	[sflag:s17] =	ssyncadd.s32 $0xFFFFE790  }
0x30: {  	[spmem:s0] =	stream.linear.scatter [tilespmem:s14], [sflag:$0x5], $0x1870, $0x38;
	[tilespmem:$0x1F460] =	vst v63  }
0x31: {  	_ =	swait.ge [sflag:s17], $0x1870  }
0x32: {  	[sflag:s17] =	ssyncset.done $0x0  }
0x33: {  	s18 =	rddreg [dreg:$0xd];
	[sflag:s17] =	ssyncadd.s32 $0xFFFFE790  }
0x34: {  	[spmem:s18] =	stream.linear.scatter [tilespmem:s14], [sflag:$0x5], $0x1870, $0x38;
	[tilespmem:$0x1F460] =	vst v63  }
0x35: {  	_ =	swait.ge [sflag:s17], $0x1870  }
0x36: {  	[sflag:s17] =	ssyncset.done $0x0  }
0x37: {  	s19 =	rddreg [dreg:$0xe];
	[sflag:s17] =	ssyncadd.s32 $0xFFFFE790  }
0x38: {  	[spmem:s19] =	stream.linear.scatter [tilespmem:s14], [sflag:$0x5], $0x1870, $0x38;
	[tilespmem:$0x1F460] =	vst v63  }
0x39: {  	_ =	swait.ge [sflag:s17], $0x1870  }
0x3a: {  	[sflag:s17] =	ssyncset.done $0x0  }
0x3b: {  	s4 =	rddreg [dreg:$0xf];
	[sflag:s17] =	ssyncadd.s32 $0xFFFFE790  }
0x3c: {  	[spmem:s4] =	stream.linear.scatter [tilespmem:s14], [sflag:$0x5], $0x1870, $0x38;
	[tilespmem:$0x1F460] =	vst v63  }
0x3d: {  	_ =	swait.ge [sflag:s17], $0x1870  }
0x3e: {  	[sflag:s17] =	ssyncset.done $0x0  }
0x3f: {  	s11 =	rddreg [dreg:$0x10];
	[sflag:s17] =	ssyncadd.s32 $0xFFFFE790  }
0x40: {  	[spmem:s11] =	stream.linear.scatter [tilespmem:s14], [sflag:$0x5], $0x1870, $0x38;
	[tilespmem:$0x1F460] =	vst v63  }
0x41: {  	_ =	swait.ge [sflag:s17], $0x1870  }
0x42: {  	[sflag:s17] =	ssyncset.done $0x0  }
0x43: {  	s12 =	rddreg [dreg:$0x11];
	[sflag:s17] =	ssyncadd.s32 $0xFFFFE790  }
0x44: {  	[spmem:s12] =	stream.linear.scatter [tilespmem:s14], [sflag:$0x5], $0x1870, $0x38;
	[tilespmem:$0x1F460] =	vst v63  }
0x45: {  	_ =	swait.ge [sflag:s17], $0x1870  }
0x46: {  	[sflag:s17] =	ssyncset.done $0x0  }
0x47: {  	s18 =	rddreg [dreg:$0x12];
	[sflag:s17] =	ssyncadd.s32 $0xFFFFE790  }
0x48: {  	[spmem:s18] =	stream.linear.scatter [tilespmem:s14], [sflag:$0x5], $0x1870, $0x38;
	[tilespmem:$0x1F460] =	vst v63  }
0x49: {  	_ =	swait.ge [sflag:s17], $0x1870  }
0x4a: {  	[sflag:s17] =	ssyncset.done $0x0  }
0x4b: {  	s19 =	rddreg [dreg:$0x13];
	[sflag:s17] =	ssyncadd.s32 $0xFFFFE790  }
0x4c: {  	[spmem:s19] =	stream.linear.scatter [tilespmem:s14], [sflag:$0x5], $0x1870, $0x38;
	[tilespmem:$0x1F460] =	vst v63  }
0x4d: {  	_ =	swait.ge [sflag:s17], $0x1870  }
0x4e: {  	[sflag:s17] =	ssyncset.done $0x0  }
0x4f: {  	s4 =	rddreg [dreg:$0x14];
	[sflag:s17] =	ssyncadd.s32 $0xFFFFE790  }
0x50: {  	[spmem:s4] =	stream.linear.scatter [tilespmem:s14], [sflag:$0x5], $0x1870, $0x38;
	[tilespmem:$0x1F460] =	vst v63  }
0x51: {  	_ =	swait.ge [sflag:s17], $0x1870  }
0x52: {  	[sflag:s17] =	ssyncset.done $0x0  }
0x53: {  	s11 =	rddreg [dreg:$0x15];
	[sflag:s17] =	ssyncadd.s32 $0xFFFFE790  }
0x54: {  	[spmem:s11] =	stream.linear.scatter [tilespmem:s14], [sflag:$0x5], $0x1870, $0x38;
	[tilespmem:$0x1F460] =	vst v63  }
0x55: {  	_ =	swait.ge [sflag:s17], $0x1870  }
0x56: {  	[sflag:s17] =	ssyncset.done $0x0  }
0x57: {  	s12 =	rddreg [dreg:$0x16];
	[sflag:s17] =	ssyncadd.s32 $0xFFFFE790  }
0x58: {  	[spmem:s12] =	stream.linear.scatter [tilespmem:s14], [sflag:$0x5], $0x1870, $0x38;
	[tilespmem:$0x1F460] =	vst v63  }
0x59: {  	_ =	swait.ge [sflag:s17], $0x1870  }
0x5a: {  	[sflag:s17] =	ssyncset.done $0x0  }
0x5b: {  	s18 =	rddreg [dreg:$0x17];
	[sflag:s17] =	ssyncadd.s32 $0xFFFFE790  }
0x5c: {  	[spmem:s18] =	stream.linear.scatter [tilespmem:s14], [sflag:$0x5], $0x1870, $0x38;
	[tilespmem:$0x1F460] =	vst v63  }
0x5d: {  	_ =	swait.ge [sflag:s17], $0x1870  }
0x5e: {  	[sflag:s17] =	ssyncset.done $0x0  }
0x5f: {  	s19 =	rddreg [dreg:$0x18];
	[sflag:s17] =	ssyncadd.s32 $0xFFFFE790  }
0x60: {  	[spmem:s19] =	stream.linear.scatter [tilespmem:s14], [sflag:$0x5], $0x1870, $0x38;
	[tilespmem:$0x1F460] =	vst v63  }
0x61: {  	_ =	swait.ge [sflag:s17], $0x1870  }
0x62: {  	[sflag:s17] =	ssyncset.done $0x0  }
0x63: {  	s4 =	rddreg [dreg:$0x19];
	[sflag:s17] =	ssyncadd.s32 $0xFFFFE790  }
0x64: {  	[spmem:s4] =	stream.linear.scatter [tilespmem:s14], [sflag:$0x5], $0x1870, $0x38;
	[tilespmem:$0x1F460] =	vst v63  }
0x65: {  	_ =	swait.ge [sflag:s17], $0x1870  }
0x66: {  	[sflag:s17] =	ssyncset.done $0x0  }
0x67: {  	s11 =	rddreg [dreg:$0x1a];
	[sflag:s17] =	ssyncadd.s32 $0xFFFFE790  }
0x68: {  	[spmem:s11] =	stream.linear.scatter [tilespmem:s14], [sflag:$0x5], $0x1870, $0x38;
	[tilespmem:$0x1F460] =	vst v63  }
0x69: {  	_ =	swait.ge [sflag:s17], $0x1870  }
0x6a: {  	[sflag:s17] =	ssyncset.done $0x0  }
0x6b: {  	[sflag:s17] =	ssyncadd.s32 $0xFFFFE790  }
0x6c: {  	[bflag:$0x0] =	sbarrier.arrive $0xFFFF  }
0x6d: {  	s12 =	rddreg [dreg:$0x6]  }
0x6e: {  	[tilespmem:s5], [sflag:$0x5] =	stream.linear.gather [hbm4b:s12+s5], $0x190, $0x38;
	[tilespmem:$0x1F460] =	vst v63  }
0x6f: {  	_ =	swait.ge [sflag:s17], $0x190  }
0x70: {  	s19 =	simm.s32 $0x640;
	[sflag:s17] =	ssyncset.done $0x0  }
.Ltmp3:
0x71: {  	s18 =	rddreg [dreg:$0x7];
	[sflag:s17] =	ssyncadd.s32 $0xFFFFFE70;
	(pc) =	sbr.rel @p0 .LBB2_15-.Ltmp3, $4  }
0x72: {  	[tilespmem:s19], [sflag:$0x5] =	stream.linear.gather [hbm4b:s18+s5], $0x190, $0x38;
	[tilespmem:$0x1F460] =	vst v63  }
0x73: {  	_ =	swait.ge [sflag:s17], $0x190  }
0x74: {  	[sflag:s17] =	ssyncset.done $0x0  }
0x75: {  	s11 =	simm.s32 $0x0;
	[sflag:s17] =	ssyncadd.s32 $0xFFFFFE70  }
0x76: {  	[tilespmem:s21], [sflag:$0x1] =	stream.indirect.gather [hbm4b:s8+s20], $0x10, s11, s20, $0xb8;
	[tilespmem:$0x1F460] =	vst v63  }
0x77: {  	s0 =	rddreg [dreg:$0x8]  }
0x78: {  	[tilespmem:s20], [sflag:$0x5] =	stream.linear.gather [hbm4b:s0+s11], $0x190, $0x38;
	[tilespmem:$0x1F460] =	vst v63  }
0x79: {  	_ =	swait.ge [sflag:s17], $0x190  }
0x7a: {  	[sflag:s17] =	ssyncset.done $0x0  }
0x7b: {  	s19 =	rddreg [dreg:$0x9];
	[sflag:s17] =	ssyncadd.s32 $0xFFFFFE70  }
0x7c: {  	[tilespmem:s22], [sflag:$0x5] =	stream.linear.gather [hbm4b:s19+s11], $0x190, $0x38;
	[tilespmem:$0x1F460] =	vst v63  }
0x7d: {  	_ =	swait.ge [sflag:s17], $0x190  }
0x7e: {  	[sflag:s17] =	ssyncset.done $0x0  }
0x7f: {  	[sflag:s17] =	ssyncadd.s32 $0xFFFFFE70  }
0x80: {  	[tilespmem:s24], [sflag:$0x2] =	stream.indirect.gather [hbm4b:s8+s20], $0x10, s20, s20, $0xb8;
	[tilespmem:$0x1F460] =	vst v63  }
.LBB2_5:
0x81: {  	_ =	swait.ge [sflag:s25], $0x1900  }
0x82: {  	p1 =	seq.s32 s11, $0x0;
	[sflag:s25] =	ssyncset.done $0x0  }
0x83: {  	s0 =	simm.s32 @!p1 $0x3;
	[sflag:s25] =	ssyncadd.s32 $0xFFFFE700  }
0x84: {  	_ =	swait.ge @!p1 [sflag:s0], $0x1900  }
0x85: {  	[sflag:s0] =	ssyncset.done @!p1 $0x0  }
0x86: {  	[sflag:s0] =	ssyncadd.s32 @!p1 $0xFFFFE700;
	s0 =	simm.s32 $0x0  }
0x87: {  	s12 =	simm.s32 $0x640;
	v2 =	vld [tilespmem:s0+$0x960]  }
0x88: {  	s18 =	simm.s32 $0x400;
	v1 =	vld [tilespmem:s12+$0x0]  }
.LBB2_6:
0x89: {  	p2 =	sne.s32 s18, $0x6000;
	v3 =	vld [tilespmem:s0+$0x970]  }
0x8a: {  	v4 =	vld [tilespmem:s0+$0x980]  }
0x8b: {  	v5 =	vld [tilespmem:s0+$0x990]  }
0x8c: {  	v6 =	vld [tilespmem:s0+$0x9A0]  }
0x8d: {  	v7 =	vbroadcast v1, $0x0;
	v8 =	vbroadcast v1, $0x1;
	v9 =	vld [tilespmem:s0+$0x9B0]  }
0x8e: {  	v10 =	vbroadcast v1, $0x2;
	v11 =	vbroadcast v1, $0x3;
	v12 =	vld [tilespmem:s0+$0x9C0]  }
0x8f: {  	v2 =	vmul.f32 v7, v2;
	v3 =	vmul.f32 v3, v8;
	v7 =	vld [tilespmem:s0+$0x9D0]  }
0x90: {  	v4 =	vmul.f32 v4, v10;
	v5 =	vmul.f32 v5, v11;
	v8 =	vld [tilespmem:s0+$0x9E0]  }
0x91: {  	v10 =	vbroadcast v1, $0x5;
	[tilespmem:s0+$0x3B60] =	vst v2;
	v2 =	vbroadcast v1, $0x4;
	v11 =	vld [tilespmem:s0+$0x9F0]  }
0x92: {  	v13 =	vbroadcast v1, $0x7;
	[tilespmem:s0+$0x3B70] =	vst v3;
	v3 =	vbroadcast v1, $0x6;
	v14 =	vld [tilespmem:s0+$0xA00]  }
0x93: {  	[tilespmem:s0+$0x3B80] =	vst v4;
	v2 =	vmul.f32 v6, v2;
	v4 =	vmul.f32 v9, v10;
	v6 =	vld [tilespmem:s0+$0xA10]  }
0x94: {  	[tilespmem:s0+$0x3B90] =	vst v5;
	v3 =	vmul.f32 v12, v3;
	v5 =	vmul.f32 v7, v13;
	v7 =	vld [tilespmem:s0+$0xA20]  }
0x95: {  	v9 =	vbroadcast v1, $0x9;
	[tilespmem:s0+$0x3BA0] =	vst v2;
	v2 =	vbroadcast v1, $0x8;
	v10 =	vld [tilespmem:s0+$0xA30]  }
0x96: {  	v12 =	vbroadcast v1, $0xB;
	[tilespmem:s0+$0x3BB0] =	vst v4;
	v4 =	vbroadcast v1, $0xA;
	v13 =	vld [tilespmem:s0+$0xA40]  }
0x97: {  	[tilespmem:s0+$0x3BC0] =	vst v3;
	v2 =	vmul.f32 v8, v2;
	v3 =	vmul.f32 v11, v9;
	v8 =	vld [tilespmem:s0+$0xA50]  }
0x98: {  	[tilespmem:s0+$0x3BD0] =	vst v5;
	v4 =	vmul.f32 v14, v4;
	v5 =	vmul.f32 v6, v12  }
0x99: {  	v6 =	vbroadcast v1, $0xD;
	[tilespmem:s0+$0x3BE0] =	vst v2;
	v2 =	vbroadcast v1, $0xC  }
0x9a: {  	[tilespmem:s0+$0x3BF0] =	vst v3;
	v3 =	vbroadcast v1, $0xE;
	v1 =	vbroadcast v1, $0xF  }
0x9b: {  	[tilespmem:s0+$0x3C00] =	vst v4;
	v2 =	vmul.f32 v7, v2;
	v4 =	vmul.f32 v10, v6  }
0x9c: {  	[tilespmem:s0+$0x3C10] =	vst v5;
	v3 =	vmul.f32 v13, v3;
	v1 =	vmul.f32 v8, v1  }
.Ltmp4:
0x9d: {  	[tilespmem:s0+$0x3C20] =	vst v2;
	(pc) =	sbr.rel @p2 .LBB2_6-.Ltmp4, $4  }
0x9e: {  	[tilespmem:s0+$0x3C30] =	vst v4  }
0x9f: {  	s4 =	sshra.s32 s18, $0x2;
	[tilespmem:s0+$0x3C40] =	vst v3  }
0xa0: {  	s12 =	sadd.s32 $0x10, s12;
	v2 =	vld [tilespmem:s4+$0x960];
	[tilespmem:s0+$0x3C50] =	vst v1;
	s0 =	smov.u32 s4  }
0xa1: {  	s18 =	sadd.s32 $0x400, s18;
	v1 =	vld [tilespmem:s12+$0x0]  }
0xa2: {  	_ =	sdelay $0x1  }
0xa3: {  	v3 =	vld [tilespmem:s0+$0x970]  }
0xa4: {  	v4 =	vld [tilespmem:s0+$0x980]  }
0xa5: {  	v5 =	vld [tilespmem:s0+$0x990];
	v7 =	vbroadcast v1, $0x0  }
0xa6: {  	v6 =	vld [tilespmem:s0+$0x9A0];
	v10 =	vbroadcast v1, $0x1  }
0xa7: {  	v8 =	vld [tilespmem:s0+$0x9B0];
	v12 =	vbroadcast v1, $0x2;
	v2 =	vmul.f32 v7, v2  }
0xa8: {  	v9 =	vld [tilespmem:s0+$0x9C0];
	v48 =	vbroadcast v1, $0x3;
	v3 =	vmul.f32 v3, v10  }
0xa9: {  	v47 =	vld [tilespmem:s0+$0x9D0];
	v49 =	vbroadcast v1, $0x4;
	v4 =	vmul.f32 v4, v12;
	[tilespmem:s0+$0x3B60] =	vst v2  }
0xaa: {  	v54 =	vld [tilespmem:s0+$0xA30];
	v51 =	vbroadcast v1, $0x5;
	v5 =	vmul.f32 v5, v48;
	[tilespmem:s0+$0x3B70] =	vst v3  }
0xab: {  	v11 =	vld [tilespmem:s0+$0x9E0];
	v53 =	vbroadcast v1, $0x6;
	v6 =	vmul.f32 v6, v49;
	[tilespmem:s0+$0x3B80] =	vst v4  }
0xac: {  	v55 =	vbroadcast v1, $0x7;
	v8 =	vmul.f32 v8, v51;
	v2 =	vld [tilespmem:s0+$0x9F0];
	[tilespmem:s0+$0x3B90] =	vst v5  }
0xad: {  	v62 =	vbroadcast v1, $0xD;
	v9 =	vmul.f32 v9, v53;
	v3 =	vld [tilespmem:s0+$0xA00];
	[tilespmem:s0+$0x3BA0] =	vst v6  }
0xae: {  	v50 =	vld [tilespmem:s0+$0xA10];
	v56 =	vbroadcast v1, $0x8;
	v7 =	vmul.f32 v47, v55;
	[tilespmem:s0+$0x3BB0] =	vst v8  }
0xaf: {  	v52 =	vld [tilespmem:s0+$0xA20];
	v58 =	vbroadcast v1, $0x9;
	v63 =	vmul.f32 v54, v62;
	[tilespmem:s0+$0x3BC0] =	vst v9  }
0xb0: {  	v57 =	vld [tilespmem:s0+$0xA40];
	v59 =	vbroadcast v1, $0xA;
	v8 =	vmul.f32 v11, v56;
	[tilespmem:s0+$0x3BD0] =	vst v7  }
0xb1: {  	v60 =	vld [tilespmem:s0+$0xA50];
	v13 =	vbroadcast v1, $0xB;
	[tilespmem:s0+$0x3C30] =	vst v63;
	v2 =	vmul.f32 v2, v58  }
0xb2: {  	v61 =	vbroadcast v1, $0xC;
	[tilespmem:s0+$0x3BE0] =	vst v8;
	v3 =	vmul.f32 v3, v59  }
0xb3: {  	v4 =	vmul.f32 v50, v13;
	[tilespmem:s0+$0x3BF0] =	vst v2;
	v2 =	vbroadcast v1, $0xE  }
0xb4: {  	s12 =	smul.u32 $0x320, s11;
	[tilespmem:s0+$0x3C00] =	vst v3;
	v3 =	vmul.f32 v52, v61;
	v1 =	vbroadcast v1, $0xF  }
0xb5: {  	[tilespmem:s0+$0x3C10] =	vst v4;
	v2 =	vmul.f32 v57, v2  }
0xb6: {  	s4 =	sadd.s32 s7, s12;
	[tilespmem:s0+$0x3C20] =	vst v3;
	v1 =	vmul.f32 v60, v1  }
0xb7: {  	s4 =	sshrl.u32 s4, $0x3;
	[tilespmem:s0+$0x3C40] =	vst v2  }
0xb8: {  	p2 =	sne.s32 s11, $0x7C;
	s19 =	sadd.s32 s1, s4;
	[tilespmem:s0+$0x3C50] =	vst v1  }
0xb9: {  	[tilespmem:s26], [sflag:$0x5] =	stream.linear.gather [hbm4b:s19+s5], $0x190, $0x38;
	[tilespmem:$0x1F460] =	vst v63  }
.Ltmp5:
0xba: {  	_ = 	snop;
	(pc) =	sbr.rel @p2 .LBB2_9-.Ltmp5, $4  }
0xbb: {  	_ =	swait.ge [sflag:s17], $0x190  }
0xbc: {  	[sflag:s17] =	ssyncset.done $0x0  }
0xbd: {  	[sflag:s17] =	ssyncadd.s32 $0xFFFFFE70  }
0xbe: {  	[spmem:s3] =	stream.indirect.scatter.add.f32 [tilespmem:s14], [sflag:$0x3], $0x10, s26, s20, $0xb8;
	[tilespmem:$0x1F460] =	vst v63  }
.Ltmp6:
0xbf: {  	(pc) =	sbr.rel .LBB2_10-.Ltmp6, $4  }
0xc0: {  	_ = 	snop  }
0xc1: {  	_ =	swait.ge [sflag:s28], $0x1900  }
0xc2: {  	[sflag:s28] =	ssyncset.done $0x0  }
0xc3: {  	[sflag:s28] =	ssyncadd.s32 $0xFFFFE700  }
.LBB2_9:
0xc4: {  	s0 =	sadd.s32 s12, s15  }
0xc5: {  	s0 =	sshrl.u32 s0, $0x3  }
0xc6: {  	s4 =	sadd.s32 s6, s0  }
0xc7: {  	[tilespmem:s5], [sflag:$0x5] =	stream.linear.gather [hbm4b:s4+s5], $0x190, $0x38;
	[tilespmem:$0x1F460] =	vst v63  }
0xc8: {  	_ =	swait.ge [sflag:s17], $0x190  }
0xc9: {  	[sflag:s17] =	ssyncset.done $0x0  }
0xca: {  	s19 =	simm.s32 $0x640;
	s0 =	sadd.s32 s2, s0;
	[sflag:s17] =	ssyncadd.s32 $0xFFFFFE70  }
0xcb: {  	[tilespmem:s19], [sflag:$0x5] =	stream.linear.gather [hbm4b:s0+s5], $0x190, $0x38;
	[tilespmem:$0x1F460] =	vst v63  }
0xcc: {  	_ =	swait.ge [sflag:s17], $0x190  }
0xcd: {  	[sflag:s17] =	ssyncset.done $0x0  }
.Ltmp7:
0xce: {  	[sflag:s17] =	ssyncadd.s32 $0xFFFFFE70;
	(pc) =	sbr.rel @p1 .LBB2_11-.Ltmp7, $4  }
0xcf: {  	[tilespmem:s21], [sflag:$0x1] =	stream.indirect.gather [hbm4b:s8+s20], $0x10, s5, s20, $0xb8;
	[tilespmem:$0x1F460] =	vst v63  }
0xd0: {  	_ =	swait.ge [sflag:s28], $0x1900  }
0xd1: {  	[sflag:s28] =	ssyncset.done $0x0  }
0xd2: {  	[sflag:s28] =	ssyncadd.s32 $0xFFFFE700  }
.LBB2_10:
0xd3: {  	_ =	swait.ge [sflag:s29], $0x1900  }
0xd4: {  	[sflag:s29] =	ssyncset.done $0x0  }
0xd5: {  	[sflag:s29] =	ssyncadd.s32 $0xFFFFE700  }
.LBB2_11:
0xd6: {  	s0 =	simm.s32 $0x0  }
0xd7: {  	s18 =	simm.s32 $0x7D0;
	v2 =	vld [tilespmem:s0+$0x2260]  }
0xd8: {  	s4 =	simm.s32 $0x400;
	v1 =	vld [tilespmem:s18+$0x0]  }
.LBB2_12:
0xd9: {  	p1 =	sne.s32 s4, $0x6000;
	v3 =	vld [tilespmem:s0+$0x2270]  }
0xda: {  	v4 =	vld [tilespmem:s0+$0x2280]  }
0xdb: {  	v5 =	vld [tilespmem:s0+$0x2290]  }
0xdc: {  	v6 =	vld [tilespmem:s0+$0x22A0]  }
0xdd: {  	v7 =	vbroadcast v1, $0x0;
	v8 =	vbroadcast v1, $0x1;
	v9 =	vld [tilespmem:s0+$0x22B0]  }
0xde: {  	v10 =	vbroadcast v1, $0x2;
	v11 =	vbroadcast v1, $0x3;
	v12 =	vld [tilespmem:s0+$0x22C0]  }
0xdf: {  	v2 =	vmul.f32 v7, v2;
	v3 =	vmul.f32 v3, v8;
	v7 =	vld [tilespmem:s0+$0x22D0]  }
0xe0: {  	v4 =	vmul.f32 v4, v10;
	v5 =	vmul.f32 v5, v11;
	v8 =	vld [tilespmem:s0+$0x22E0]  }
0xe1: {  	v10 =	vbroadcast v1, $0x5;
	[tilespmem:s0+$0x5460] =	vst v2;
	v2 =	vbroadcast v1, $0x4;
	v11 =	vld [tilespmem:s0+$0x22F0]  }
0xe2: {  	v13 =	vbroadcast v1, $0x7;
	[tilespmem:s0+$0x5470] =	vst v3;
	v3 =	vbroadcast v1, $0x6;
	v14 =	vld [tilespmem:s0+$0x2300]  }
0xe3: {  	[tilespmem:s0+$0x5480] =	vst v4;
	v2 =	vmul.f32 v6, v2;
	v4 =	vmul.f32 v9, v10;
	v6 =	vld [tilespmem:s0+$0x2310]  }
0xe4: {  	[tilespmem:s0+$0x5490] =	vst v5;
	v3 =	vmul.f32 v12, v3;
	v5 =	vmul.f32 v7, v13;
	v7 =	vld [tilespmem:s0+$0x2320]  }
0xe5: {  	v9 =	vbroadcast v1, $0x9;
	[tilespmem:s0+$0x54A0] =	vst v2;
	v2 =	vbroadcast v1, $0x8;
	v10 =	vld [tilespmem:s0+$0x2330]  }
0xe6: {  	v12 =	vbroadcast v1, $0xB;
	[tilespmem:s0+$0x54B0] =	vst v4;
	v4 =	vbroadcast v1, $0xA;
	v13 =	vld [tilespmem:s0+$0x2340]  }
0xe7: {  	[tilespmem:s0+$0x54C0] =	vst v3;
	v2 =	vmul.f32 v8, v2;
	v3 =	vmul.f32 v11, v9;
	v8 =	vld [tilespmem:s0+$0x2350]  }
0xe8: {  	[tilespmem:s0+$0x54D0] =	vst v5;
	v4 =	vmul.f32 v14, v4;
	v5 =	vmul.f32 v6, v12  }
0xe9: {  	v6 =	vbroadcast v1, $0xD;
	[tilespmem:s0+$0x54E0] =	vst v2;
	v2 =	vbroadcast v1, $0xC  }
0xea: {  	[tilespmem:s0+$0x54F0] =	vst v3;
	v3 =	vbroadcast v1, $0xE;
	v1 =	vbroadcast v1, $0xF  }
0xeb: {  	[tilespmem:s0+$0x5500] =	vst v4;
	v2 =	vmul.f32 v7, v2;
	v4 =	vmul.f32 v10, v6  }
0xec: {  	[tilespmem:s0+$0x5510] =	vst v5;
	v3 =	vmul.f32 v13, v3;
	v1 =	vmul.f32 v8, v1  }
.Ltmp8:
0xed: {  	[tilespmem:s0+$0x5520] =	vst v2;
	(pc) =	sbr.rel @p1 .LBB2_12-.Ltmp8, $4  }
0xee: {  	[tilespmem:s0+$0x5530] =	vst v4  }
0xef: {  	s19 =	sshra.s32 s4, $0x2;
	[tilespmem:s0+$0x5540] =	vst v3  }
0xf0: {  	s18 =	sadd.s32 $0x10, s18;
	v2 =	vld [tilespmem:s19+$0x2260];
	[tilespmem:s0+$0x5550] =	vst v1;
	s0 =	smov.u32 s19  }
0xf1: {  	s4 =	sadd.s32 $0x400, s4;
	v1 =	vld [tilespmem:s18+$0x0]  }
0xf2: {  	_ =	sdelay $0x1  }
0xf3: {  	v3 =	vld [tilespmem:s0+$0x2270]  }
0xf4: {  	v4 =	vld [tilespmem:s0+$0x2280]  }
0xf5: {  	v5 =	vld [tilespmem:s0+$0x2290];
	v7 =	vbroadcast v1, $0x0  }
0xf6: {  	v6 =	vld [tilespmem:s0+$0x22A0];
	v10 =	vbroadcast v1, $0x1  }
0xf7: {  	v8 =	vld [tilespmem:s0+$0x22B0];
	v12 =	vbroadcast v1, $0x2;
	v2 =	vmul.f32 v7, v2  }
0xf8: {  	v9 =	vld [tilespmem:s0+$0x22C0];
	v48 =	vbroadcast v1, $0x3;
	v3 =	vmul.f32 v3, v10  }
0xf9: {  	v47 =	vld [tilespmem:s0+$0x22D0];
	v49 =	vbroadcast v1, $0x4;
	v4 =	vmul.f32 v4, v12;
	[tilespmem:s0+$0x5460] =	vst v2  }
0xfa: {  	v54 =	vld [tilespmem:s0+$0x2330];
	v51 =	vbroadcast v1, $0x5;
	v5 =	vmul.f32 v5, v48;
	[tilespmem:s0+$0x5470] =	vst v3  }
0xfb: {  	v11 =	vld [tilespmem:s0+$0x22E0];
	v53 =	vbroadcast v1, $0x6;
	v6 =	vmul.f32 v6, v49;
	[tilespmem:s0+$0x5480] =	vst v4  }
0xfc: {  	v55 =	vbroadcast v1, $0x7;
	v8 =	vmul.f32 v8, v51;
	v2 =	vld [tilespmem:s0+$0x22F0];
	[tilespmem:s0+$0x5490] =	vst v5  }
0xfd: {  	v62 =	vbroadcast v1, $0xD;
	v9 =	vmul.f32 v9, v53;
	v3 =	vld [tilespmem:s0+$0x2300];
	[tilespmem:s0+$0x54A0] =	vst v6  }
0xfe: {  	v50 =	vld [tilespmem:s0+$0x2310];
	v56 =	vbroadcast v1, $0x8;
	v7 =	vmul.f32 v47, v55;
	[tilespmem:s0+$0x54B0] =	vst v8  }
0xff: {  	v52 =	vld [tilespmem:s0+$0x2320];
	v58 =	vbroadcast v1, $0x9;
	v63 =	vmul.f32 v54, v62;
	[tilespmem:s0+$0x54C0] =	vst v9  }
0x100: {  	v57 =	vld [tilespmem:s0+$0x2340];
	v59 =	vbroadcast v1, $0xA;
	v8 =	vmul.f32 v11, v56;
	[tilespmem:s0+$0x54D0] =	vst v7  }
0x101: {  	v60 =	vld [tilespmem:s0+$0x2350];
	v13 =	vbroadcast v1, $0xB;
	[tilespmem:s0+$0x5530] =	vst v63;
	v2 =	vmul.f32 v2, v58  }
0x102: {  	v61 =	vbroadcast v1, $0xC;
	[tilespmem:s0+$0x54E0] =	vst v8;
	v3 =	vmul.f32 v3, v59  }
0x103: {  	v4 =	vmul.f32 v50, v13;
	[tilespmem:s0+$0x54F0] =	vst v2;
	v2 =	vbroadcast v1, $0xE  }
0x104: {  	[tilespmem:s0+$0x5500] =	vst v3;
	v3 =	vmul.f32 v52, v61;
	v1 =	vbroadcast v1, $0xF  }
0x105: {  	[tilespmem:s0+$0x5510] =	vst v4;
	v2 =	vmul.f32 v57, v2  }
0x106: {  	s4 =	sadd.s32 s12, s10;
	[tilespmem:s0+$0x5520] =	vst v3;
	v1 =	vmul.f32 v60, v1  }
0x107: {  	s4 =	sshrl.u32 s4, $0x3;
	[tilespmem:s0+$0x5540] =	vst v2  }
0x108: {  	p1 =	seq.s32 s11, $0x7C;
	s19 =	sadd.s32 s1, s4;
	[tilespmem:s0+$0x5550] =	vst v1  }
0x109: {  	[tilespmem:s30], [sflag:$0x5] =	stream.linear.gather [hbm4b:s19+s5], $0x190, $0x38;
	[tilespmem:$0x1F460] =	vst v63  }
.Ltmp9:
0x10a: {  	_ = 	snop;
	(pc) =	sbr.rel @p1 .LBB2_26-.Ltmp9, $4  }
0x10b: {  	_ =	swait.ge [sflag:s17], $0x190  }
0x10c: {  	[sflag:s17] =	ssyncset.done $0x0  }
0x10d: {  	[sflag:s17] =	ssyncadd.s32 $0xFFFFFE70  }
0x10e: {  	[spmem:s3] =	stream.indirect.scatter.add.f32 [tilespmem:s31], [sflag:$0x4], $0x10, s30, s20, $0xb8;
	[tilespmem:$0x1F460] =	vst v63  }
0x10f: {  	s0 =	sadd.s32 s12, s16  }
0x110: {  	s0 =	sshrl.u32 s0, $0x3  }
0x111: {  	s4 =	sadd.s32 s6, s0  }
0x112: {  	[tilespmem:s20], [sflag:$0x5] =	stream.linear.gather [hbm4b:s4+s5], $0x190, $0x38;
	[tilespmem:$0x1F460] =	vst v63  }
0x113: {  	_ =	swait.ge [sflag:s17], $0x190  }
0x114: {  	[sflag:s17] =	ssyncset.done $0x0  }
0x115: {  	s0 =	sadd.s32 s2, s0;
	[sflag:s17] =	ssyncadd.s32 $0xFFFFFE70  }
0x116: {  	[tilespmem:s22], [sflag:$0x5] =	stream.linear.gather [hbm4b:s0+s5], $0x190, $0x38;
	[tilespmem:$0x1F460] =	vst v63  }
.Ltmp10:
0x117: {  	_ = 	snop;
	(pc) =	sbr.rel .LBB2_5-.Ltmp10, $4  }
0x118: {  	_ =	swait.ge [sflag:s17], $0x190  }
0x119: {  	[sflag:s17] =	ssyncset.done $0x0  }
0x11a: {  	s11 =	sadd.s32 $0x1, s11;
	[sflag:s17] =	ssyncadd.s32 $0xFFFFFE70  }
0x11b: {  	[tilespmem:s24], [sflag:$0x2] =	stream.indirect.gather [hbm4b:s8+s20], $0x10, s20, s20, $0xb8;
	[tilespmem:$0x1F460] =	vst v63  }
.LBB2_15:
0x11c: {  	[tilespmem:s21], [sflag:$0x1] =	stream.indirect.gather [hbm4b:s9+s20], $0x10, s11, s20, $0xb8;
	[tilespmem:$0x1F460] =	vst v63  }
0x11d: {  	s0 =	rddreg [dreg:$0x8]  }
0x11e: {  	[tilespmem:s20], [sflag:$0x5] =	stream.linear.gather [hbm4b:s0+s11], $0x190, $0x38;
	[tilespmem:$0x1F460] =	vst v63  }
0x11f: {  	_ =	swait.ge [sflag:s17], $0x190  }
0x120: {  	[sflag:s17] =	ssyncset.done $0x0  }
0x121: {  	s19 =	rddreg [dreg:$0x9];
	[sflag:s17] =	ssyncadd.s32 $0xFFFFFE70  }
0x122: {  	[tilespmem:s22], [sflag:$0x5] =	stream.linear.gather [hbm4b:s19+s11], $0x190, $0x38;
	[tilespmem:$0x1F460] =	vst v63  }
0x123: {  	_ =	swait.ge [sflag:s17], $0x190  }
0x124: {  	[sflag:s17] =	ssyncset.done $0x0  }
0x125: {  	[sflag:s17] =	ssyncadd.s32 $0xFFFFFE70  }
0x126: {  	[tilespmem:s24], [sflag:$0x2] =	stream.indirect.gather [hbm4b:s9+s20], $0x10, s20, s20, $0xb8;
	[tilespmem:$0x1F460] =	vst v63  }
.LBB2_16:
0x127: {  	_ =	swait.ge [sflag:s25], $0x1900  }
0x128: {  	p1 =	seq.s32 s11, $0x0;
	[sflag:s25] =	ssyncset.done $0x0  }
0x129: {  	s0 =	simm.s32 @!p1 $0x3;
	[sflag:s25] =	ssyncadd.s32 $0xFFFFE700  }
0x12a: {  	_ =	swait.ge @!p1 [sflag:s0], $0x1900  }
0x12b: {  	[sflag:s0] =	ssyncset.done @!p1 $0x0  }
0x12c: {  	[sflag:s0] =	ssyncadd.s32 @!p1 $0xFFFFE700;
	s0 =	simm.s32 $0x0  }
0x12d: {  	s12 =	simm.s32 $0x640;
	v2 =	vld [tilespmem:s0+$0x960]  }
0x12e: {  	s4 =	simm.s32 $0x400;
	v1 =	vld [tilespmem:s12+$0x0]  }
.LBB2_17:
0x12f: {  	p2 =	sne.s32 s4, $0x6000;
	v3 =	vld [tilespmem:s0+$0x970]  }
0x130: {  	v4 =	vld [tilespmem:s0+$0x980]  }
0x131: {  	v5 =	vld [tilespmem:s0+$0x990]  }
0x132: {  	v6 =	vld [tilespmem:s0+$0x9A0]  }
0x133: {  	v7 =	vbroadcast v1, $0x0;
	v8 =	vbroadcast v1, $0x1;
	v9 =	vld [tilespmem:s0+$0x9B0]  }
0x134: {  	v10 =	vbroadcast v1, $0x2;
	v11 =	vbroadcast v1, $0x3;
	v12 =	vld [tilespmem:s0+$0x9C0]  }
0x135: {  	v2 =	vmul.f32 v7, v2;
	v3 =	vmul.f32 v3, v8;
	v7 =	vld [tilespmem:s0+$0x9D0]  }
0x136: {  	v4 =	vmul.f32 v4, v10;
	v5 =	vmul.f32 v5, v11;
	v8 =	vld [tilespmem:s0+$0x9E0]  }
0x137: {  	v10 =	vbroadcast v1, $0x5;
	[tilespmem:s0+$0x3B60] =	vst v2;
	v2 =	vbroadcast v1, $0x4;
	v11 =	vld [tilespmem:s0+$0x9F0]  }
0x138: {  	v13 =	vbroadcast v1, $0x7;
	[tilespmem:s0+$0x3B70] =	vst v3;
	v3 =	vbroadcast v1, $0x6;
	v14 =	vld [tilespmem:s0+$0xA00]  }
0x139: {  	[tilespmem:s0+$0x3B80] =	vst v4;
	v2 =	vmul.f32 v6, v2;
	v4 =	vmul.f32 v9, v10;
	v6 =	vld [tilespmem:s0+$0xA10]  }
0x13a: {  	[tilespmem:s0+$0x3B90] =	vst v5;
	v3 =	vmul.f32 v12, v3;
	v5 =	vmul.f32 v7, v13;
	v7 =	vld [tilespmem:s0+$0xA20]  }
0x13b: {  	v9 =	vbroadcast v1, $0x9;
	[tilespmem:s0+$0x3BA0] =	vst v2;
	v2 =	vbroadcast v1, $0x8;
	v10 =	vld [tilespmem:s0+$0xA30]  }
0x13c: {  	v12 =	vbroadcast v1, $0xB;
	[tilespmem:s0+$0x3BB0] =	vst v4;
	v4 =	vbroadcast v1, $0xA;
	v13 =	vld [tilespmem:s0+$0xA40]  }
0x13d: {  	[tilespmem:s0+$0x3BC0] =	vst v3;
	v2 =	vmul.f32 v8, v2;
	v3 =	vmul.f32 v11, v9;
	v8 =	vld [tilespmem:s0+$0xA50]  }
0x13e: {  	[tilespmem:s0+$0x3BD0] =	vst v5;
	v4 =	vmul.f32 v14, v4;
	v5 =	vmul.f32 v6, v12  }
0x13f: {  	v6 =	vbroadcast v1, $0xD;
	[tilespmem:s0+$0x3BE0] =	vst v2;
	v2 =	vbroadcast v1, $0xC  }
0x140: {  	[tilespmem:s0+$0x3BF0] =	vst v3;
	v3 =	vbroadcast v1, $0xE;
	v1 =	vbroadcast v1, $0xF  }
0x141: {  	[tilespmem:s0+$0x3C00] =	vst v4;
	v2 =	vmul.f32 v7, v2;
	v4 =	vmul.f32 v10, v6  }
0x142: {  	[tilespmem:s0+$0x3C10] =	vst v5;
	v3 =	vmul.f32 v13, v3;
	v1 =	vmul.f32 v8, v1  }
.Ltmp11:
0x143: {  	[tilespmem:s0+$0x3C20] =	vst v2;
	(pc) =	sbr.rel @p2 .LBB2_17-.Ltmp11, $4  }
0x144: {  	[tilespmem:s0+$0x3C30] =	vst v4  }
0x145: {  	s18 =	sshra.s32 s4, $0x2;
	[tilespmem:s0+$0x3C40] =	vst v3  }
0x146: {  	s12 =	sadd.s32 $0x10, s12;
	v2 =	vld [tilespmem:s18+$0x960];
	[tilespmem:s0+$0x3C50] =	vst v1;
	s0 =	smov.u32 s18  }
0x147: {  	s4 =	sadd.s32 $0x400, s4;
	v1 =	vld [tilespmem:s12+$0x0]  }
0x148: {  	_ =	sdelay $0x1  }
0x149: {  	v3 =	vld [tilespmem:s0+$0x970]  }
0x14a: {  	v4 =	vld [tilespmem:s0+$0x980]  }
0x14b: {  	v5 =	vld [tilespmem:s0+$0x990];
	v7 =	vbroadcast v1, $0x0  }
0x14c: {  	v6 =	vld [tilespmem:s0+$0x9A0];
	v10 =	vbroadcast v1, $0x1  }
0x14d: {  	v8 =	vld [tilespmem:s0+$0x9B0];
	v12 =	vbroadcast v1, $0x2;
	v2 =	vmul.f32 v7, v2  }
0x14e: {  	v9 =	vld [tilespmem:s0+$0x9C0];
	v48 =	vbroadcast v1, $0x3;
	v3 =	vmul.f32 v3, v10  }
0x14f: {  	v47 =	vld [tilespmem:s0+$0x9D0];
	v49 =	vbroadcast v1, $0x4;
	v4 =	vmul.f32 v4, v12;
	[tilespmem:s0+$0x3B60] =	vst v2  }
0x150: {  	v54 =	vld [tilespmem:s0+$0xA30];
	v51 =	vbroadcast v1, $0x5;
	v5 =	vmul.f32 v5, v48;
	[tilespmem:s0+$0x3B70] =	vst v3  }
0x151: {  	v11 =	vld [tilespmem:s0+$0x9E0];
	v53 =	vbroadcast v1, $0x6;
	v6 =	vmul.f32 v6, v49;
	[tilespmem:s0+$0x3B80] =	vst v4  }
0x152: {  	v55 =	vbroadcast v1, $0x7;
	v8 =	vmul.f32 v8, v51;
	v2 =	vld [tilespmem:s0+$0x9F0];
	[tilespmem:s0+$0x3B90] =	vst v5  }
0x153: {  	v62 =	vbroadcast v1, $0xD;
	v9 =	vmul.f32 v9, v53;
	v3 =	vld [tilespmem:s0+$0xA00];
	[tilespmem:s0+$0x3BA0] =	vst v6  }
0x154: {  	v50 =	vld [tilespmem:s0+$0xA10];
	v56 =	vbroadcast v1, $0x8;
	v7 =	vmul.f32 v47, v55;
	[tilespmem:s0+$0x3BB0] =	vst v8  }
0x155: {  	v52 =	vld [tilespmem:s0+$0xA20];
	v58 =	vbroadcast v1, $0x9;
	v63 =	vmul.f32 v54, v62;
	[tilespmem:s0+$0x3BC0] =	vst v9  }
0x156: {  	v57 =	vld [tilespmem:s0+$0xA40];
	v59 =	vbroadcast v1, $0xA;
	v8 =	vmul.f32 v11, v56;
	[tilespmem:s0+$0x3BD0] =	vst v7  }
0x157: {  	v60 =	vld [tilespmem:s0+$0xA50];
	v13 =	vbroadcast v1, $0xB;
	[tilespmem:s0+$0x3C30] =	vst v63;
	v2 =	vmul.f32 v2, v58  }
0x158: {  	v61 =	vbroadcast v1, $0xC;
	[tilespmem:s0+$0x3BE0] =	vst v8;
	v3 =	vmul.f32 v3, v59  }
0x159: {  	v4 =	vmul.f32 v50, v13;
	[tilespmem:s0+$0x3BF0] =	vst v2;
	v2 =	vbroadcast v1, $0xE  }
0x15a: {  	s12 =	smul.u32 $0x320, s11;
	[tilespmem:s0+$0x3C00] =	vst v3;
	v3 =	vmul.f32 v52, v61;
	v1 =	vbroadcast v1, $0xF  }
0x15b: {  	[tilespmem:s0+$0x3C10] =	vst v4;
	v2 =	vmul.f32 v57, v2  }
0x15c: {  	s4 =	sadd.s32 s7, s12;
	[tilespmem:s0+$0x3C20] =	vst v3;
	v1 =	vmul.f32 v60, v1  }
0x15d: {  	s4 =	sshrl.u32 s4, $0x3;
	[tilespmem:s0+$0x3C40] =	vst v2  }
0x15e: {  	p2 =	sne.s32 s11, $0x7C;
	s19 =	sadd.s32 s1, s4;
	[tilespmem:s0+$0x3C50] =	vst v1  }
0x15f: {  	[tilespmem:s26], [sflag:$0x5] =	stream.linear.gather [hbm4b:s19+s5], $0x190, $0x38;
	[tilespmem:$0x1F460] =	vst v63  }
.Ltmp12:
0x160: {  	_ = 	snop;
	(pc) =	sbr.rel @p2 .LBB2_20-.Ltmp12, $4  }
0x161: {  	_ =	swait.ge [sflag:s17], $0x190  }
0x162: {  	[sflag:s17] =	ssyncset.done $0x0  }
0x163: {  	[sflag:s17] =	ssyncadd.s32 $0xFFFFFE70  }
0x164: {  	[spmem:s3] =	stream.indirect.scatter.add.f32 [tilespmem:s14], [sflag:$0x3], $0x10, s26, s20, $0xb8;
	[tilespmem:$0x1F460] =	vst v63  }
.Ltmp13:
0x165: {  	(pc) =	sbr.rel .LBB2_21-.Ltmp13, $4  }
0x166: {  	_ = 	snop  }
0x167: {  	_ =	swait.ge [sflag:s28], $0x1900  }
0x168: {  	[sflag:s28] =	ssyncset.done $0x0  }
0x169: {  	[sflag:s28] =	ssyncadd.s32 $0xFFFFE700  }
.LBB2_20:
0x16a: {  	s0 =	sadd.s32 s12, s15  }
0x16b: {  	s0 =	sshrl.u32 s0, $0x3  }
0x16c: {  	s4 =	sadd.s32 s6, s0  }
0x16d: {  	[tilespmem:s5], [sflag:$0x5] =	stream.linear.gather [hbm4b:s4+s5], $0x190, $0x38;
	[tilespmem:$0x1F460] =	vst v63  }
0x16e: {  	_ =	swait.ge [sflag:s17], $0x190  }
0x16f: {  	[sflag:s17] =	ssyncset.done $0x0  }
0x170: {  	s19 =	simm.s32 $0x640;
	s0 =	sadd.s32 s2, s0;
	[sflag:s17] =	ssyncadd.s32 $0xFFFFFE70  }
0x171: {  	[tilespmem:s19], [sflag:$0x5] =	stream.linear.gather [hbm4b:s0+s5], $0x190, $0x38;
	[tilespmem:$0x1F460] =	vst v63  }
0x172: {  	_ =	swait.ge [sflag:s17], $0x190  }
0x173: {  	[sflag:s17] =	ssyncset.done $0x0  }
.Ltmp14:
0x174: {  	[sflag:s17] =	ssyncadd.s32 $0xFFFFFE70;
	(pc) =	sbr.rel @p1 .LBB2_22-.Ltmp14, $4  }
0x175: {  	[tilespmem:s21], [sflag:$0x1] =	stream.indirect.gather [hbm4b:s9+s20], $0x10, s5, s20, $0xb8;
	[tilespmem:$0x1F460] =	vst v63  }
0x176: {  	_ =	swait.ge [sflag:s28], $0x1900  }
0x177: {  	[sflag:s28] =	ssyncset.done $0x0  }
0x178: {  	[sflag:s28] =	ssyncadd.s32 $0xFFFFE700  }
.LBB2_21:
0x179: {  	_ =	swait.ge [sflag:s29], $0x1900  }
0x17a: {  	[sflag:s29] =	ssyncset.done $0x0  }
0x17b: {  	[sflag:s29] =	ssyncadd.s32 $0xFFFFE700  }
.LBB2_22:
0x17c: {  	s0 =	simm.s32 $0x0  }
0x17d: {  	s18 =	simm.s32 $0x7D0;
	v2 =	vld [tilespmem:s0+$0x2260]  }
0x17e: {  	s4 =	simm.s32 $0x400;
	v1 =	vld [tilespmem:s18+$0x0]  }
.LBB2_23:
0x17f: {  	p1 =	sne.s32 s4, $0x6000;
	v3 =	vld [tilespmem:s0+$0x2270]  }
0x180: {  	v4 =	vld [tilespmem:s0+$0x2280]  }
0x181: {  	v5 =	vld [tilespmem:s0+$0x2290]  }
0x182: {  	v6 =	vld [tilespmem:s0+$0x22A0]  }
0x183: {  	v7 =	vbroadcast v1, $0x0;
	v8 =	vbroadcast v1, $0x1;
	v9 =	vld [tilespmem:s0+$0x22B0]  }
0x184: {  	v10 =	vbroadcast v1, $0x2;
	v11 =	vbroadcast v1, $0x3;
	v12 =	vld [tilespmem:s0+$0x22C0]  }
0x185: {  	v2 =	vmul.f32 v7, v2;
	v3 =	vmul.f32 v3, v8;
	v7 =	vld [tilespmem:s0+$0x22D0]  }
0x186: {  	v4 =	vmul.f32 v4, v10;
	v5 =	vmul.f32 v5, v11;
	v8 =	vld [tilespmem:s0+$0x22E0]  }
0x187: {  	v10 =	vbroadcast v1, $0x5;
	[tilespmem:s0+$0x5460] =	vst v2;
	v2 =	vbroadcast v1, $0x4;
	v11 =	vld [tilespmem:s0+$0x22F0]  }
0x188: {  	v13 =	vbroadcast v1, $0x7;
	[tilespmem:s0+$0x5470] =	vst v3;
	v3 =	vbroadcast v1, $0x6;
	v14 =	vld [tilespmem:s0+$0x2300]  }
0x189: {  	[tilespmem:s0+$0x5480] =	vst v4;
	v2 =	vmul.f32 v6, v2;
	v4 =	vmul.f32 v9, v10;
	v6 =	vld [tilespmem:s0+$0x2310]  }
0x18a: {  	[tilespmem:s0+$0x5490] =	vst v5;
	v3 =	vmul.f32 v12, v3;
	v5 =	vmul.f32 v7, v13;
	v7 =	vld [tilespmem:s0+$0x2320]  }
0x18b: {  	v9 =	vbroadcast v1, $0x9;
	[tilespmem:s0+$0x54A0] =	vst v2;
	v2 =	vbroadcast v1, $0x8;
	v10 =	vld [tilespmem:s0+$0x2330]  }
0x18c: {  	v12 =	vbroadcast v1, $0xB;
	[tilespmem:s0+$0x54B0] =	vst v4;
	v4 =	vbroadcast v1, $0xA;
	v13 =	vld [tilespmem:s0+$0x2340]  }
0x18d: {  	[tilespmem:s0+$0x54C0] =	vst v3;
	v2 =	vmul.f32 v8, v2;
	v3 =	vmul.f32 v11, v9;
	v8 =	vld [tilespmem:s0+$0x2350]  }
0x18e: {  	[tilespmem:s0+$0x54D0] =	vst v5;
	v4 =	vmul.f32 v14, v4;
	v5 =	vmul.f32 v6, v12  }
0x18f: {  	v6 =	vbroadcast v1, $0xD;
	[tilespmem:s0+$0x54E0] =	vst v2;
	v2 =	vbroadcast v1, $0xC  }
0x190: {  	[tilespmem:s0+$0x54F0] =	vst v3;
	v3 =	vbroadcast v1, $0xE;
	v1 =	vbroadcast v1, $0xF  }
0x191: {  	[tilespmem:s0+$0x5500] =	vst v4;
	v2 =	vmul.f32 v7, v2;
	v4 =	vmul.f32 v10, v6  }
0x192: {  	[tilespmem:s0+$0x5510] =	vst v5;
	v3 =	vmul.f32 v13, v3;
	v1 =	vmul.f32 v8, v1  }
.Ltmp15:
0x193: {  	[tilespmem:s0+$0x5520] =	vst v2;
	(pc) =	sbr.rel @p1 .LBB2_23-.Ltmp15, $4  }
0x194: {  	[tilespmem:s0+$0x5530] =	vst v4  }
0x195: {  	s19 =	sshra.s32 s4, $0x2;
	[tilespmem:s0+$0x5540] =	vst v3  }
0x196: {  	s18 =	sadd.s32 $0x10, s18;
	v2 =	vld [tilespmem:s19+$0x2260];
	[tilespmem:s0+$0x5550] =	vst v1;
	s0 =	smov.u32 s19  }
0x197: {  	s4 =	sadd.s32 $0x400, s4;
	v1 =	vld [tilespmem:s18+$0x0]  }
0x198: {  	_ =	sdelay $0x1  }
0x199: {  	v3 =	vld [tilespmem:s0+$0x2270]  }
0x19a: {  	v4 =	vld [tilespmem:s0+$0x2280]  }
0x19b: {  	v5 =	vld [tilespmem:s0+$0x2290];
	v7 =	vbroadcast v1, $0x0  }
0x19c: {  	v6 =	vld [tilespmem:s0+$0x22A0];
	v10 =	vbroadcast v1, $0x1  }
0x19d: {  	v8 =	vld [tilespmem:s0+$0x22B0];
	v12 =	vbroadcast v1, $0x2;
	v2 =	vmul.f32 v7, v2  }
0x19e: {  	v9 =	vld [tilespmem:s0+$0x22C0];
	v48 =	vbroadcast v1, $0x3;
	v3 =	vmul.f32 v3, v10  }
0x19f: {  	v47 =	vld [tilespmem:s0+$0x22D0];
	v49 =	vbroadcast v1, $0x4;
	v4 =	vmul.f32 v4, v12;
	[tilespmem:s0+$0x5460] =	vst v2  }
0x1a0: {  	v54 =	vld [tilespmem:s0+$0x2330];
	v51 =	vbroadcast v1, $0x5;
	v5 =	vmul.f32 v5, v48;
	[tilespmem:s0+$0x5470] =	vst v3  }
0x1a1: {  	v11 =	vld [tilespmem:s0+$0x22E0];
	v53 =	vbroadcast v1, $0x6;
	v6 =	vmul.f32 v6, v49;
	[tilespmem:s0+$0x5480] =	vst v4  }
0x1a2: {  	v55 =	vbroadcast v1, $0x7;
	v8 =	vmul.f32 v8, v51;
	v2 =	vld [tilespmem:s0+$0x22F0];
	[tilespmem:s0+$0x5490] =	vst v5  }
0x1a3: {  	v62 =	vbroadcast v1, $0xD;
	v9 =	vmul.f32 v9, v53;
	v3 =	vld [tilespmem:s0+$0x2300];
	[tilespmem:s0+$0x54A0] =	vst v6  }
0x1a4: {  	v50 =	vld [tilespmem:s0+$0x2310];
	v56 =	vbroadcast v1, $0x8;
	v7 =	vmul.f32 v47, v55;
	[tilespmem:s0+$0x54B0] =	vst v8  }
0x1a5: {  	v52 =	vld [tilespmem:s0+$0x2320];
	v58 =	vbroadcast v1, $0x9;
	v63 =	vmul.f32 v54, v62;
	[tilespmem:s0+$0x54C0] =	vst v9  }
0x1a6: {  	v57 =	vld [tilespmem:s0+$0x2340];
	v59 =	vbroadcast v1, $0xA;
	v8 =	vmul.f32 v11, v56;
	[tilespmem:s0+$0x54D0] =	vst v7  }
0x1a7: {  	v60 =	vld [tilespmem:s0+$0x2350];
	v13 =	vbroadcast v1, $0xB;
	[tilespmem:s0+$0x5530] =	vst v63;
	v2 =	vmul.f32 v2, v58  }
0x1a8: {  	v61 =	vbroadcast v1, $0xC;
	[tilespmem:s0+$0x54E0] =	vst v8;
	v3 =	vmul.f32 v3, v59  }
0x1a9: {  	v4 =	vmul.f32 v50, v13;
	[tilespmem:s0+$0x54F0] =	vst v2;
	v2 =	vbroadcast v1, $0xE  }
0x1aa: {  	[tilespmem:s0+$0x5500] =	vst v3;
	v3 =	vmul.f32 v52, v61;
	v1 =	vbroadcast v1, $0xF  }
0x1ab: {  	[tilespmem:s0+$0x5510] =	vst v4;
	v2 =	vmul.f32 v57, v2  }
0x1ac: {  	s4 =	sadd.s32 s12, s10;
	[tilespmem:s0+$0x5520] =	vst v3;
	v1 =	vmul.f32 v60, v1  }
0x1ad: {  	s4 =	sshrl.u32 s4, $0x3;
	[tilespmem:s0+$0x5540] =	vst v2  }
0x1ae: {  	p1 =	seq.s32 s11, $0x7C;
	s19 =	sadd.s32 s1, s4;
	[tilespmem:s0+$0x5550] =	vst v1  }
0x1af: {  	[tilespmem:s30], [sflag:$0x5] =	stream.linear.gather [hbm4b:s19+s5], $0x190, $0x38;
	[tilespmem:$0x1F460] =	vst v63  }
.Ltmp16:
0x1b0: {  	_ = 	snop;
	(pc) =	sbr.rel @p1 .LBB2_29-.Ltmp16, $4  }
0x1b1: {  	_ =	swait.ge [sflag:s17], $0x190  }
0x1b2: {  	[sflag:s17] =	ssyncset.done $0x0  }
0x1b3: {  	[sflag:s17] =	ssyncadd.s32 $0xFFFFFE70  }
0x1b4: {  	[spmem:s3] =	stream.indirect.scatter.add.f32 [tilespmem:s31], [sflag:$0x4], $0x10, s30, s20, $0xb8;
	[tilespmem:$0x1F460] =	vst v63  }
0x1b5: {  	s0 =	sadd.s32 s12, s16  }
0x1b6: {  	s0 =	sshrl.u32 s0, $0x3  }
0x1b7: {  	s4 =	sadd.s32 s6, s0  }
0x1b8: {  	[tilespmem:s20], [sflag:$0x5] =	stream.linear.gather [hbm4b:s4+s5], $0x190, $0x38;
	[tilespmem:$0x1F460] =	vst v63  }
0x1b9: {  	_ =	swait.ge [sflag:s17], $0x190  }
0x1ba: {  	[sflag:s17] =	ssyncset.done $0x0  }
0x1bb: {  	s0 =	sadd.s32 s2, s0;
	[sflag:s17] =	ssyncadd.s32 $0xFFFFFE70  }
0x1bc: {  	[tilespmem:s22], [sflag:$0x5] =	stream.linear.gather [hbm4b:s0+s5], $0x190, $0x38;
	[tilespmem:$0x1F460] =	vst v63  }
.Ltmp17:
0x1bd: {  	_ = 	snop;
	(pc) =	sbr.rel .LBB2_16-.Ltmp17, $4  }
0x1be: {  	_ =	swait.ge [sflag:s17], $0x190  }
0x1bf: {  	[sflag:s17] =	ssyncset.done $0x0  }
0x1c0: {  	s11 =	sadd.s32 $0x1, s11;
	[sflag:s17] =	ssyncadd.s32 $0xFFFFFE70  }
0x1c1: {  	[tilespmem:s24], [sflag:$0x2] =	stream.indirect.gather [hbm4b:s9+s20], $0x10, s20, s20, $0xb8;
	[tilespmem:$0x1F460] =	vst v63  }
.LBB2_26:
0x1c2: {  	s0 =	simm.s32 $0x3  }
0x1c3: {  	_ =	swait.ge [sflag:s0], $0x1900  }
0x1c4: {  	[sflag:s0] =	ssyncset.done $0x0  }
0x1c5: {  	[sflag:s0] =	ssyncadd.s32 $0xFFFFE700  }
0x1c6: {  	_ =	swait.ge [sflag:s29], $0x1900  }
0x1c7: {  	[sflag:s29] =	ssyncset.done $0x0  }
0x1c8: {  	[sflag:s29] =	ssyncadd.s32 $0xFFFFE700  }
0x1c9: {  	[bflag:$0x0] =	sbarrier.arrive $0xFFFF  }
0x1ca: {  	s12 =	rddreg [dreg:$0xb]  }
0x1cb: {  	[tilespmem:s14], [sflag:$0x5] =	stream.linear.gather [spmem:s12], $0x1870, $0x38;
	[tilespmem:$0x1F460] =	vst v63  }
0x1cc: {  	_ =	swait.ge [sflag:s17], $0x1870  }
0x1cd: {  	[sflag:s17] =	ssyncset.done $0x0  }
0x1ce: {  	s19 =	sadd.s32 $0x0, s23;
	[sflag:s17] =	ssyncadd.s32 $0xFFFFE790  }
0x1cf: {  	[hbm4b:s19+s5] =	stream.linear.scatter [tilespmem:s14], [sflag:$0x5], $0x1870, $0x38;
	[tilespmem:$0x1F460] =	vst v63  }
0x1d0: {  	_ =	swait.ge [sflag:s17], $0x1870  }
0x1d1: {  	s0 =	simm.s32 $0x30E;
	s4 =	smov.u32 s12;
	[sflag:s17] =	ssyncset.done $0x0  }
.LBB2_27:
0x1d2: {  	p1 =	seq.s32 s0, $0x2DD2;
	[sflag:s17] =	ssyncadd.s32 $0xFFFFE790;
	s4 =	sadd.s32 $0x1870, s4  }
0x1d3: {  	[tilespmem:s14], [sflag:$0x5] =	stream.linear.gather [spmem:s4], $0x1870, $0x38;
	[tilespmem:$0x1F460] =	vst v63  }
0x1d4: {  	s11 =	smov.u32 s0;
	s0 =	sadd.s32 $0x30E, s0;
	_ =	swait.ge [sflag:s17], $0x1870  }
.Ltmp18:
0x1d5: {  	[sflag:s17] =	ssyncset.done $0x0;
	(pc) =	sbr.rel @!p1 .LBB2_27-.Ltmp18, $4  }
0x1d6: {  	s11 =	sadd.s32 s11, s23;
	[sflag:s17] =	ssyncadd.s32 $0xFFFFE790  }
0x1d7: {  	[hbm4b:s11+s5] =	stream.linear.scatter [tilespmem:s14], [sflag:$0x5], $0x1870, $0x38;
	[tilespmem:$0x1F460] =	vst v63  }
0x1d8: {  	_ =	swait.ge [sflag:s17], $0x1870  }
0x1d9: {  	[sflag:s17] =	ssyncset.done $0x0  }
.Ltmp19:
0x1da: {  	(pc) =	sbr.rel .LBB2_32-.Ltmp19, $2  }
0x1db: {  	_ =	sdelay $0x2  }
0x1dc: {  	[sflag:s17] =	ssyncadd.s32 $0xFFFFE790;
	s4 =	rddreg [dreg:$0x1b]  }
.LBB2_29:
0x1dd: {  	s0 =	simm.s32 $0x3  }
0x1de: {  	_ =	swait.ge [sflag:s0], $0x1900  }
0x1df: {  	[sflag:s0] =	ssyncset.done $0x0  }
0x1e0: {  	[sflag:s0] =	ssyncadd.s32 $0xFFFFE700  }
0x1e1: {  	_ =	swait.ge [sflag:s29], $0x1900  }
0x1e2: {  	[sflag:s29] =	ssyncset.done $0x0  }
0x1e3: {  	[sflag:s29] =	ssyncadd.s32 $0xFFFFE700  }
0x1e4: {  	[bflag:$0x0] =	sbarrier.arrive $0xFFFF  }
0x1e5: {  	s12 =	rddreg [dreg:$0xb]  }
0x1e6: {  	[tilespmem:s14], [sflag:$0x5] =	stream.linear.gather [spmem:s12], $0x1870, $0x38;
	[tilespmem:$0x1F460] =	vst v63  }
0x1e7: {  	_ =	swait.ge [sflag:s17], $0x1870  }
0x1e8: {  	[sflag:s17] =	ssyncset.done $0x0  }
0x1e9: {  	s19 =	sadd.s32 $0x0, s13;
	[sflag:s17] =	ssyncadd.s32 $0xFFFFE790  }
0x1ea: {  	[hbm4b:s19+s5] =	stream.linear.scatter [tilespmem:s14], [sflag:$0x5], $0x1870, $0x38;
	[tilespmem:$0x1F460] =	vst v63  }
0x1eb: {  	_ =	swait.ge [sflag:s17], $0x1870  }
0x1ec: {  	s0 =	simm.s32 $0x30E;
	s4 =	smov.u32 s12;
	[sflag:s17] =	ssyncset.done $0x0  }
.LBB2_30:
0x1ed: {  	p1 =	sne.s32 s0, $0x2DD2;
	[sflag:s17] =	ssyncadd.s32 $0xFFFFE790;
	s4 =	sadd.s32 $0x1870, s4  }
0x1ee: {  	[tilespmem:s14], [sflag:$0x5] =	stream.linear.gather [spmem:s4], $0x1870, $0x38;
	[tilespmem:$0x1F460] =	vst v63  }
0x1ef: {  	s11 =	smov.u32 s0;
	s0 =	sadd.s32 $0x30E, s0;
	_ =	swait.ge [sflag:s17], $0x1870  }
.Ltmp20:
0x1f0: {  	[sflag:s17] =	ssyncset.done $0x0;
	(pc) =	sbr.rel @p1 .LBB2_30-.Ltmp20, $4  }
0x1f1: {  	s11 =	sadd.s32 s11, s13;
	[sflag:s17] =	ssyncadd.s32 $0xFFFFE790  }
0x1f2: {  	[hbm4b:s11+s5] =	stream.linear.scatter [tilespmem:s14], [sflag:$0x5], $0x1870, $0x38;
	[tilespmem:$0x1F460] =	vst v63  }
0x1f3: {  	_ =	swait.ge [sflag:s17], $0x1870  }
0x1f4: {  	[sflag:s17] =	ssyncset.done $0x0  }
.Ltmp21:
0x1f5: {  	(pc) =	sbr.rel .LBB2_32-.Ltmp21, $2  }
0x1f6: {  	_ =	sdelay $0x2  }
0x1f7: {  	[sflag:s17] =	ssyncadd.s32 $0xFFFFE790;
	s4 =	rddreg [dreg:$0x1b]  }
.LBB2_33:
0x1f8: {  	_ =	sfence.sel $0x180000  }
0x1f9: {  	[bflag:$0x0] =	sbarrier.arrive $0xFFFF  }
0x1fa: {  	_ =	strace $0x9000004A  }
0x1fb: {  	s0 =	stileid.u32;
	[bflag:$0x2] =	sbarrier.arrive $0xFFFF  }
0x1fc: {  	p0 =	sne.s32 s0, $0x0;
	s0 =	rddreg [dreg:$0x5]  }
0x1fd: {  	s0 =	sadd.s32 @!p0 $0x100000, s0  }
0x1fe: {  	[sflag:s0] =	ssyncadd.tile.s32 @!p0 $0x1;
	_ =	shalt  }
.Lfunc_end2:
_tile_overlayer_lowered:
.L_overlay_start_2:
0x1ff: {  	(tag) =	ssettag $0x2  }
0x200: {  	s0 =	rddreg [dreg:$0x0];
	s2 =	stileid.u32  }
0x201: {  	s1 =	rddreg [dreg:$0x1];
	p0 =	sne.s32 s2, $0x0  }
0x202: {  	s3 =	rddreg [dreg:$0x2];
	[bflag:$0x3] =	sbarrier.arrive $0xFFFF;
	s2 =	simm.s32 @!p0 $0x1C05  }
0x203: {  	[timem:s3], [sflag:s2] =	dma.local @!p0 [hbm:s0], s1  }
0x204: {  	s0 =	simm.s32 @!p0 $0x5  }
0x205: {  	_ =	swait.ge @!p0 [sflag:s0], s1  }
0x206: {  	s1 =	ssub.s32 @!p0 $0x0, s1;
	[sflag:s0] =	ssyncset.done @!p0 $0x0  }
0x207: {  	[sflag:s0] =	ssyncadd.s32 @!p0 s1  }
0x208: {  	[bflag:$0x3] =	sbarrier.arrive $0xFFFF  }
0x209: {  	_ =	shalt  }

</sc_bundles>
